<compile_context>
chip_gen: v7x
topology: tpu7x:2x2x1
jax: 0.10.2.dev20260603
libtpu: 0.0.44.dev20260713+nightly
codegen_flags: <defaults>
</compile_context>

<pallas_src>
import functools

import jax
import jax.numpy as jnp
from jax import lax
from jax.experimental import pallas as pl
from jax.experimental.pallas import tpu as pltpu
from jax.experimental.pallas import tpu_sc as plsc

B, A, D = 16, 512, 1024
B_SC = 8
B_TC = B - B_SC
NW = 32
BLK = 8 * D
BPB = 3 * (A // 8)
BPW = B_SC * BPB // NW
CHB = 6
NCH = BPW // CHB
OUTW = BPW * 8
GROUPS = D // 16


def _sc_body(der_hbm, x_hbm, out_hbm, buf0, buf1, xv, outv, sem0, sem1):
    c = lax.axis_index("c")
    s = lax.axis_index("s")
    wid = s * 2 + c
    base = wid * BPW * BLK
    b = wid // (NW // B_SC)

    pltpu.sync_copy(x_hbm.at[b], xv)

    iota = lax.iota(jnp.int32, 16)
    bufs = (buf0, buf1)
    sems = (sem0, sem1)

    def src(ci):
        return der_hbm.at[pl.ds(base + ci * (CHB * BLK), CHB * BLK)]

    pltpu.make_async_copy(src(0), buf0, sem0).start()
    pltpu.make_async_copy(src(1), buf1, sem1).start()

    zero = jnp.zeros((16,), jnp.float32)

    def compute_chunk(ci, buf):
        for pair in range(CHB // 2):
            boff = pair * (2 * BLK)

            def g_body(t, accs):
                xvg = xv[pl.ds(t * 16, 16)]
                off = boff + (t >> 3) * 1024 + ((t & 7) << 4)
                return tuple(
                    accs[r] + buf[pl.ds(off + (r >> 3) * BLK + (r & 7) * 128, 16)] * xvg
                    for r in range(16)
                )

            accs = lax.fori_loop(0, GROUPS, g_body, (zero,) * 16)
            vec = zero
            for r in range(16):
                sm = jnp.sum(accs[r])
                vec = jnp.where(iota == r, sm * sm, vec)
            obase = (ci * CHB + pair * 2) * 8
            plsc.store_scatter(outv, [obase + iota], vec)

    def pair_body(cj, carry):
        for p in range(2):
            ci = cj * 2 + p
            pltpu.make_async_copy(src(ci), bufs[p], sems[p]).wait()
            compute_chunk(ci, bufs[p])
            nxt = ci + 2

            @pl.when(nxt < NCH)
            def _():
                pltpu.make_async_copy(src(nxt), bufs[p], sems[p]).start()

        return carry

    lax.fori_loop(0, NCH // 2, pair_body, 0)

    pltpu.sync_copy(outv, out_hbm.at[pl.ds(wid * OUTW, OUTW)])


@functools.partial(
    pl.kernel,
    out_type=jax.ShapeDtypeStruct((B_SC * 3 * A,), jnp.float32),
    mesh=plsc.VectorSubcoreMesh(
        core_axis_name="c", subcore_axis_name="s", num_cores=2, num_subcores=16
    ),
    scratch_types=[
        pltpu.VMEM((CHB * BLK,), jnp.float32),
        pltpu.VMEM((CHB * BLK,), jnp.float32),
        pltpu.VMEM((D,), jnp.float32),
        pltpu.VMEM((OUTW,), jnp.float32),
        pltpu.SemaphoreType.DMA,
        pltpu.SemaphoreType.DMA,
    ],
    compiler_params=pltpu.CompilerParams(
        use_tc_tiling_on_sc=False, needs_layout_passes=False
    ),
)
def _sc_kernel(der_hbm, x_hbm, out_hbm, buf0, buf1, xv, outv, sem0, sem1):
    _sc_body(der_hbm, x_hbm, out_hbm, buf0, buf1, xv, outv, sem0, sem1)


def _tc_body(der_ref, x_ref, out_ref):
    blk = der_ref[0, 0]
    xb = x_ref[0]
    sm = jnp.sum(blk * xb, axis=1)
    sq = (sm * sm).reshape(1, A)
    out_ref[0, 0] = jnp.concatenate([sq, jnp.zeros((7, A), jnp.float32)], axis=0)


_tc_kernel = pl.pallas_call(
    _tc_body,
    grid=(B_TC, 3),
    in_specs=[
        pl.BlockSpec((1, 1, A, D), lambda i, k: (B_SC + i, k, 0, 0)),
        pl.BlockSpec((1, 1, D), lambda i, k: (B_SC + i, 0, 0)),
    ],
    out_specs=pl.BlockSpec((1, 1, 8, A), lambda i, k: (i, k, 0, 0)),
    out_shape=jax.ShapeDtypeStruct((B_TC, 3, 8, A), jnp.float32),
)


def kernel(x, der_desc_wrt_pos):
    der4 = der_desc_wrt_pos.transpose(0, 3, 1, 2)
    der_flat = (
        der4.reshape(B * 3 * A // 8, 8, D // 128, 128)
        .transpose(0, 2, 1, 3)
        .reshape(-1)
    )
    sc_part = _sc_kernel(der_flat, x)
    tc_part = _tc_kernel(der4, x.reshape(B, 1, D))
    out_phys = jnp.concatenate(
        [sc_part.reshape(B_SC, 3, A), tc_part[:, :, 0, :]], axis=0
    )
    return out_phys.transpose(0, 2, 1).reshape(B, A * 3)

# --- scband reference (transcript-rebuilt; emitter-appended) ---
"""Pipeline reference for scband-smart-derivatives-25683904430509 (READ-ONLY COPY).

The authoritative reference and input builder live on the scoring server;
editing this copy changes nothing except your own understanding.
"""

import jax, jax.numpy as jnp
import numpy as np

B, A, D = 16, 512, 1024


def setup_inputs(seed: int = 0) -> dict:
    key = jax.random.key(seed)
    k1, k2 = jax.random.split(key)
    x = jax.random.normal(k1, (B, D), dtype=jnp.float32)
    der_desc_wrt_pos = jax.random.normal(k2, (B, A, D, 3), dtype=jnp.float32)
    return {"x": x, "der_desc_wrt_pos": der_desc_wrt_pos}


def _setup_left(der):
    # der is dense (randn), so every element is nonzero.
    # torch.nonzero on a dense tensor enumerates all elements in row-major
    # (lexicographic) order, which is exactly arange decomposition.
    B_, A_, D_, three = der.shape
    left = der.ravel()
    n = B_ * A_ * D_ * three
    flat = jnp.arange(n, dtype=jnp.int32)
    dim_ind = flat % 3
    des_ind = (flat // 3) % D_
    atom_ind = (flat // (3 * D_)) % A_
    batch_ind = flat // (3 * D_ * A_)
    # faithful _get_scatter_indices
    not_shifted = atom_ind * 3 + dim_ind
    batch_elements = jax.ops.segment_sum(jnp.ones_like(batch_ind), batch_ind, num_segments=B_)
    batch_elements = batch_elements.at[0].add(-1)
    # batch_pointers[i] = sum(batch_elements[:i])  (exclusive cumsum)
    batch_pointers = jnp.concatenate([jnp.zeros((1,), dtype=batch_elements.dtype), jnp.cumsum(batch_elements)[:-1]])
    markers = not_shifted[batch_pointers]
    # cumulative_markers[i] = sum(markers[:i+1]) + unique(batch_ind)[i]
    cumulative_markers = jnp.cumsum(markers) + jnp.arange(B_, dtype=markers.dtype)
    batch_shift = cumulative_markers[batch_ind]
    scatter_indeces = not_shifted + batch_shift
    return left, batch_ind, des_ind, scatter_indeces


def reference(x, der_desc_wrt_pos):
    left, batch_ind, des_ind, scatter_indeces = _setup_left(der_desc_wrt_pos)
    # _create_right: gather dq/ddesc per nonzero element
    right = x[batch_ind, des_ind]
    src = left * right
    # _compute_square_modulus: scatter-add then square
    out = jax.ops.segment_sum(src, scatter_indeces, num_segments=B * A * 3)
    out = out ** 2
    out = out.reshape((B, A * 3))
    return out

if __name__ == "__main__":
    import jax
    _d = setup_inputs()
    print(jax.jit(kernel)(*tuple(_d.values())))

</pallas_src>

<mosaic_0001>
#map = affine_map<(d0, d1) -> (0)>
#map1 = affine_map<(d0, d1) -> (0, 0)>
module attributes {stable_mosaic.version = 14 : i64} {
  func.func @_sc_kernel(%arg0: i32, %arg1: i32, %arg2: memref<25165824xf32, #tpu.memory_space<hbm>>, %arg3: memref<16x1024xf32, #tpu.memory_space<hbm>>, %arg4: memref<12288xf32, #tpu.memory_space<hbm>>, %arg5: memref<49152xf32, #tpu.memory_space<vmem>>, %arg6: memref<49152xf32, #tpu.memory_space<vmem>>, %arg7: memref<1024xf32, #tpu.memory_space<vmem>>, %arg8: memref<384xf32, #tpu.memory_space<vmem>>, %arg9: memref<!tpu.dma_semaphore, #tpu.memory_space<semaphore_mem>>, %arg10: memref<!tpu.dma_semaphore, #tpu.memory_space<semaphore_mem>>) attributes {dimension_semantics = [#tpu.dimension_semantics<core_parallel>, #tpu.dimension_semantics<subcore_parallel>], iteration_bounds = array<i64: 2, 16>, scalar_prefetch = 0 : i64, scratch_operands = 6 : i64, tpu.core_type = #tpu.core_type<sc_vector_subcore>, window_params = [{transform_indices = #map}, {transform_indices = #map1}, {transform_indices = #map}]} {
    %mul3A = arith.constant 2 : i32
    %mul3A_0 = arith.muli %arg1, %mul3A : i32
    %add3A = arith.addi %mul3A_0, %arg0 : i32
    %mul3A_1 = arith.constant 48 : i32
    %mul3A_2 = arith.muli %add3A, %mul3A_1 : i32
    %mul3A_3 = arith.constant 8192 : i32
    %mul3A_4 = arith.muli %mul3A_2, %mul3A_3 : i32
    %jit3A = arith.constant 4 : i32
    %div3A = arith.divsi %add3A, %jit3A : i32
    %sign3A = arith.constant 0 : i32
    %sign3A_5 = arith.cmpi sgt, %add3A, %sign3A : i32
    %sign3A_6 = arith.extui %sign3A_5 : i1 to i32
    %sign3A_7 = arith.constant 0 : i32
    %sign3A_8 = arith.cmpi slt, %add3A, %sign3A_7 : i32
    %sign3A_9 = arith.extui %sign3A_8 : i1 to i32
    %sign3A_10 = arith.subi %sign3A_6, %sign3A_9 : i32
    %sign3A_11 = arith.constant 0 : i32
    %sign3A_12 = arith.cmpi sgt, %jit3A, %sign3A_11 : i32
    %sign3A_13 = arith.extui %sign3A_12 : i1 to i32
    %sign3A_14 = arith.constant 0 : i32
    %sign3A_15 = arith.cmpi slt, %jit3A, %sign3A_14 : i32
    %sign3A_16 = arith.extui %sign3A_15 : i1 to i32
    %sign3A_17 = arith.subi %sign3A_13, %sign3A_16 : i32
    %ne3A = arith.cmpi ne, %sign3A_10, %sign3A_17 : i32
    %rem3A = arith.remsi %add3A, %jit3A : i32
    %ne3A_18 = arith.constant 0 : i32
    %ne3A_19 = arith.cmpi ne, %rem3A, %ne3A_18 : i32
    %and3A = arith.andi %ne3A, %ne3A_19 : i1
    %sub3A = arith.constant 1 : i32
    %sub3A_20 = arith.subi %div3A, %sub3A : i32
    %select_n3A = arith.select %and3A, %sub3A_20, %div3A : i32
    "tpu.region"() ({
      %run_scoped3A = tpu.sem_alloc : memref<!tpu.dma_semaphore, #tpu.memory_space<semaphore_mem>>
      %dma_start3A_36 = arith.constant 0 : i32
      %dma_start3A_37 = tpu.memref_slice %arg3[%select_n3A, %dma_start3A_36] : memref<16x1024xf32, #tpu.memory_space<hbm>> -> memref<1x1024xf32, #tpu.memory_space<hbm>>
      %dma_start3A_38 = tpu.memref_squeeze %dma_start3A_37 : memref<1x1024xf32, #tpu.memory_space<hbm>> -> memref<1024xf32, #tpu.memory_space<hbm>>
      %dma_start3A_39 = arith.constant 0 : i32
      %dma_start3A_40 = tpu.memref_slice %arg3[%select_n3A, %dma_start3A_39] : memref<16x1024xf32, #tpu.memory_space<hbm>> -> memref<1x1024xf32, #tpu.memory_space<hbm>>
      %dma_start3A_41 = tpu.memref_squeeze %dma_start3A_40 : memref<1x1024xf32, #tpu.memory_space<hbm>> -> memref<1024xf32, #tpu.memory_space<hbm>>
      tpu.enqueue_dma source(%dma_start3A_41 : memref<1024xf32, #tpu.memory_space<hbm>>) target(%arg7 : memref<1024xf32, #tpu.memory_space<vmem>>) target_semaphore(%run_scoped3A : memref<!tpu.dma_semaphore, #tpu.memory_space<semaphore_mem>>)
      %dma_wait3A = arith.constant 0 : i32
      %dma_wait3A_42 = tpu.memref_slice %arg3[%select_n3A, %dma_wait3A] : memref<16x1024xf32, #tpu.memory_space<hbm>> -> memref<1x1024xf32, #tpu.memory_space<hbm>>
      %dma_wait3A_43 = tpu.memref_squeeze %dma_wait3A_42 : memref<1x1024xf32, #tpu.memory_space<hbm>> -> memref<1024xf32, #tpu.memory_space<hbm>>
      %dma_wait3A_44 = arith.constant 0 : i32
      %dma_wait3A_45 = tpu.memref_slice %arg3[%select_n3A, %dma_wait3A_44] : memref<16x1024xf32, #tpu.memory_space<hbm>> -> memref<1x1024xf32, #tpu.memory_space<hbm>>
      %dma_wait3A_46 = tpu.memref_squeeze %dma_wait3A_45 : memref<1x1024xf32, #tpu.memory_space<hbm>> -> memref<1024xf32, #tpu.memory_space<hbm>>
      tpu.wait_dma2 semaphore(%run_scoped3A : memref<!tpu.dma_semaphore, #tpu.memory_space<semaphore_mem>>) src(%dma_wait3A_46 : memref<1024xf32, #tpu.memory_space<hbm>>) dst(%arg7 : memref<1024xf32, #tpu.memory_space<vmem>>)
      tpu.yield
    }) : () -> ()
    %iota3A = tpu.iota {dimensions = array<i32: 0>} : vector<16xi32>
    %add3A_21 = arith.constant 0 : i32
    %add3A_22 = arith.addi %mul3A_4, %add3A_21 : i32
    %dma_start3A = tpu.memref_slice %arg2[%add3A_22] : memref<25165824xf32, #tpu.memory_space<hbm>> -> memref<49152xf32, #tpu.memory_space<hbm>>
    %dma_start3A_23 = tpu.memref_slice %arg2[%add3A_22] : memref<25165824xf32, #tpu.memory_space<hbm>> -> memref<49152xf32, #tpu.memory_space<hbm>>
    tpu.enqueue_dma source(%dma_start3A_23 : memref<49152xf32, #tpu.memory_space<hbm>>) target(%arg5 : memref<49152xf32, #tpu.memory_space<vmem>>) target_semaphore(%arg9 : memref<!tpu.dma_semaphore, #tpu.memory_space<semaphore_mem>>)
    %add3A_24 = arith.constant 49152 : i32
    %add3A_25 = arith.addi %mul3A_4, %add3A_24 : i32
    %dma_start3A_26 = tpu.memref_slice %arg2[%add3A_25] : memref<25165824xf32, #tpu.memory_space<hbm>> -> memref<49152xf32, #tpu.memory_space<hbm>>
    %dma_start3A_27 = tpu.memref_slice %arg2[%add3A_25] : memref<25165824xf32, #tpu.memory_space<hbm>> -> memref<49152xf32, #tpu.memory_space<hbm>>
    tpu.enqueue_dma source(%dma_start3A_27 : memref<49152xf32, #tpu.memory_space<hbm>>) target(%arg6 : memref<49152xf32, #tpu.memory_space<vmem>>) target_semaphore(%arg10 : memref<!tpu.dma_semaphore, #tpu.memory_space<semaphore_mem>>)
    %broadcast_in_dim3A = arith.constant 0.000000e+00 : f32
    %broadcast_in_dim3A_28 = vector.broadcast %broadcast_in_dim3A : f32 to vector<16xf32>
    %scan3A = arith.constant 0 : i32
    %scan3A_29 = arith.constant 0 : i32
    %scan3A_30 = arith.constant 4 : i32
    %scan3A_31 = arith.addi %scan3A_29, %scan3A_30 : i32
    %scan3A_32 = arith.constant 1 : i32
    scf.for %scan3A_36 = %scan3A_29 to %scan3A_31 step %scan3A_32  : i32 {
      %mul3A_37 = arith.constant 2 : i32
      %mul3A_38 = arith.muli %scan3A_36, %mul3A_37 : i32
      %add3A_39 = arith.constant 0 : i32
      %add3A_40 = arith.addi %mul3A_38, %add3A_39 : i32
      %mul3A_41 = arith.constant 49152 : i32
      %mul3A_42 = arith.muli %add3A_40, %mul3A_41 : i32
      %add3A_43 = arith.addi %mul3A_4, %mul3A_42 : i32
      %dma_wait3A = tpu.memref_slice %arg2[%add3A_43] : memref<25165824xf32, #tpu.memory_space<hbm>> -> memref<49152xf32, #tpu.memory_space<hbm>>
      %dma_wait3A_44 = tpu.memref_slice %arg2[%add3A_43] : memref<25165824xf32, #tpu.memory_space<hbm>> -> memref<49152xf32, #tpu.memory_space<hbm>>
      tpu.wait_dma2 semaphore(%arg9 : memref<!tpu.dma_semaphore, #tpu.memory_space<semaphore_mem>>) src(%dma_wait3A_44 : memref<49152xf32, #tpu.memory_space<hbm>>) dst(%arg5 : memref<49152xf32, #tpu.memory_space<vmem>>)
      %scan3A_45 = arith.constant 0 : i32
      %scan3A_46 = arith.constant 64 : i32
      %scan3A_47 = arith.addi %scan3A_45, %scan3A_46 : i32
      %scan3A_48 = arith.constant 1 : i32
      %scan3A_49:16 = scf.for %scan3A_1107 = %scan3A_45 to %scan3A_47 step %scan3A_48 iter_args(%scan3A_1108 = %broadcast_in_dim3A_28, %scan3A_1109 = %broadcast_in_dim3A_28, %scan3A_1110 = %broadcast_in_dim3A_28, %scan3A_1111 = %broadcast_in_dim3A_28, %scan3A_1112 = %broadcast_in_dim3A_28, %scan3A_1113 = %broadcast_in_dim3A_28, %scan3A_1114 = %broadcast_in_dim3A_28, %scan3A_1115 = %broadcast_in_dim3A_28, %scan3A_1116 = %broadcast_in_dim3A_28, %scan3A_1117 = %broadcast_in_dim3A_28, %scan3A_1118 = %broadcast_in_dim3A_28, %scan3A_1119 = %broadcast_in_dim3A_28, %scan3A_1120 = %broadcast_in_dim3A_28, %scan3A_1121 = %broadcast_in_dim3A_28, %scan3A_1122 = %broadcast_in_dim3A_28, %scan3A_1123 = %broadcast_in_dim3A_28) -> (vector<16xf32>, vector<16xf32>, vector<16xf32>, vector<16xf32>, vector<16xf32>, vector<16xf32>, vector<16xf32>, vector<16xf32>, vector<16xf32>, vector<16xf32>, vector<16xf32>, vector<16xf32>, vector<16xf32>, vector<16xf32>, vector<16xf32>, vector<16xf32>)  : i32 {
        %mul3A_1124 = arith.constant 16 : i32
        %mul3A_1125 = arith.muli %scan3A_1107, %mul3A_1124 : i32
        %get3A = arith.index_cast %mul3A_1125 : i32 to index
        %get3A_1126 = tpu.vector_load %arg7[%get3A] {strides = array<i32>} : memref<1024xf32, #tpu.memory_space<vmem>>, vector<16xf32>,
        %shift_right_arithmetic3A = arith.constant 3 : i32
        %shift_right_arithmetic3A_1127 = arith.shrsi %scan3A_1107, %shift_right_arithmetic3A : i32
        %mul3A_1128 = arith.constant 1024 : i32
        %mul3A_1129 = arith.muli %shift_right_arithmetic3A_1127, %mul3A_1128 : i32
        %add3A_1130 = arith.constant 0 : i32
        %add3A_1131 = arith.addi %add3A_1130, %mul3A_1129 : i32
        %and3A_1132 = arith.constant 7 : i32
        %and3A_1133 = arith.andi %scan3A_1107, %and3A_1132 : i32
        %shift_left3A = arith.constant 4 : i32
        %shift_left3A_1134 = arith.shli %and3A_1133, %shift_left3A : i32
        %add3A_1135 = arith.addi %add3A_1131, %shift_left3A_1134 : i32
        %add3A_1136 = arith.constant 0 : i32
        %add3A_1137 = arith.addi %add3A_1135, %add3A_1136 : i32
        %add3A_1138 = arith.constant 0 : i32
        %add3A_1139 = arith.addi %add3A_1137, %add3A_1138 : i32
        %get3A_1140 = arith.index_cast %add3A_1139 : i32 to index
        %get3A_1141 = tpu.vector_load %arg5[%get3A_1140] {strides = array<i32>} : memref<49152xf32, #tpu.memory_space<vmem>>, vector<16xf32>,
        %mul3A_1142 = arith.mulf %get3A_1141, %get3A_1126 : vector<16xf32>
        %add3A_1143 = arith.addf %scan3A_1108, %mul3A_1142 : vector<16xf32>
        %add3A_1144 = arith.constant 0 : i32
        %add3A_1145 = arith.addi %add3A_1135, %add3A_1144 : i32
        %add3A_1146 = arith.constant 128 : i32
        %add3A_1147 = arith.addi %add3A_1145, %add3A_1146 : i32
        %get3A_1148 = arith.index_cast %add3A_1147 : i32 to index
        %get3A_1149 = tpu.vector_load %arg5[%get3A_1148] {strides = array<i32>} : memref<49152xf32, #tpu.memory_space<vmem>>, vector<16xf32>,
        %mul3A_1150 = arith.mulf %get3A_1149, %get3A_1126 : vector<16xf32>
        %add3A_1151 = arith.addf %scan3A_1109, %mul3A_1150 : vector<16xf32>
        %add3A_1152 = arith.constant 0 : i32
        %add3A_1153 = arith.addi %add3A_1135, %add3A_1152 : i32
        %add3A_1154 = arith.constant 256 : i32
        %add3A_1155 = arith.addi %add3A_1153, %add3A_1154 : i32
        %get3A_1156 = arith.index_cast %add3A_1155 : i32 to index
        %get3A_1157 = tpu.vector_load %arg5[%get3A_1156] {strides = array<i32>} : memref<49152xf32, #tpu.memory_space<vmem>>, vector<16xf32>,
        %mul3A_1158 = arith.mulf %get3A_1157, %get3A_1126 : vector<16xf32>
        %add3A_1159 = arith.addf %scan3A_1110, %mul3A_1158 : vector<16xf32>
        %add3A_1160 = arith.constant 0 : i32
        %add3A_1161 = arith.addi %add3A_1135, %add3A_1160 : i32
        %add3A_1162 = arith.constant 384 : i32
        %add3A_1163 = arith.addi %add3A_1161, %add3A_1162 : i32
        %get3A_1164 = arith.index_cast %add3A_1163 : i32 to index
        %get3A_1165 = tpu.vector_load %arg5[%get3A_1164] {strides = array<i32>} : memref<49152xf32, #tpu.memory_space<vmem>>, vector<16xf32>,
        %mul3A_1166 = arith.mulf %get3A_1165, %get3A_1126 : vector<16xf32>
        %add3A_1167 = arith.addf %scan3A_1111, %mul3A_1166 : vector<16xf32>
        %add3A_1168 = arith.constant 0 : i32
        %add3A_1169 = arith.addi %add3A_1135, %add3A_1168 : i32
        %add3A_1170 = arith.constant 512 : i32
        %add3A_1171 = arith.addi %add3A_1169, %add3A_1170 : i32
        %get3A_1172 = arith.index_cast %add3A_1171 : i32 to index
        %get3A_1173 = tpu.vector_load %arg5[%get3A_1172] {strides = array<i32>} : memref<49152xf32, #tpu.memory_space<vmem>>, vector<16xf32>,
        %mul3A_1174 = arith.mulf %get3A_1173, %get3A_1126 : vector<16xf32>
        %add3A_1175 = arith.addf %scan3A_1112, %mul3A_1174 : vector<16xf32>
        %add3A_1176 = arith.constant 0 : i32
        %add3A_1177 = arith.addi %add3A_1135, %add3A_1176 : i32
        %add3A_1178 = arith.constant 640 : i32
        %add3A_1179 = arith.addi %add3A_1177, %add3A_1178 : i32
        %get3A_1180 = arith.index_cast %add3A_1179 : i32 to index
        %get3A_1181 = tpu.vector_load %arg5[%get3A_1180] {strides = array<i32>} : memref<49152xf32, #tpu.memory_space<vmem>>, vector<16xf32>,
        %mul3A_1182 = arith.mulf %get3A_1181, %get3A_1126 : vector<16xf32>
        %add3A_1183 = arith.addf %scan3A_1113, %mul3A_1182 : vector<16xf32>
        %add3A_1184 = arith.constant 0 : i32
        %add3A_1185 = arith.addi %add3A_1135, %add3A_1184 : i32
        %add3A_1186 = arith.constant 768 : i32
        %add3A_1187 = arith.addi %add3A_1185, %add3A_1186 : i32
        %get3A_1188 = arith.index_cast %add3A_1187 : i32 to index
        %get3A_1189 = tpu.vector_load %arg5[%get3A_1188] {strides = array<i32>} : memref<49152xf32, #tpu.memory_space<vmem>>, vector<16xf32>,
        %mul3A_1190 = arith.mulf %get3A_1189, %get3A_1126 : vector<16xf32>
        %add3A_1191 = arith.addf %scan3A_1114, %mul3A_1190 : vector<16xf32>
        %add3A_1192 = arith.constant 0 : i32
        %add3A_1193 = arith.addi %add3A_1135, %add3A_1192 : i32
        %add3A_1194 = arith.constant 896 : i32
        %add3A_1195 = arith.addi %add3A_1193, %add3A_1194 : i32
        %get3A_1196 = arith.index_cast %add3A_1195 : i32 to index
        %get3A_1197 = tpu.vector_load %arg5[%get3A_1196] {strides = array<i32>} : memref<49152xf32, #tpu.memory_space<vmem>>, vector<16xf32>,
        %mul3A_1198 = arith.mulf %get3A_1197, %get3A_1126 : vector<16xf32>
        %add3A_1199 = arith.addf %scan3A_1115, %mul3A_1198 : vector<16xf32>
        %add3A_1200 = arith.constant 8192 : i32
        %add3A_1201 = arith.addi %add3A_1135, %add3A_1200 : i32
        %add3A_1202 = arith.constant 0 : i32
        %add3A_1203 = arith.addi %add3A_1201, %add3A_1202 : i32
        %get3A_1204 = arith.index_cast %add3A_1203 : i32 to index
        %get3A_1205 = tpu.vector_load %arg5[%get3A_1204] {strides = array<i32>} : memref<49152xf32, #tpu.memory_space<vmem>>, vector<16xf32>,
        %mul3A_1206 = arith.mulf %get3A_1205, %get3A_1126 : vector<16xf32>
        %add3A_1207 = arith.addf %scan3A_1116, %mul3A_1206 : vector<16xf32>
        %add3A_1208 = arith.constant 8192 : i32
        %add3A_1209 = arith.addi %add3A_1135, %add3A_1208 : i32
        %add3A_1210 = arith.constant 128 : i32
        %add3A_1211 = arith.addi %add3A_1209, %add3A_1210 : i32
        %get3A_1212 = arith.index_cast %add3A_1211 : i32 to index
        %get3A_1213 = tpu.vector_load %arg5[%get3A_1212] {strides = array<i32>} : memref<49152xf32, #tpu.memory_space<vmem>>, vector<16xf32>,
        %mul3A_1214 = arith.mulf %get3A_1213, %get3A_1126 : vector<16xf32>
        %add3A_1215 = arith.addf %scan3A_1117, %mul3A_1214 : vector<16xf32>
        %add3A_1216 = arith.constant 8192 : i32
        %add3A_1217 = arith.addi %add3A_1135, %add3A_1216 : i32
        %add3A_1218 = arith.constant 256 : i32
        %add3A_1219 = arith.addi %add3A_1217, %add3A_1218 : i32
        %get3A_1220 = arith.index_cast %add3A_1219 : i32 to index
        %get3A_1221 = tpu.vector_load %arg5[%get3A_1220] {strides = array<i32>} : memref<49152xf32, #tpu.memory_space<vmem>>, vector<16xf32>,
        %mul3A_1222 = arith.mulf %get3A_1221, %get3A_1126 : vector<16xf32>
        %add3A_1223 = arith.addf %scan3A_1118, %mul3A_1222 : vector<16xf32>
        %add3A_1224 = arith.constant 8192 : i32
        %add3A_1225 = arith.addi %add3A_1135, %add3A_1224 : i32
        %add3A_1226 = arith.constant 384 : i32
        %add3A_1227 = arith.addi %add3A_1225, %add3A_1226 : i32
        %get3A_1228 = arith.index_cast %add3A_1227 : i32 to index
        %get3A_1229 = tpu.vector_load %arg5[%get3A_1228] {strides = array<i32>} : memref<49152xf32, #tpu.memory_space<vmem>>, vector<16xf32>,
        %mul3A_1230 = arith.mulf %get3A_1229, %get3A_1126 : vector<16xf32>
        %add3A_1231 = arith.addf %scan3A_1119, %mul3A_1230 : vector<16xf32>
        %add3A_1232 = arith.constant 8192 : i32
        %add3A_1233 = arith.addi %add3A_1135, %add3A_1232 : i32
        %add3A_1234 = arith.constant 512 : i32
        %add3A_1235 = arith.addi %add3A_1233, %add3A_1234 : i32
        %get3A_1236 = arith.index_cast %add3A_1235 : i32 to index
        %get3A_1237 = tpu.vector_load %arg5[%get3A_1236] {strides = array<i32>} : memref<49152xf32, #tpu.memory_space<vmem>>, vector<16xf32>,
        %mul3A_1238 = arith.mulf %get3A_1237, %get3A_1126 : vector<16xf32>
        %add3A_1239 = arith.addf %scan3A_1120, %mul3A_1238 : vector<16xf32>
        %add3A_1240 = arith.constant 8192 : i32
        %add3A_1241 = arith.addi %add3A_1135, %add3A_1240 : i32
        %add3A_1242 = arith.constant 640 : i32
        %add3A_1243 = arith.addi %add3A_1241, %add3A_1242 : i32
        %get3A_1244 = arith.index_cast %add3A_1243 : i32 to index
        %get3A_1245 = tpu.vector_load %arg5[%get3A_1244] {strides = array<i32>} : memref<49152xf32, #tpu.memory_space<vmem>>, vector<16xf32>,
        %mul3A_1246 = arith.mulf %get3A_1245, %get3A_1126 : vector<16xf32>
        %add3A_1247 = arith.addf %scan3A_1121, %mul3A_1246 : vector<16xf32>
        %add3A_1248 = arith.constant 8192 : i32
        %add3A_1249 = arith.addi %add3A_1135, %add3A_1248 : i32
        %add3A_1250 = arith.constant 768 : i32
        %add3A_1251 = arith.addi %add3A_1249, %add3A_1250 : i32
        %get3A_1252 = arith.index_cast %add3A_1251 : i32 to index
        %get3A_1253 = tpu.vector_load %arg5[%get3A_1252] {strides = array<i32>} : memref<49152xf32, #tpu.memory_space<vmem>>, vector<16xf32>,
        %mul3A_1254 = arith.mulf %get3A_1253, %get3A_1126 : vector<16xf32>
        %add3A_1255 = arith.addf %scan3A_1122, %mul3A_1254 : vector<16xf32>
        %add3A_1256 = arith.constant 8192 : i32
        %add3A_1257 = arith.addi %add3A_1135, %add3A_1256 : i32
        %add3A_1258 = arith.constant 896 : i32
        %add3A_1259 = arith.addi %add3A_1257, %add3A_1258 : i32
        %get3A_1260 = arith.index_cast %add3A_1259 : i32 to index
        %get3A_1261 = tpu.vector_load %arg5[%get3A_1260] {strides = array<i32>} : memref<49152xf32, #tpu.memory_space<vmem>>, vector<16xf32>,
        %mul3A_1262 = arith.mulf %get3A_1261, %get3A_1126 : vector<16xf32>
        %add3A_1263 = arith.addf %scan3A_1123, %mul3A_1262 : vector<16xf32>
        scf.yield %add3A_1143, %add3A_1151, %add3A_1159, %add3A_1167, %add3A_1175, %add3A_1183, %add3A_1191, %add3A_1199, %add3A_1207, %add3A_1215, %add3A_1223, %add3A_1231, %add3A_1239, %add3A_1247, %add3A_1255, %add3A_1263 : vector<16xf32>, vector<16xf32>, vector<16xf32>, vector<16xf32>, vector<16xf32>, vector<16xf32>, vector<16xf32>, vector<16xf32>, vector<16xf32>, vector<16xf32>, vector<16xf32>, vector<16xf32>, vector<16xf32>, vector<16xf32>, vector<16xf32>, vector<16xf32>
      }
      %scan3A_50 = arith.constant 64 : i32
      %reduce_sum3A = arith.constant true
      %reduce_sum3A_51 = vector.broadcast %reduce_sum3A : i1 to vector<16xi1>
      %reduce_sum3A_52 = tpu.scan <sum>, %scan3A_49#0 masked %reduce_sum3A_51 : vector<16xf32>, vector<16xi1> -> vector<16xf32>
      %reduce_sum3A_53 = vector.extract %reduce_sum3A_52[15] : f32 from vector<16xf32>
      %eq3A = arith.constant 0 : i32
      %eq3A_54 = vector.broadcast %eq3A : i32 to vector<16xi32>
      %eq3A_55 = arith.cmpi eq, %iota3A, %eq3A_54 : vector<16xi32>
      %mul3A_56 = arith.mulf %reduce_sum3A_53, %reduce_sum3A_53 : f32
      %broadcast_in_dim3A_57 = vector.broadcast %mul3A_56 : f32 to vector<16xf32>
      %select_n3A_58 = arith.select %eq3A_55, %broadcast_in_dim3A_57, %broadcast_in_dim3A_28 : vector<16xi1>, vector<16xf32>
      %reduce_sum3A_59 = arith.constant true
      %reduce_sum3A_60 = vector.broadcast %reduce_sum3A_59 : i1 to vector<16xi1>
      %reduce_sum3A_61 = tpu.scan <sum>, %scan3A_49#1 masked %reduce_sum3A_60 : vector<16xf32>, vector<16xi1> -> vector<16xf32>
      %reduce_sum3A_62 = vector.extract %reduce_sum3A_61[15] : f32 from vector<16xf32>
      %eq3A_63 = arith.constant 1 : i32
      %eq3A_64 = vector.broadcast %eq3A_63 : i32 to vector<16xi32>
      %eq3A_65 = arith.cmpi eq, %iota3A, %eq3A_64 : vector<16xi32>
      %mul3A_66 = arith.mulf %reduce_sum3A_62, %reduce_sum3A_62 : f32
      %broadcast_in_dim3A_67 = vector.broadcast %mul3A_66 : f32 to vector<16xf32>
      %select_n3A_68 = arith.select %eq3A_65, %broadcast_in_dim3A_67, %select_n3A_58 : vector<16xi1>, vector<16xf32>
      %reduce_sum3A_69 = arith.constant true
      %reduce_sum3A_70 = vector.broadcast %reduce_sum3A_69 : i1 to vector<16xi1>
      %reduce_sum3A_71 = tpu.scan <sum>, %scan3A_49#2 masked %reduce_sum3A_70 : vector<16xf32>, vector<16xi1> -> vector<16xf32>
      %reduce_sum3A_72 = vector.extract %reduce_sum3A_71[15] : f32 from vector<16xf32>
      %eq3A_73 = arith.constant 2 : i32
      %eq3A_74 = vector.broadcast %eq3A_73 : i32 to vector<16xi32>
      %eq3A_75 = arith.cmpi eq, %iota3A, %eq3A_74 : vector<16xi32>
      %mul3A_76 = arith.mulf %reduce_sum3A_72, %reduce_sum3A_72 : f32
      %broadcast_in_dim3A_77 = vector.broadcast %mul3A_76 : f32 to vector<16xf32>
      %select_n3A_78 = arith.select %eq3A_75, %broadcast_in_dim3A_77, %select_n3A_68 : vector<16xi1>, vector<16xf32>
      %reduce_sum3A_79 = arith.constant true
      %reduce_sum3A_80 = vector.broadcast %reduce_sum3A_79 : i1 to vector<16xi1>
      %reduce_sum3A_81 = tpu.scan <sum>, %scan3A_49#3 masked %reduce_sum3A_80 : vector<16xf32>, vector<16xi1> -> vector<16xf32>
      %reduce_sum3A_82 = vector.extract %reduce_sum3A_81[15] : f32 from vector<16xf32>
      %eq3A_83 = arith.constant 3 : i32
      %eq3A_84 = vector.broadcast %eq3A_83 : i32 to vector<16xi32>
      %eq3A_85 = arith.cmpi eq, %iota3A, %eq3A_84 : vector<16xi32>
      %mul3A_86 = arith.mulf %reduce_sum3A_82, %reduce_sum3A_82 : f32
      %broadcast_in_dim3A_87 = vector.broadcast %mul3A_86 : f32 to vector<16xf32>
      %select_n3A_88 = arith.select %eq3A_85, %broadcast_in_dim3A_87, %select_n3A_78 : vector<16xi1>, vector<16xf32>
      %reduce_sum3A_89 = arith.constant true
      %reduce_sum3A_90 = vector.broadcast %reduce_sum3A_89 : i1 to vector<16xi1>
      %reduce_sum3A_91 = tpu.scan <sum>, %scan3A_49#4 masked %reduce_sum3A_90 : vector<16xf32>, vector<16xi1> -> vector<16xf32>
      %reduce_sum3A_92 = vector.extract %reduce_sum3A_91[15] : f32 from vector<16xf32>
      %eq3A_93 = arith.constant 4 : i32
      %eq3A_94 = vector.broadcast %eq3A_93 : i32 to vector<16xi32>
      %eq3A_95 = arith.cmpi eq, %iota3A, %eq3A_94 : vector<16xi32>
      %mul3A_96 = arith.mulf %reduce_sum3A_92, %reduce_sum3A_92 : f32
      %broadcast_in_dim3A_97 = vector.broadcast %mul3A_96 : f32 to vector<16xf32>
      %select_n3A_98 = arith.select %eq3A_95, %broadcast_in_dim3A_97, %select_n3A_88 : vector<16xi1>, vector<16xf32>
      %reduce_sum3A_99 = arith.constant true
      %reduce_sum3A_100 = vector.broadcast %reduce_sum3A_99 : i1 to vector<16xi1>
      %reduce_sum3A_101 = tpu.scan <sum>, %scan3A_49#5 masked %reduce_sum3A_100 : vector<16xf32>, vector<16xi1> -> vector<16xf32>
      %reduce_sum3A_102 = vector.extract %reduce_sum3A_101[15] : f32 from vector<16xf32>
      %eq3A_103 = arith.constant 5 : i32
      %eq3A_104 = vector.broadcast %eq3A_103 : i32 to vector<16xi32>
      %eq3A_105 = arith.cmpi eq, %iota3A, %eq3A_104 : vector<16xi32>
      %mul3A_106 = arith.mulf %reduce_sum3A_102, %reduce_sum3A_102 : f32
      %broadcast_in_dim3A_107 = vector.broadcast %mul3A_106 : f32 to vector<16xf32>
      %select_n3A_108 = arith.select %eq3A_105, %broadcast_in_dim3A_107, %select_n3A_98 : vector<16xi1>, vector<16xf32>
      %reduce_sum3A_109 = arith.constant true
      %reduce_sum3A_110 = vector.broadcast %reduce_sum3A_109 : i1 to vector<16xi1>
      %reduce_sum3A_111 = tpu.scan <sum>, %scan3A_49#6 masked %reduce_sum3A_110 : vector<16xf32>, vector<16xi1> -> vector<16xf32>
      %reduce_sum3A_112 = vector.extract %reduce_sum3A_111[15] : f32 from vector<16xf32>
      %eq3A_113 = arith.constant 6 : i32
      %eq3A_114 = vector.broadcast %eq3A_113 : i32 to vector<16xi32>
      %eq3A_115 = arith.cmpi eq, %iota3A, %eq3A_114 : vector<16xi32>
      %mul3A_116 = arith.mulf %reduce_sum3A_112, %reduce_sum3A_112 : f32
      %broadcast_in_dim3A_117 = vector.broadcast %mul3A_116 : f32 to vector<16xf32>
      %select_n3A_118 = arith.select %eq3A_115, %broadcast_in_dim3A_117, %select_n3A_108 : vector<16xi1>, vector<16xf32>
      %reduce_sum3A_119 = arith.constant true
      %reduce_sum3A_120 = vector.broadcast %reduce_sum3A_119 : i1 to vector<16xi1>
      %reduce_sum3A_121 = tpu.scan <sum>, %scan3A_49#7 masked %reduce_sum3A_120 : vector<16xf32>, vector<16xi1> -> vector<16xf32>
      %reduce_sum3A_122 = vector.extract %reduce_sum3A_121[15] : f32 from vector<16xf32>
      %eq3A_123 = arith.constant 7 : i32
      %eq3A_124 = vector.broadcast %eq3A_123 : i32 to vector<16xi32>
      %eq3A_125 = arith.cmpi eq, %iota3A, %eq3A_124 : vector<16xi32>
      %mul3A_126 = arith.mulf %reduce_sum3A_122, %reduce_sum3A_122 : f32
      %broadcast_in_dim3A_127 = vector.broadcast %mul3A_126 : f32 to vector<16xf32>
      %select_n3A_128 = arith.select %eq3A_125, %broadcast_in_dim3A_127, %select_n3A_118 : vector<16xi1>, vector<16xf32>
      %reduce_sum3A_129 = arith.constant true
      %reduce_sum3A_130 = vector.broadcast %reduce_sum3A_129 : i1 to vector<16xi1>
      %reduce_sum3A_131 = tpu.scan <sum>, %scan3A_49#8 masked %reduce_sum3A_130 : vector<16xf32>, vector<16xi1> -> vector<16xf32>
      %reduce_sum3A_132 = vector.extract %reduce_sum3A_131[15] : f32 from vector<16xf32>
      %eq3A_133 = arith.constant 8 : i32
      %eq3A_134 = vector.broadcast %eq3A_133 : i32 to vector<16xi32>
      %eq3A_135 = arith.cmpi eq, %iota3A, %eq3A_134 : vector<16xi32>
      %mul3A_136 = arith.mulf %reduce_sum3A_132, %reduce_sum3A_132 : f32
      %broadcast_in_dim3A_137 = vector.broadcast %mul3A_136 : f32 to vector<16xf32>
      %select_n3A_138 = arith.select %eq3A_135, %broadcast_in_dim3A_137, %select_n3A_128 : vector<16xi1>, vector<16xf32>
      %reduce_sum3A_139 = arith.constant true
      %reduce_sum3A_140 = vector.broadcast %reduce_sum3A_139 : i1 to vector<16xi1>
      %reduce_sum3A_141 = tpu.scan <sum>, %scan3A_49#9 masked %reduce_sum3A_140 : vector<16xf32>, vector<16xi1> -> vector<16xf32>
      %reduce_sum3A_142 = vector.extract %reduce_sum3A_141[15] : f32 from vector<16xf32>
      %eq3A_143 = arith.constant 9 : i32
      %eq3A_144 = vector.broadcast %eq3A_143 : i32 to vector<16xi32>
      %eq3A_145 = arith.cmpi eq, %iota3A, %eq3A_144 : vector<16xi32>
      %mul3A_146 = arith.mulf %reduce_sum3A_142, %reduce_sum3A_142 : f32
      %broadcast_in_dim3A_147 = vector.broadcast %mul3A_146 : f32 to vector<16xf32>
      %select_n3A_148 = arith.select %eq3A_145, %broadcast_in_dim3A_147, %select_n3A_138 : vector<16xi1>, vector<16xf32>
      %reduce_sum3A_149 = arith.constant true
      %reduce_sum3A_150 = vector.broadcast %reduce_sum3A_149 : i1 to vector<16xi1>
      %reduce_sum3A_151 = tpu.scan <sum>, %scan3A_49#10 masked %reduce_sum3A_150 : vector<16xf32>, vector<16xi1> -> vector<16xf32>
      %reduce_sum3A_152 = vector.extract %reduce_sum3A_151[15] : f32 from vector<16xf32>
      %eq3A_153 = arith.constant 10 : i32
      %eq3A_154 = vector.broadcast %eq3A_153 : i32 to vector<16xi32>
      %eq3A_155 = arith.cmpi eq, %iota3A, %eq3A_154 : vector<16xi32>
      %mul3A_156 = arith.mulf %reduce_sum3A_152, %reduce_sum3A_152 : f32
      %broadcast_in_dim3A_157 = vector.broadcast %mul3A_156 : f32 to vector<16xf32>
      %select_n3A_158 = arith.select %eq3A_155, %broadcast_in_dim3A_157, %select_n3A_148 : vector<16xi1>, vector<16xf32>
      %reduce_sum3A_159 = arith.constant true
      %reduce_sum3A_160 = vector.broadcast %reduce_sum3A_159 : i1 to vector<16xi1>
      %reduce_sum3A_161 = tpu.scan <sum>, %scan3A_49#11 masked %reduce_sum3A_160 : vector<16xf32>, vector<16xi1> -> vector<16xf32>
      %reduce_sum3A_162 = vector.extract %reduce_sum3A_161[15] : f32 from vector<16xf32>
      %eq3A_163 = arith.constant 11 : i32
      %eq3A_164 = vector.broadcast %eq3A_163 : i32 to vector<16xi32>
      %eq3A_165 = arith.cmpi eq, %iota3A, %eq3A_164 : vector<16xi32>
      %mul3A_166 = arith.mulf %reduce_sum3A_162, %reduce_sum3A_162 : f32
      %broadcast_in_dim3A_167 = vector.broadcast %mul3A_166 : f32 to vector<16xf32>
      %select_n3A_168 = arith.select %eq3A_165, %broadcast_in_dim3A_167, %select_n3A_158 : vector<16xi1>, vector<16xf32>
      %reduce_sum3A_169 = arith.constant true
      %reduce_sum3A_170 = vector.broadcast %reduce_sum3A_169 : i1 to vector<16xi1>
      %reduce_sum3A_171 = tpu.scan <sum>, %scan3A_49#12 masked %reduce_sum3A_170 : vector<16xf32>, vector<16xi1> -> vector<16xf32>
      %reduce_sum3A_172 = vector.extract %reduce_sum3A_171[15] : f32 from vector<16xf32>
      %eq3A_173 = arith.constant 12 : i32
      %eq3A_174 = vector.broadcast %eq3A_173 : i32 to vector<16xi32>
      %eq3A_175 = arith.cmpi eq, %iota3A, %eq3A_174 : vector<16xi32>
      %mul3A_176 = arith.mulf %reduce_sum3A_172, %reduce_sum3A_172 : f32
      %broadcast_in_dim3A_177 = vector.broadcast %mul3A_176 : f32 to vector<16xf32>
      %select_n3A_178 = arith.select %eq3A_175, %broadcast_in_dim3A_177, %select_n3A_168 : vector<16xi1>, vector<16xf32>
      %reduce_sum3A_179 = arith.constant true
      %reduce_sum3A_180 = vector.broadcast %reduce_sum3A_179 : i1 to vector<16xi1>
      %reduce_sum3A_181 = tpu.scan <sum>, %scan3A_49#13 masked %reduce_sum3A_180 : vector<16xf32>, vector<16xi1> -> vector<16xf32>
      %reduce_sum3A_182 = vector.extract %reduce_sum3A_181[15] : f32 from vector<16xf32>
      %eq3A_183 = arith.constant 13 : i32
      %eq3A_184 = vector.broadcast %eq3A_183 : i32 to vector<16xi32>
      %eq3A_185 = arith.cmpi eq, %iota3A, %eq3A_184 : vector<16xi32>
      %mul3A_186 = arith.mulf %reduce_sum3A_182, %reduce_sum3A_182 : f32
      %broadcast_in_dim3A_187 = vector.broadcast %mul3A_186 : f32 to vector<16xf32>
      %select_n3A_188 = arith.select %eq3A_185, %broadcast_in_dim3A_187, %select_n3A_178 : vector<16xi1>, vector<16xf32>
      %reduce_sum3A_189 = arith.constant true
      %reduce_sum3A_190 = vector.broadcast %reduce_sum3A_189 : i1 to vector<16xi1>
      %reduce_sum3A_191 = tpu.scan <sum>, %scan3A_49#14 masked %reduce_sum3A_190 : vector<16xf32>, vector<16xi1> -> vector<16xf32>
      %reduce_sum3A_192 = vector.extract %reduce_sum3A_191[15] : f32 from vector<16xf32>
      %eq3A_193 = arith.constant 14 : i32
      %eq3A_194 = vector.broadcast %eq3A_193 : i32 to vector<16xi32>
      %eq3A_195 = arith.cmpi eq, %iota3A, %eq3A_194 : vector<16xi32>
      %mul3A_196 = arith.mulf %reduce_sum3A_192, %reduce_sum3A_192 : f32
      %broadcast_in_dim3A_197 = vector.broadcast %mul3A_196 : f32 to vector<16xf32>
      %select_n3A_198 = arith.select %eq3A_195, %broadcast_in_dim3A_197, %select_n3A_188 : vector<16xi1>, vector<16xf32>
      %reduce_sum3A_199 = arith.constant true
      %reduce_sum3A_200 = vector.broadcast %reduce_sum3A_199 : i1 to vector<16xi1>
      %reduce_sum3A_201 = tpu.scan <sum>, %scan3A_49#15 masked %reduce_sum3A_200 : vector<16xf32>, vector<16xi1> -> vector<16xf32>
      %reduce_sum3A_202 = vector.extract %reduce_sum3A_201[15] : f32 from vector<16xf32>
      %eq3A_203 = arith.constant 15 : i32
      %eq3A_204 = vector.broadcast %eq3A_203 : i32 to vector<16xi32>
      %eq3A_205 = arith.cmpi eq, %iota3A, %eq3A_204 : vector<16xi32>
      %mul3A_206 = arith.mulf %reduce_sum3A_202, %reduce_sum3A_202 : f32
      %broadcast_in_dim3A_207 = vector.broadcast %mul3A_206 : f32 to vector<16xf32>
      %select_n3A_208 = arith.select %eq3A_205, %broadcast_in_dim3A_207, %select_n3A_198 : vector<16xi1>, vector<16xf32>
      %mul3A_209 = arith.constant 6 : i32
      %mul3A_210 = arith.muli %add3A_40, %mul3A_209 : i32
      %add3A_211 = arith.constant 0 : i32
      %add3A_212 = arith.addi %mul3A_210, %add3A_211 : i32
      %mul3A_213 = arith.constant 8 : i32
      %mul3A_214 = arith.muli %add3A_212, %mul3A_213 : i32
      %add3A_215 = vector.broadcast %mul3A_214 : i32 to vector<16xi32>
      %add3A_216 = arith.addi %add3A_215, %iota3A : vector<16xi32>
      tpu.vector_store_idx %arg8[%add3A_216], %select_n3A_208 : memref<384xf32, #tpu.memory_space<vmem>>[vector<16xi32>], vector<16xf32>,
      %scan3A_217 = arith.constant 0 : i32
      %scan3A_218 = arith.constant 64 : i32
      %scan3A_219 = arith.addi %scan3A_217, %scan3A_218 : i32
      %scan3A_220 = arith.constant 1 : i32
      %scan3A_221:16 = scf.for %scan3A_1107 = %scan3A_217 to %scan3A_219 step %scan3A_220 iter_args(%scan3A_1108 = %broadcast_in_dim3A_28, %scan3A_1109 = %broadcast_in_dim3A_28, %scan3A_1110 = %broadcast_in_dim3A_28, %scan3A_1111 = %broadcast_in_dim3A_28, %scan3A_1112 = %broadcast_in_dim3A_28, %scan3A_1113 = %broadcast_in_dim3A_28, %scan3A_1114 = %broadcast_in_dim3A_28, %scan3A_1115 = %broadcast_in_dim3A_28, %scan3A_1116 = %broadcast_in_dim3A_28, %scan3A_1117 = %broadcast_in_dim3A_28, %scan3A_1118 = %broadcast_in_dim3A_28, %scan3A_1119 = %broadcast_in_dim3A_28, %scan3A_1120 = %broadcast_in_dim3A_28, %scan3A_1121 = %broadcast_in_dim3A_28, %scan3A_1122 = %broadcast_in_dim3A_28, %scan3A_1123 = %broadcast_in_dim3A_28) -> (vector<16xf32>, vector<16xf32>, vector<16xf32>, vector<16xf32>, vector<16xf32>, vector<16xf32>, vector<16xf32>, vector<16xf32>, vector<16xf32>, vector<16xf32>, vector<16xf32>, vector<16xf32>, vector<16xf32>, vector<16xf32>, vector<16xf32>, vector<16xf32>)  : i32 {
        %mul3A_1124 = arith.constant 16 : i32
        %mul3A_1125 = arith.muli %scan3A_1107, %mul3A_1124 : i32
        %get3A = arith.index_cast %mul3A_1125 : i32 to index
        %get3A_1126 = tpu.vector_load %arg7[%get3A] {strides = array<i32>} : memref<1024xf32, #tpu.memory_space<vmem>>, vector<16xf32>,
        %shift_right_arithmetic3A = arith.constant 3 : i32
        %shift_right_arithmetic3A_1127 = arith.shrsi %scan3A_1107, %shift_right_arithmetic3A : i32
        %mul3A_1128 = arith.constant 1024 : i32
        %mul3A_1129 = arith.muli %shift_right_arithmetic3A_1127, %mul3A_1128 : i32
        %add3A_1130 = arith.constant 16384 : i32
        %add3A_1131 = arith.addi %add3A_1130, %mul3A_1129 : i32
        %and3A_1132 = arith.constant 7 : i32
        %and3A_1133 = arith.andi %scan3A_1107, %and3A_1132 : i32
        %shift_left3A = arith.constant 4 : i32
        %shift_left3A_1134 = arith.shli %and3A_1133, %shift_left3A : i32
        %add3A_1135 = arith.addi %add3A_1131, %shift_left3A_1134 : i32
        %add3A_1136 = arith.constant 0 : i32
        %add3A_1137 = arith.addi %add3A_1135, %add3A_1136 : i32
        %add3A_1138 = arith.constant 0 : i32
        %add3A_1139 = arith.addi %add3A_1137, %add3A_1138 : i32
        %get3A_1140 = arith.index_cast %add3A_1139 : i32 to index
        %get3A_1141 = tpu.vector_load %arg5[%get3A_1140] {strides = array<i32>} : memref<49152xf32, #tpu.memory_space<vmem>>, vector<16xf32>,
        %mul3A_1142 = arith.mulf %get3A_1141, %get3A_1126 : vector<16xf32>
        %add3A_1143 = arith.addf %scan3A_1108, %mul3A_1142 : vector<16xf32>
        %add3A_1144 = arith.constant 0 : i32
        %add3A_1145 = arith.addi %add3A_1135, %add3A_1144 : i32
        %add3A_1146 = arith.constant 128 : i32
        %add3A_1147 = arith.addi %add3A_1145, %add3A_1146 : i32
        %get3A_1148 = arith.index_cast %add3A_1147 : i32 to index
        %get3A_1149 = tpu.vector_load %arg5[%get3A_1148] {strides = array<i32>} : memref<49152xf32, #tpu.memory_space<vmem>>, vector<16xf32>,
        %mul3A_1150 = arith.mulf %get3A_1149, %get3A_1126 : vector<16xf32>
        %add3A_1151 = arith.addf %scan3A_1109, %mul3A_1150 : vector<16xf32>
        %add3A_1152 = arith.constant 0 : i32
        %add3A_1153 = arith.addi %add3A_1135, %add3A_1152 : i32
        %add3A_1154 = arith.constant 256 : i32
        %add3A_1155 = arith.addi %add3A_1153, %add3A_1154 : i32
        %get3A_1156 = arith.index_cast %add3A_1155 : i32 to index
        %get3A_1157 = tpu.vector_load %arg5[%get3A_1156] {strides = array<i32>} : memref<49152xf32, #tpu.memory_space<vmem>>, vector<16xf32>,
        %mul3A_1158 = arith.mulf %get3A_1157, %get3A_1126 : vector<16xf32>
        %add3A_1159 = arith.addf %scan3A_1110, %mul3A_1158 : vector<16xf32>
        %add3A_1160 = arith.constant 0 : i32
        %add3A_1161 = arith.addi %add3A_1135, %add3A_1160 : i32
        %add3A_1162 = arith.constant 384 : i32
        %add3A_1163 = arith.addi %add3A_1161, %add3A_1162 : i32
        %get3A_1164 = arith.index_cast %add3A_1163 : i32 to index
        %get3A_1165 = tpu.vector_load %arg5[%get3A_1164] {strides = array<i32>} : memref<49152xf32, #tpu.memory_space<vmem>>, vector<16xf32>,
        %mul3A_1166 = arith.mulf %get3A_1165, %get3A_1126 : vector<16xf32>
        %add3A_1167 = arith.addf %scan3A_1111, %mul3A_1166 : vector<16xf32>
        %add3A_1168 = arith.constant 0 : i32
        %add3A_1169 = arith.addi %add3A_1135, %add3A_1168 : i32
        %add3A_1170 = arith.constant 512 : i32
        %add3A_1171 = arith.addi %add3A_1169, %add3A_1170 : i32
        %get3A_1172 = arith.index_cast %add3A_1171 : i32 to index
        %get3A_1173 = tpu.vector_load %arg5[%get3A_1172] {strides = array<i32>} : memref<49152xf32, #tpu.memory_space<vmem>>, vector<16xf32>,
        %mul3A_1174 = arith.mulf %get3A_1173, %get3A_1126 : vector<16xf32>
        %add3A_1175 = arith.addf %scan3A_1112, %mul3A_1174 : vector<16xf32>
        %add3A_1176 = arith.constant 0 : i32
        %add3A_1177 = arith.addi %add3A_1135, %add3A_1176 : i32
        %add3A_1178 = arith.constant 640 : i32
        %add3A_1179 = arith.addi %add3A_1177, %add3A_1178 : i32
        %get3A_1180 = arith.index_cast %add3A_1179 : i32 to index
        %get3A_1181 = tpu.vector_load %arg5[%get3A_1180] {strides = array<i32>} : memref<49152xf32, #tpu.memory_space<vmem>>, vector<16xf32>,
        %mul3A_1182 = arith.mulf %get3A_1181, %get3A_1126 : vector<16xf32>
        %add3A_1183 = arith.addf %scan3A_1113, %mul3A_1182 : vector<16xf32>
        %add3A_1184 = arith.constant 0 : i32
        %add3A_1185 = arith.addi %add3A_1135, %add3A_1184 : i32
        %add3A_1186 = arith.constant 768 : i32
        %add3A_1187 = arith.addi %add3A_1185, %add3A_1186 : i32
        %get3A_1188 = arith.index_cast %add3A_1187 : i32 to index
        %get3A_1189 = tpu.vector_load %arg5[%get3A_1188] {strides = array<i32>} : memref<49152xf32, #tpu.memory_space<vmem>>, vector<16xf32>,
        %mul3A_1190 = arith.mulf %get3A_1189, %get3A_1126 : vector<16xf32>
        %add3A_1191 = arith.addf %scan3A_1114, %mul3A_1190 : vector<16xf32>
        %add3A_1192 = arith.constant 0 : i32
        %add3A_1193 = arith.addi %add3A_1135, %add3A_1192 : i32
        %add3A_1194 = arith.constant 896 : i32
        %add3A_1195 = arith.addi %add3A_1193, %add3A_1194 : i32
        %get3A_1196 = arith.index_cast %add3A_1195 : i32 to index
        %get3A_1197 = tpu.vector_load %arg5[%get3A_1196] {strides = array<i32>} : memref<49152xf32, #tpu.memory_space<vmem>>, vector<16xf32>,
        %mul3A_1198 = arith.mulf %get3A_1197, %get3A_1126 : vector<16xf32>
        %add3A_1199 = arith.addf %scan3A_1115, %mul3A_1198 : vector<16xf32>
        %add3A_1200 = arith.constant 8192 : i32
        %add3A_1201 = arith.addi %add3A_1135, %add3A_1200 : i32
        %add3A_1202 = arith.constant 0 : i32
        %add3A_1203 = arith.addi %add3A_1201, %add3A_1202 : i32
        %get3A_1204 = arith.index_cast %add3A_1203 : i32 to index
        %get3A_1205 = tpu.vector_load %arg5[%get3A_1204] {strides = array<i32>} : memref<49152xf32, #tpu.memory_space<vmem>>, vector<16xf32>,
        %mul3A_1206 = arith.mulf %get3A_1205, %get3A_1126 : vector<16xf32>
        %add3A_1207 = arith.addf %scan3A_1116, %mul3A_1206 : vector<16xf32>
        %add3A_1208 = arith.constant 8192 : i32
        %add3A_1209 = arith.addi %add3A_1135, %add3A_1208 : i32
        %add3A_1210 = arith.constant 128 : i32
        %add3A_1211 = arith.addi %add3A_1209, %add3A_1210 : i32
        %get3A_1212 = arith.index_cast %add3A_1211 : i32 to index
        %get3A_1213 = tpu.vector_load %arg5[%get3A_1212] {strides = array<i32>} : memref<49152xf32, #tpu.memory_space<vmem>>, vector<16xf32>,
        %mul3A_1214 = arith.mulf %get3A_1213, %get3A_1126 : vector<16xf32>
        %add3A_1215 = arith.addf %scan3A_1117, %mul3A_1214 : vector<16xf32>
        %add3A_1216 = arith.constant 8192 : i32
        %add3A_1217 = arith.addi %add3A_1135, %add3A_1216 : i32
        %add3A_1218 = arith.constant 256 : i32
        %add3A_1219 = arith.addi %add3A_1217, %add3A_1218 : i32
        %get3A_1220 = arith.index_cast %add3A_1219 : i32 to index
        %get3A_1221 = tpu.vector_load %arg5[%get3A_1220] {strides = array<i32>} : memref<49152xf32, #tpu.memory_space<vmem>>, vector<16xf32>,
        %mul3A_1222 = arith.mulf %get3A_1221, %get3A_1126 : vector<16xf32>
        %add3A_1223 = arith.addf %scan3A_1118, %mul3A_1222 : vector<16xf32>
        %add3A_1224 = arith.constant 8192 : i32
        %add3A_1225 = arith.addi %add3A_1135, %add3A_1224 : i32
        %add3A_1226 = arith.constant 384 : i32
        %add3A_1227 = arith.addi %add3A_1225, %add3A_1226 : i32
        %get3A_1228 = arith.index_cast %add3A_1227 : i32 to index
        %get3A_1229 = tpu.vector_load %arg5[%get3A_1228] {strides = array<i32>} : memref<49152xf32, #tpu.memory_space<vmem>>, vector<16xf32>,
        %mul3A_1230 = arith.mulf %get3A_1229, %get3A_1126 : vector<16xf32>
        %add3A_1231 = arith.addf %scan3A_1119, %mul3A_1230 : vector<16xf32>
        %add3A_1232 = arith.constant 8192 : i32
        %add3A_1233 = arith.addi %add3A_1135, %add3A_1232 : i32
        %add3A_1234 = arith.constant 512 : i32
        %add3A_1235 = arith.addi %add3A_1233, %add3A_1234 : i32
        %get3A_1236 = arith.index_cast %add3A_1235 : i32 to index
        %get3A_1237 = tpu.vector_load %arg5[%get3A_1236] {strides = array<i32>} : memref<49152xf32, #tpu.memory_space<vmem>>, vector<16xf32>,
        %mul3A_1238 = arith.mulf %get3A_1237, %get3A_1126 : vector<16xf32>
        %add3A_1239 = arith.addf %scan3A_1120, %mul3A_1238 : vector<16xf32>
        %add3A_1240 = arith.constant 8192 : i32
        %add3A_1241 = arith.addi %add3A_1135, %add3A_1240 : i32
        %add3A_1242 = arith.constant 640 : i32
        %add3A_1243 = arith.addi %add3A_1241, %add3A_1242 : i32
        %get3A_1244 = arith.index_cast %add3A_1243 : i32 to index
        %get3A_1245 = tpu.vector_load %arg5[%get3A_1244] {strides = array<i32>} : memref<49152xf32, #tpu.memory_space<vmem>>, vector<16xf32>,
        %mul3A_1246 = arith.mulf %get3A_1245, %get3A_1126 : vector<16xf32>
        %add3A_1247 = arith.addf %scan3A_1121, %mul3A_1246 : vector<16xf32>
        %add3A_1248 = arith.constant 8192 : i32
        %add3A_1249 = arith.addi %add3A_1135, %add3A_1248 : i32
        %add3A_1250 = arith.constant 768 : i32
        %add3A_1251 = arith.addi %add3A_1249, %add3A_1250 : i32
        %get3A_1252 = arith.index_cast %add3A_1251 : i32 to index
        %get3A_1253 = tpu.vector_load %arg5[%get3A_1252] {strides = array<i32>} : memref<49152xf32, #tpu.memory_space<vmem>>, vector<16xf32>,
        %mul3A_1254 = arith.mulf %get3A_1253, %get3A_1126 : vector<16xf32>
        %add3A_1255 = arith.addf %scan3A_1122, %mul3A_1254 : vector<16xf32>
        %add3A_1256 = arith.constant 8192 : i32
        %add3A_1257 = arith.addi %add3A_1135, %add3A_1256 : i32
        %add3A_1258 = arith.constant 896 : i32
        %add3A_1259 = arith.addi %add3A_1257, %add3A_1258 : i32
        %get3A_1260 = arith.index_cast %add3A_1259 : i32 to index
        %get3A_1261 = tpu.vector_load %arg5[%get3A_1260] {strides = array<i32>} : memref<49152xf32, #tpu.memory_space<vmem>>, vector<16xf32>,
        %mul3A_1262 = arith.mulf %get3A_1261, %get3A_1126 : vector<16xf32>
        %add3A_1263 = arith.addf %scan3A_1123, %mul3A_1262 : vector<16xf32>
        scf.yield %add3A_1143, %add3A_1151, %add3A_1159, %add3A_1167, %add3A_1175, %add3A_1183, %add3A_1191, %add3A_1199, %add3A_1207, %add3A_1215, %add3A_1223, %add3A_1231, %add3A_1239, %add3A_1247, %add3A_1255, %add3A_1263 : vector<16xf32>, vector<16xf32>, vector<16xf32>, vector<16xf32>, vector<16xf32>, vector<16xf32>, vector<16xf32>, vector<16xf32>, vector<16xf32>, vector<16xf32>, vector<16xf32>, vector<16xf32>, vector<16xf32>, vector<16xf32>, vector<16xf32>, vector<16xf32>
      }
      %scan3A_222 = arith.constant 64 : i32
      %reduce_sum3A_223 = arith.constant true
      %reduce_sum3A_224 = vector.broadcast %reduce_sum3A_223 : i1 to vector<16xi1>
      %reduce_sum3A_225 = tpu.scan <sum>, %scan3A_221#0 masked %reduce_sum3A_224 : vector<16xf32>, vector<16xi1> -> vector<16xf32>
      %reduce_sum3A_226 = vector.extract %reduce_sum3A_225[15] : f32 from vector<16xf32>
      %eq3A_227 = arith.constant 0 : i32
      %eq3A_228 = vector.broadcast %eq3A_227 : i32 to vector<16xi32>
      %eq3A_229 = arith.cmpi eq, %iota3A, %eq3A_228 : vector<16xi32>
      %mul3A_230 = arith.mulf %reduce_sum3A_226, %reduce_sum3A_226 : f32
      %broadcast_in_dim3A_231 = vector.broadcast %mul3A_230 : f32 to vector<16xf32>
      %select_n3A_232 = arith.select %eq3A_229, %broadcast_in_dim3A_231, %broadcast_in_dim3A_28 : vector<16xi1>, vector<16xf32>
      %reduce_sum3A_233 = arith.constant true
      %reduce_sum3A_234 = vector.broadcast %reduce_sum3A_233 : i1 to vector<16xi1>
      %reduce_sum3A_235 = tpu.scan <sum>, %scan3A_221#1 masked %reduce_sum3A_234 : vector<16xf32>, vector<16xi1> -> vector<16xf32>
      %reduce_sum3A_236 = vector.extract %reduce_sum3A_235[15] : f32 from vector<16xf32>
      %eq3A_237 = arith.constant 1 : i32
      %eq3A_238 = vector.broadcast %eq3A_237 : i32 to vector<16xi32>
      %eq3A_239 = arith.cmpi eq, %iota3A, %eq3A_238 : vector<16xi32>
      %mul3A_240 = arith.mulf %reduce_sum3A_236, %reduce_sum3A_236 : f32
      %broadcast_in_dim3A_241 = vector.broadcast %mul3A_240 : f32 to vector<16xf32>
      %select_n3A_242 = arith.select %eq3A_239, %broadcast_in_dim3A_241, %select_n3A_232 : vector<16xi1>, vector<16xf32>
      %reduce_sum3A_243 = arith.constant true
      %reduce_sum3A_244 = vector.broadcast %reduce_sum3A_243 : i1 to vector<16xi1>
      %reduce_sum3A_245 = tpu.scan <sum>, %scan3A_221#2 masked %reduce_sum3A_244 : vector<16xf32>, vector<16xi1> -> vector<16xf32>
      %reduce_sum3A_246 = vector.extract %reduce_sum3A_245[15] : f32 from vector<16xf32>
      %eq3A_247 = arith.constant 2 : i32
      %eq3A_248 = vector.broadcast %eq3A_247 : i32 to vector<16xi32>
      %eq3A_249 = arith.cmpi eq, %iota3A, %eq3A_248 : vector<16xi32>
      %mul3A_250 = arith.mulf %reduce_sum3A_246, %reduce_sum3A_246 : f32
      %broadcast_in_dim3A_251 = vector.broadcast %mul3A_250 : f32 to vector<16xf32>
      %select_n3A_252 = arith.select %eq3A_249, %broadcast_in_dim3A_251, %select_n3A_242 : vector<16xi1>, vector<16xf32>
      %reduce_sum3A_253 = arith.constant true
      %reduce_sum3A_254 = vector.broadcast %reduce_sum3A_253 : i1 to vector<16xi1>
      %reduce_sum3A_255 = tpu.scan <sum>, %scan3A_221#3 masked %reduce_sum3A_254 : vector<16xf32>, vector<16xi1> -> vector<16xf32>
      %reduce_sum3A_256 = vector.extract %reduce_sum3A_255[15] : f32 from vector<16xf32>
      %eq3A_257 = arith.constant 3 : i32
      %eq3A_258 = vector.broadcast %eq3A_257 : i32 to vector<16xi32>
      %eq3A_259 = arith.cmpi eq, %iota3A, %eq3A_258 : vector<16xi32>
      %mul3A_260 = arith.mulf %reduce_sum3A_256, %reduce_sum3A_256 : f32
      %broadcast_in_dim3A_261 = vector.broadcast %mul3A_260 : f32 to vector<16xf32>
      %select_n3A_262 = arith.select %eq3A_259, %broadcast_in_dim3A_261, %select_n3A_252 : vector<16xi1>, vector<16xf32>
      %reduce_sum3A_263 = arith.constant true
      %reduce_sum3A_264 = vector.broadcast %reduce_sum3A_263 : i1 to vector<16xi1>
      %reduce_sum3A_265 = tpu.scan <sum>, %scan3A_221#4 masked %reduce_sum3A_264 : vector<16xf32>, vector<16xi1> -> vector<16xf32>
      %reduce_sum3A_266 = vector.extract %reduce_sum3A_265[15] : f32 from vector<16xf32>
      %eq3A_267 = arith.constant 4 : i32
      %eq3A_268 = vector.broadcast %eq3A_267 : i32 to vector<16xi32>
      %eq3A_269 = arith.cmpi eq, %iota3A, %eq3A_268 : vector<16xi32>
      %mul3A_270 = arith.mulf %reduce_sum3A_266, %reduce_sum3A_266 : f32
      %broadcast_in_dim3A_271 = vector.broadcast %mul3A_270 : f32 to vector<16xf32>
      %select_n3A_272 = arith.select %eq3A_269, %broadcast_in_dim3A_271, %select_n3A_262 : vector<16xi1>, vector<16xf32>
      %reduce_sum3A_273 = arith.constant true
      %reduce_sum3A_274 = vector.broadcast %reduce_sum3A_273 : i1 to vector<16xi1>
      %reduce_sum3A_275 = tpu.scan <sum>, %scan3A_221#5 masked %reduce_sum3A_274 : vector<16xf32>, vector<16xi1> -> vector<16xf32>
      %reduce_sum3A_276 = vector.extract %reduce_sum3A_275[15] : f32 from vector<16xf32>
      %eq3A_277 = arith.constant 5 : i32
      %eq3A_278 = vector.broadcast %eq3A_277 : i32 to vector<16xi32>
      %eq3A_279 = arith.cmpi eq, %iota3A, %eq3A_278 : vector<16xi32>
      %mul3A_280 = arith.mulf %reduce_sum3A_276, %reduce_sum3A_276 : f32
      %broadcast_in_dim3A_281 = vector.broadcast %mul3A_280 : f32 to vector<16xf32>
      %select_n3A_282 = arith.select %eq3A_279, %broadcast_in_dim3A_281, %select_n3A_272 : vector<16xi1>, vector<16xf32>
      %reduce_sum3A_283 = arith.constant true
      %reduce_sum3A_284 = vector.broadcast %reduce_sum3A_283 : i1 to vector<16xi1>
      %reduce_sum3A_285 = tpu.scan <sum>, %scan3A_221#6 masked %reduce_sum3A_284 : vector<16xf32>, vector<16xi1> -> vector<16xf32>
      %reduce_sum3A_286 = vector.extract %reduce_sum3A_285[15] : f32 from vector<16xf32>
      %eq3A_287 = arith.constant 6 : i32
      %eq3A_288 = vector.broadcast %eq3A_287 : i32 to vector<16xi32>
      %eq3A_289 = arith.cmpi eq, %iota3A, %eq3A_288 : vector<16xi32>
      %mul3A_290 = arith.mulf %reduce_sum3A_286, %reduce_sum3A_286 : f32
      %broadcast_in_dim3A_291 = vector.broadcast %mul3A_290 : f32 to vector<16xf32>
      %select_n3A_292 = arith.select %eq3A_289, %broadcast_in_dim3A_291, %select_n3A_282 : vector<16xi1>, vector<16xf32>
      %reduce_sum3A_293 = arith.constant true
      %reduce_sum3A_294 = vector.broadcast %reduce_sum3A_293 : i1 to vector<16xi1>
      %reduce_sum3A_295 = tpu.scan <sum>, %scan3A_221#7 masked %reduce_sum3A_294 : vector<16xf32>, vector<16xi1> -> vector<16xf32>
      %reduce_sum3A_296 = vector.extract %reduce_sum3A_295[15] : f32 from vector<16xf32>
      %eq3A_297 = arith.constant 7 : i32
      %eq3A_298 = vector.broadcast %eq3A_297 : i32 to vector<16xi32>
      %eq3A_299 = arith.cmpi eq, %iota3A, %eq3A_298 : vector<16xi32>
      %mul3A_300 = arith.mulf %reduce_sum3A_296, %reduce_sum3A_296 : f32
      %broadcast_in_dim3A_301 = vector.broadcast %mul3A_300 : f32 to vector<16xf32>
      %select_n3A_302 = arith.select %eq3A_299, %broadcast_in_dim3A_301, %select_n3A_292 : vector<16xi1>, vector<16xf32>
      %reduce_sum3A_303 = arith.constant true
      %reduce_sum3A_304 = vector.broadcast %reduce_sum3A_303 : i1 to vector<16xi1>
      %reduce_sum3A_305 = tpu.scan <sum>, %scan3A_221#8 masked %reduce_sum3A_304 : vector<16xf32>, vector<16xi1> -> vector<16xf32>
      %reduce_sum3A_306 = vector.extract %reduce_sum3A_305[15] : f32 from vector<16xf32>
      %eq3A_307 = arith.constant 8 : i32
      %eq3A_308 = vector.broadcast %eq3A_307 : i32 to vector<16xi32>
      %eq3A_309 = arith.cmpi eq, %iota3A, %eq3A_308 : vector<16xi32>
      %mul3A_310 = arith.mulf %reduce_sum3A_306, %reduce_sum3A_306 : f32
      %broadcast_in_dim3A_311 = vector.broadcast %mul3A_310 : f32 to vector<16xf32>
      %select_n3A_312 = arith.select %eq3A_309, %broadcast_in_dim3A_311, %select_n3A_302 : vector<16xi1>, vector<16xf32>
      %reduce_sum3A_313 = arith.constant true
      %reduce_sum3A_314 = vector.broadcast %reduce_sum3A_313 : i1 to vector<16xi1>
      %reduce_sum3A_315 = tpu.scan <sum>, %scan3A_221#9 masked %reduce_sum3A_314 : vector<16xf32>, vector<16xi1> -> vector<16xf32>
      %reduce_sum3A_316 = vector.extract %reduce_sum3A_315[15] : f32 from vector<16xf32>
      %eq3A_317 = arith.constant 9 : i32
      %eq3A_318 = vector.broadcast %eq3A_317 : i32 to vector<16xi32>
      %eq3A_319 = arith.cmpi eq, %iota3A, %eq3A_318 : vector<16xi32>
      %mul3A_320 = arith.mulf %reduce_sum3A_316, %reduce_sum3A_316 : f32
      %broadcast_in_dim3A_321 = vector.broadcast %mul3A_320 : f32 to vector<16xf32>
      %select_n3A_322 = arith.select %eq3A_319, %broadcast_in_dim3A_321, %select_n3A_312 : vector<16xi1>, vector<16xf32>
      %reduce_sum3A_323 = arith.constant true
      %reduce_sum3A_324 = vector.broadcast %reduce_sum3A_323 : i1 to vector<16xi1>
      %reduce_sum3A_325 = tpu.scan <sum>, %scan3A_221#10 masked %reduce_sum3A_324 : vector<16xf32>, vector<16xi1> -> vector<16xf32>
      %reduce_sum3A_326 = vector.extract %reduce_sum3A_325[15] : f32 from vector<16xf32>
      %eq3A_327 = arith.constant 10 : i32
      %eq3A_328 = vector.broadcast %eq3A_327 : i32 to vector<16xi32>
      %eq3A_329 = arith.cmpi eq, %iota3A, %eq3A_328 : vector<16xi32>
      %mul3A_330 = arith.mulf %reduce_sum3A_326, %reduce_sum3A_326 : f32
      %broadcast_in_dim3A_331 = vector.broadcast %mul3A_330 : f32 to vector<16xf32>
      %select_n3A_332 = arith.select %eq3A_329, %broadcast_in_dim3A_331, %select_n3A_322 : vector<16xi1>, vector<16xf32>
      %reduce_sum3A_333 = arith.constant true
      %reduce_sum3A_334 = vector.broadcast %reduce_sum3A_333 : i1 to vector<16xi1>
      %reduce_sum3A_335 = tpu.scan <sum>, %scan3A_221#11 masked %reduce_sum3A_334 : vector<16xf32>, vector<16xi1> -> vector<16xf32>
      %reduce_sum3A_336 = vector.extract %reduce_sum3A_335[15] : f32 from vector<16xf32>
      %eq3A_337 = arith.constant 11 : i32
      %eq3A_338 = vector.broadcast %eq3A_337 : i32 to vector<16xi32>
      %eq3A_339 = arith.cmpi eq, %iota3A, %eq3A_338 : vector<16xi32>
      %mul3A_340 = arith.mulf %reduce_sum3A_336, %reduce_sum3A_336 : f32
      %broadcast_in_dim3A_341 = vector.broadcast %mul3A_340 : f32 to vector<16xf32>
      %select_n3A_342 = arith.select %eq3A_339, %broadcast_in_dim3A_341, %select_n3A_332 : vector<16xi1>, vector<16xf32>
      %reduce_sum3A_343 = arith.constant true
      %reduce_sum3A_344 = vector.broadcast %reduce_sum3A_343 : i1 to vector<16xi1>
      %reduce_sum3A_345 = tpu.scan <sum>, %scan3A_221#12 masked %reduce_sum3A_344 : vector<16xf32>, vector<16xi1> -> vector<16xf32>
      %reduce_sum3A_346 = vector.extract %reduce_sum3A_345[15] : f32 from vector<16xf32>
      %eq3A_347 = arith.constant 12 : i32
      %eq3A_348 = vector.broadcast %eq3A_347 : i32 to vector<16xi32>
      %eq3A_349 = arith.cmpi eq, %iota3A, %eq3A_348 : vector<16xi32>
      %mul3A_350 = arith.mulf %reduce_sum3A_346, %reduce_sum3A_346 : f32
      %broadcast_in_dim3A_351 = vector.broadcast %mul3A_350 : f32 to vector<16xf32>
      %select_n3A_352 = arith.select %eq3A_349, %broadcast_in_dim3A_351, %select_n3A_342 : vector<16xi1>, vector<16xf32>
      %reduce_sum3A_353 = arith.constant true
      %reduce_sum3A_354 = vector.broadcast %reduce_sum3A_353 : i1 to vector<16xi1>
      %reduce_sum3A_355 = tpu.scan <sum>, %scan3A_221#13 masked %reduce_sum3A_354 : vector<16xf32>, vector<16xi1> -> vector<16xf32>
      %reduce_sum3A_356 = vector.extract %reduce_sum3A_355[15] : f32 from vector<16xf32>
      %eq3A_357 = arith.constant 13 : i32
      %eq3A_358 = vector.broadcast %eq3A_357 : i32 to vector<16xi32>
      %eq3A_359 = arith.cmpi eq, %iota3A, %eq3A_358 : vector<16xi32>
      %mul3A_360 = arith.mulf %reduce_sum3A_356, %reduce_sum3A_356 : f32
      %broadcast_in_dim3A_361 = vector.broadcast %mul3A_360 : f32 to vector<16xf32>
      %select_n3A_362 = arith.select %eq3A_359, %broadcast_in_dim3A_361, %select_n3A_352 : vector<16xi1>, vector<16xf32>
      %reduce_sum3A_363 = arith.constant true
      %reduce_sum3A_364 = vector.broadcast %reduce_sum3A_363 : i1 to vector<16xi1>
      %reduce_sum3A_365 = tpu.scan <sum>, %scan3A_221#14 masked %reduce_sum3A_364 : vector<16xf32>, vector<16xi1> -> vector<16xf32>
      %reduce_sum3A_366 = vector.extract %reduce_sum3A_365[15] : f32 from vector<16xf32>
      %eq3A_367 = arith.constant 14 : i32
      %eq3A_368 = vector.broadcast %eq3A_367 : i32 to vector<16xi32>
      %eq3A_369 = arith.cmpi eq, %iota3A, %eq3A_368 : vector<16xi32>
      %mul3A_370 = arith.mulf %reduce_sum3A_366, %reduce_sum3A_366 : f32
      %broadcast_in_dim3A_371 = vector.broadcast %mul3A_370 : f32 to vector<16xf32>
      %select_n3A_372 = arith.select %eq3A_369, %broadcast_in_dim3A_371, %select_n3A_362 : vector<16xi1>, vector<16xf32>
      %reduce_sum3A_373 = arith.constant true
      %reduce_sum3A_374 = vector.broadcast %reduce_sum3A_373 : i1 to vector<16xi1>
      %reduce_sum3A_375 = tpu.scan <sum>, %scan3A_221#15 masked %reduce_sum3A_374 : vector<16xf32>, vector<16xi1> -> vector<16xf32>
      %reduce_sum3A_376 = vector.extract %reduce_sum3A_375[15] : f32 from vector<16xf32>
      %eq3A_377 = arith.constant 15 : i32
      %eq3A_378 = vector.broadcast %eq3A_377 : i32 to vector<16xi32>
      %eq3A_379 = arith.cmpi eq, %iota3A, %eq3A_378 : vector<16xi32>
      %mul3A_380 = arith.mulf %reduce_sum3A_376, %reduce_sum3A_376 : f32
      %broadcast_in_dim3A_381 = vector.broadcast %mul3A_380 : f32 to vector<16xf32>
      %select_n3A_382 = arith.select %eq3A_379, %broadcast_in_dim3A_381, %select_n3A_372 : vector<16xi1>, vector<16xf32>
      %mul3A_383 = arith.constant 6 : i32
      %mul3A_384 = arith.muli %add3A_40, %mul3A_383 : i32
      %add3A_385 = arith.constant 2 : i32
      %add3A_386 = arith.addi %mul3A_384, %add3A_385 : i32
      %mul3A_387 = arith.constant 8 : i32
      %mul3A_388 = arith.muli %add3A_386, %mul3A_387 : i32
      %add3A_389 = vector.broadcast %mul3A_388 : i32 to vector<16xi32>
      %add3A_390 = arith.addi %add3A_389, %iota3A : vector<16xi32>
      tpu.vector_store_idx %arg8[%add3A_390], %select_n3A_382 : memref<384xf32, #tpu.memory_space<vmem>>[vector<16xi32>], vector<16xf32>,
      %scan3A_391 = arith.constant 0 : i32
      %scan3A_392 = arith.constant 64 : i32
      %scan3A_393 = arith.addi %scan3A_391, %scan3A_392 : i32
      %scan3A_394 = arith.constant 1 : i32
      %scan3A_395:16 = scf.for %scan3A_1107 = %scan3A_391 to %scan3A_393 step %scan3A_394 iter_args(%scan3A_1108 = %broadcast_in_dim3A_28, %scan3A_1109 = %broadcast_in_dim3A_28, %scan3A_1110 = %broadcast_in_dim3A_28, %scan3A_1111 = %broadcast_in_dim3A_28, %scan3A_1112 = %broadcast_in_dim3A_28, %scan3A_1113 = %broadcast_in_dim3A_28, %scan3A_1114 = %broadcast_in_dim3A_28, %scan3A_1115 = %broadcast_in_dim3A_28, %scan3A_1116 = %broadcast_in_dim3A_28, %scan3A_1117 = %broadcast_in_dim3A_28, %scan3A_1118 = %broadcast_in_dim3A_28, %scan3A_1119 = %broadcast_in_dim3A_28, %scan3A_1120 = %broadcast_in_dim3A_28, %scan3A_1121 = %broadcast_in_dim3A_28, %scan3A_1122 = %broadcast_in_dim3A_28, %scan3A_1123 = %broadcast_in_dim3A_28) -> (vector<16xf32>, vector<16xf32>, vector<16xf32>, vector<16xf32>, vector<16xf32>, vector<16xf32>, vector<16xf32>, vector<16xf32>, vector<16xf32>, vector<16xf32>, vector<16xf32>, vector<16xf32>, vector<16xf32>, vector<16xf32>, vector<16xf32>, vector<16xf32>)  : i32 {
        %mul3A_1124 = arith.constant 16 : i32
        %mul3A_1125 = arith.muli %scan3A_1107, %mul3A_1124 : i32
        %get3A = arith.index_cast %mul3A_1125 : i32 to index
        %get3A_1126 = tpu.vector_load %arg7[%get3A] {strides = array<i32>} : memref<1024xf32, #tpu.memory_space<vmem>>, vector<16xf32>,
        %shift_right_arithmetic3A = arith.constant 3 : i32
        %shift_right_arithmetic3A_1127 = arith.shrsi %scan3A_1107, %shift_right_arithmetic3A : i32
        %mul3A_1128 = arith.constant 1024 : i32
        %mul3A_1129 = arith.muli %shift_right_arithmetic3A_1127, %mul3A_1128 : i32
        %add3A_1130 = arith.constant 32768 : i32
        %add3A_1131 = arith.addi %add3A_1130, %mul3A_1129 : i32
        %and3A_1132 = arith.constant 7 : i32
        %and3A_1133 = arith.andi %scan3A_1107, %and3A_1132 : i32
        %shift_left3A = arith.constant 4 : i32
        %shift_left3A_1134 = arith.shli %and3A_1133, %shift_left3A : i32
        %add3A_1135 = arith.addi %add3A_1131, %shift_left3A_1134 : i32
        %add3A_1136 = arith.constant 0 : i32
        %add3A_1137 = arith.addi %add3A_1135, %add3A_1136 : i32
        %add3A_1138 = arith.constant 0 : i32
        %add3A_1139 = arith.addi %add3A_1137, %add3A_1138 : i32
        %get3A_1140 = arith.index_cast %add3A_1139 : i32 to index
        %get3A_1141 = tpu.vector_load %arg5[%get3A_1140] {strides = array<i32>} : memref<49152xf32, #tpu.memory_space<vmem>>, vector<16xf32>,
        %mul3A_1142 = arith.mulf %get3A_1141, %get3A_1126 : vector<16xf32>
        %add3A_1143 = arith.addf %scan3A_1108, %mul3A_1142 : vector<16xf32>
        %add3A_1144 = arith.constant 0 : i32
        %add3A_1145 = arith.addi %add3A_1135, %add3A_1144 : i32
        %add3A_1146 = arith.constant 128 : i32
        %add3A_1147 = arith.addi %add3A_1145, %add3A_1146 : i32
        %get3A_1148 = arith.index_cast %add3A_1147 : i32 to index
        %get3A_1149 = tpu.vector_load %arg5[%get3A_1148] {strides = array<i32>} : memref<49152xf32, #tpu.memory_space<vmem>>, vector<16xf32>,
        %mul3A_1150 = arith.mulf %get3A_1149, %get3A_1126 : vector<16xf32>
        %add3A_1151 = arith.addf %scan3A_1109, %mul3A_1150 : vector<16xf32>
        %add3A_1152 = arith.constant 0 : i32
        %add3A_1153 = arith.addi %add3A_1135, %add3A_1152 : i32
        %add3A_1154 = arith.constant 256 : i32
        %add3A_1155 = arith.addi %add3A_1153, %add3A_1154 : i32
        %get3A_1156 = arith.index_cast %add3A_1155 : i32 to index
        %get3A_1157 = tpu.vector_load %arg5[%get3A_1156] {strides = array<i32>} : memref<49152xf32, #tpu.memory_space<vmem>>, vector<16xf32>,
        %mul3A_1158 = arith.mulf %get3A_1157, %get3A_1126 : vector<16xf32>
        %add3A_1159 = arith.addf %scan3A_1110, %mul3A_1158 : vector<16xf32>
        %add3A_1160 = arith.constant 0 : i32
        %add3A_1161 = arith.addi %add3A_1135, %add3A_1160 : i32
        %add3A_1162 = arith.constant 384 : i32
        %add3A_1163 = arith.addi %add3A_1161, %add3A_1162 : i32
        %get3A_1164 = arith.index_cast %add3A_1163 : i32 to index
        %get3A_1165 = tpu.vector_load %arg5[%get3A_1164] {strides = array<i32>} : memref<49152xf32, #tpu.memory_space<vmem>>, vector<16xf32>,
        %mul3A_1166 = arith.mulf %get3A_1165, %get3A_1126 : vector<16xf32>
        %add3A_1167 = arith.addf %scan3A_1111, %mul3A_1166 : vector<16xf32>
        %add3A_1168 = arith.constant 0 : i32
        %add3A_1169 = arith.addi %add3A_1135, %add3A_1168 : i32
        %add3A_1170 = arith.constant 512 : i32
        %add3A_1171 = arith.addi %add3A_1169, %add3A_1170 : i32
        %get3A_1172 = arith.index_cast %add3A_1171 : i32 to index
        %get3A_1173 = tpu.vector_load %arg5[%get3A_1172] {strides = array<i32>} : memref<49152xf32, #tpu.memory_space<vmem>>, vector<16xf32>,
        %mul3A_1174 = arith.mulf %get3A_1173, %get3A_1126 : vector<16xf32>
        %add3A_1175 = arith.addf %scan3A_1112, %mul3A_1174 : vector<16xf32>
        %add3A_1176 = arith.constant 0 : i32
        %add3A_1177 = arith.addi %add3A_1135, %add3A_1176 : i32
        %add3A_1178 = arith.constant 640 : i32
        %add3A_1179 = arith.addi %add3A_1177, %add3A_1178 : i32
        %get3A_1180 = arith.index_cast %add3A_1179 : i32 to index
        %get3A_1181 = tpu.vector_load %arg5[%get3A_1180] {strides = array<i32>} : memref<49152xf32, #tpu.memory_space<vmem>>, vector<16xf32>,
        %mul3A_1182 = arith.mulf %get3A_1181, %get3A_1126 : vector<16xf32>
        %add3A_1183 = arith.addf %scan3A_1113, %mul3A_1182 : vector<16xf32>
        %add3A_1184 = arith.constant 0 : i32
        %add3A_1185 = arith.addi %add3A_1135, %add3A_1184 : i32
        %add3A_1186 = arith.constant 768 : i32
        %add3A_1187 = arith.addi %add3A_1185, %add3A_1186 : i32
        %get3A_1188 = arith.index_cast %add3A_1187 : i32 to index
        %get3A_1189 = tpu.vector_load %arg5[%get3A_1188] {strides = array<i32>} : memref<49152xf32, #tpu.memory_space<vmem>>, vector<16xf32>,
        %mul3A_1190 = arith.mulf %get3A_1189, %get3A_1126 : vector<16xf32>
        %add3A_1191 = arith.addf %scan3A_1114, %mul3A_1190 : vector<16xf32>
        %add3A_1192 = arith.constant 0 : i32
        %add3A_1193 = arith.addi %add3A_1135, %add3A_1192 : i32
        %add3A_1194 = arith.constant 896 : i32
        %add3A_1195 = arith.addi %add3A_1193, %add3A_1194 : i32
        %get3A_1196 = arith.index_cast %add3A_1195 : i32 to index
        %get3A_1197 = tpu.vector_load %arg5[%get3A_1196] {strides = array<i32>} : memref<49152xf32, #tpu.memory_space<vmem>>, vector<16xf32>,
        %mul3A_1198 = arith.mulf %get3A_1197, %get3A_1126 : vector<16xf32>
        %add3A_1199 = arith.addf %scan3A_1115, %mul3A_1198 : vector<16xf32>
        %add3A_1200 = arith.constant 8192 : i32
        %add3A_1201 = arith.addi %add3A_1135, %add3A_1200 : i32
        %add3A_1202 = arith.constant 0 : i32
        %add3A_1203 = arith.addi %add3A_1201, %add3A_1202 : i32
        %get3A_1204 = arith.index_cast %add3A_1203 : i32 to index
        %get3A_1205 = tpu.vector_load %arg5[%get3A_1204] {strides = array<i32>} : memref<49152xf32, #tpu.memory_space<vmem>>, vector<16xf32>,
        %mul3A_1206 = arith.mulf %get3A_1205, %get3A_1126 : vector<16xf32>
        %add3A_1207 = arith.addf %scan3A_1116, %mul3A_1206 : vector<16xf32>
        %add3A_1208 = arith.constant 8192 : i32
        %add3A_1209 = arith.addi %add3A_1135, %add3A_1208 : i32
        %add3A_1210 = arith.constant 128 : i32
        %add3A_1211 = arith.addi %add3A_1209, %add3A_1210 : i32
        %get3A_1212 = arith.index_cast %add3A_1211 : i32 to index
        %get3A_1213 = tpu.vector_load %arg5[%get3A_1212] {strides = array<i32>} : memref<49152xf32, #tpu.memory_space<vmem>>, vector<16xf32>,
        %mul3A_1214 = arith.mulf %get3A_1213, %get3A_1126 : vector<16xf32>
        %add3A_1215 = arith.addf %scan3A_1117, %mul3A_1214 : vector<16xf32>
        %add3A_1216 = arith.constant 8192 : i32
        %add3A_1217 = arith.addi %add3A_1135, %add3A_1216 : i32
        %add3A_1218 = arith.constant 256 : i32
        %add3A_1219 = arith.addi %add3A_1217, %add3A_1218 : i32
        %get3A_1220 = arith.index_cast %add3A_1219 : i32 to index
        %get3A_1221 = tpu.vector_load %arg5[%get3A_1220] {strides = array<i32>} : memref<49152xf32, #tpu.memory_space<vmem>>, vector<16xf32>,
        %mul3A_1222 = arith.mulf %get3A_1221, %get3A_1126 : vector<16xf32>
        %add3A_1223 = arith.addf %scan3A_1118, %mul3A_1222 : vector<16xf32>
        %add3A_1224 = arith.constant 8192 : i32
        %add3A_1225 = arith.addi %add3A_1135, %add3A_1224 : i32
        %add3A_1226 = arith.constant 384 : i32
        %add3A_1227 = arith.addi %add3A_1225, %add3A_1226 : i32
        %get3A_1228 = arith.index_cast %add3A_1227 : i32 to index
        %get3A_1229 = tpu.vector_load %arg5[%get3A_1228] {strides = array<i32>} : memref<49152xf32, #tpu.memory_space<vmem>>, vector<16xf32>,
        %mul3A_1230 = arith.mulf %get3A_1229, %get3A_1126 : vector<16xf32>
        %add3A_1231 = arith.addf %scan3A_1119, %mul3A_1230 : vector<16xf32>
        %add3A_1232 = arith.constant 8192 : i32
        %add3A_1233 = arith.addi %add3A_1135, %add3A_1232 : i32
        %add3A_1234 = arith.constant 512 : i32
        %add3A_1235 = arith.addi %add3A_1233, %add3A_1234 : i32
        %get3A_1236 = arith.index_cast %add3A_1235 : i32 to index
        %get3A_1237 = tpu.vector_load %arg5[%get3A_1236] {strides = array<i32>} : memref<49152xf32, #tpu.memory_space<vmem>>, vector<16xf32>,
        %mul3A_1238 = arith.mulf %get3A_1237, %get3A_1126 : vector<16xf32>
        %add3A_1239 = arith.addf %scan3A_1120, %mul3A_1238 : vector<16xf32>
        %add3A_1240 = arith.constant 8192 : i32
        %add3A_1241 = arith.addi %add3A_1135, %add3A_1240 : i32
        %add3A_1242 = arith.constant 640 : i32
        %add3A_1243 = arith.addi %add3A_1241, %add3A_1242 : i32
        %get3A_1244 = arith.index_cast %add3A_1243 : i32 to index
        %get3A_1245 = tpu.vector_load %arg5[%get3A_1244] {strides = array<i32>} : memref<49152xf32, #tpu.memory_space<vmem>>, vector<16xf32>,
        %mul3A_1246 = arith.mulf %get3A_1245, %get3A_1126 : vector<16xf32>
        %add3A_1247 = arith.addf %scan3A_1121, %mul3A_1246 : vector<16xf32>
        %add3A_1248 = arith.constant 8192 : i32
        %add3A_1249 = arith.addi %add3A_1135, %add3A_1248 : i32
        %add3A_1250 = arith.constant 768 : i32
        %add3A_1251 = arith.addi %add3A_1249, %add3A_1250 : i32
        %get3A_1252 = arith.index_cast %add3A_1251 : i32 to index
        %get3A_1253 = tpu.vector_load %arg5[%get3A_1252] {strides = array<i32>} : memref<49152xf32, #tpu.memory_space<vmem>>, vector<16xf32>,
        %mul3A_1254 = arith.mulf %get3A_1253, %get3A_1126 : vector<16xf32>
        %add3A_1255 = arith.addf %scan3A_1122, %mul3A_1254 : vector<16xf32>
        %add3A_1256 = arith.constant 8192 : i32
        %add3A_1257 = arith.addi %add3A_1135, %add3A_1256 : i32
        %add3A_1258 = arith.constant 896 : i32
        %add3A_1259 = arith.addi %add3A_1257, %add3A_1258 : i32
        %get3A_1260 = arith.index_cast %add3A_1259 : i32 to index
        %get3A_1261 = tpu.vector_load %arg5[%get3A_1260] {strides = array<i32>} : memref<49152xf32, #tpu.memory_space<vmem>>, vector<16xf32>,
        %mul3A_1262 = arith.mulf %get3A_1261, %get3A_1126 : vector<16xf32>
        %add3A_1263 = arith.addf %scan3A_1123, %mul3A_1262 : vector<16xf32>
        scf.yield %add3A_1143, %add3A_1151, %add3A_1159, %add3A_1167, %add3A_1175, %add3A_1183, %add3A_1191, %add3A_1199, %add3A_1207, %add3A_1215, %add3A_1223, %add3A_1231, %add3A_1239, %add3A_1247, %add3A_1255, %add3A_1263 : vector<16xf32>, vector<16xf32>, vector<16xf32>, vector<16xf32>, vector<16xf32>, vector<16xf32>, vector<16xf32>, vector<16xf32>, vector<16xf32>, vector<16xf32>, vector<16xf32>, vector<16xf32>, vector<16xf32>, vector<16xf32>, vector<16xf32>, vector<16xf32>
      }
      %scan3A_396 = arith.constant 64 : i32
      %reduce_sum3A_397 = arith.constant true
      %reduce_sum3A_398 = vector.broadcast %reduce_sum3A_397 : i1 to vector<16xi1>
      %reduce_sum3A_399 = tpu.scan <sum>, %scan3A_395#0 masked %reduce_sum3A_398 : vector<16xf32>, vector<16xi1> -> vector<16xf32>
      %reduce_sum3A_400 = vector.extract %reduce_sum3A_399[15] : f32 from vector<16xf32>
      %eq3A_401 = arith.constant 0 : i32
      %eq3A_402 = vector.broadcast %eq3A_401 : i32 to vector<16xi32>
      %eq3A_403 = arith.cmpi eq, %iota3A, %eq3A_402 : vector<16xi32>
      %mul3A_404 = arith.mulf %reduce_sum3A_400, %reduce_sum3A_400 : f32
      %broadcast_in_dim3A_405 = vector.broadcast %mul3A_404 : f32 to vector<16xf32>
      %select_n3A_406 = arith.select %eq3A_403, %broadcast_in_dim3A_405, %broadcast_in_dim3A_28 : vector<16xi1>, vector<16xf32>
      %reduce_sum3A_407 = arith.constant true
      %reduce_sum3A_408 = vector.broadcast %reduce_sum3A_407 : i1 to vector<16xi1>
      %reduce_sum3A_409 = tpu.scan <sum>, %scan3A_395#1 masked %reduce_sum3A_408 : vector<16xf32>, vector<16xi1> -> vector<16xf32>
      %reduce_sum3A_410 = vector.extract %reduce_sum3A_409[15] : f32 from vector<16xf32>
      %eq3A_411 = arith.constant 1 : i32
      %eq3A_412 = vector.broadcast %eq3A_411 : i32 to vector<16xi32>
      %eq3A_413 = arith.cmpi eq, %iota3A, %eq3A_412 : vector<16xi32>
      %mul3A_414 = arith.mulf %reduce_sum3A_410, %reduce_sum3A_410 : f32
      %broadcast_in_dim3A_415 = vector.broadcast %mul3A_414 : f32 to vector<16xf32>
      %select_n3A_416 = arith.select %eq3A_413, %broadcast_in_dim3A_415, %select_n3A_406 : vector<16xi1>, vector<16xf32>
      %reduce_sum3A_417 = arith.constant true
      %reduce_sum3A_418 = vector.broadcast %reduce_sum3A_417 : i1 to vector<16xi1>
      %reduce_sum3A_419 = tpu.scan <sum>, %scan3A_395#2 masked %reduce_sum3A_418 : vector<16xf32>, vector<16xi1> -> vector<16xf32>
      %reduce_sum3A_420 = vector.extract %reduce_sum3A_419[15] : f32 from vector<16xf32>
      %eq3A_421 = arith.constant 2 : i32
      %eq3A_422 = vector.broadcast %eq3A_421 : i32 to vector<16xi32>
      %eq3A_423 = arith.cmpi eq, %iota3A, %eq3A_422 : vector<16xi32>
      %mul3A_424 = arith.mulf %reduce_sum3A_420, %reduce_sum3A_420 : f32
      %broadcast_in_dim3A_425 = vector.broadcast %mul3A_424 : f32 to vector<16xf32>
      %select_n3A_426 = arith.select %eq3A_423, %broadcast_in_dim3A_425, %select_n3A_416 : vector<16xi1>, vector<16xf32>
      %reduce_sum3A_427 = arith.constant true
      %reduce_sum3A_428 = vector.broadcast %reduce_sum3A_427 : i1 to vector<16xi1>
      %reduce_sum3A_429 = tpu.scan <sum>, %scan3A_395#3 masked %reduce_sum3A_428 : vector<16xf32>, vector<16xi1> -> vector<16xf32>
      %reduce_sum3A_430 = vector.extract %reduce_sum3A_429[15] : f32 from vector<16xf32>
      %eq3A_431 = arith.constant 3 : i32
      %eq3A_432 = vector.broadcast %eq3A_431 : i32 to vector<16xi32>
      %eq3A_433 = arith.cmpi eq, %iota3A, %eq3A_432 : vector<16xi32>
      %mul3A_434 = arith.mulf %reduce_sum3A_430, %reduce_sum3A_430 : f32
      %broadcast_in_dim3A_435 = vector.broadcast %mul3A_434 : f32 to vector<16xf32>
      %select_n3A_436 = arith.select %eq3A_433, %broadcast_in_dim3A_435, %select_n3A_426 : vector<16xi1>, vector<16xf32>
      %reduce_sum3A_437 = arith.constant true
      %reduce_sum3A_438 = vector.broadcast %reduce_sum3A_437 : i1 to vector<16xi1>
      %reduce_sum3A_439 = tpu.scan <sum>, %scan3A_395#4 masked %reduce_sum3A_438 : vector<16xf32>, vector<16xi1> -> vector<16xf32>
      %reduce_sum3A_440 = vector.extract %reduce_sum3A_439[15] : f32 from vector<16xf32>
      %eq3A_441 = arith.constant 4 : i32
      %eq3A_442 = vector.broadcast %eq3A_441 : i32 to vector<16xi32>
      %eq3A_443 = arith.cmpi eq, %iota3A, %eq3A_442 : vector<16xi32>
      %mul3A_444 = arith.mulf %reduce_sum3A_440, %reduce_sum3A_440 : f32
      %broadcast_in_dim3A_445 = vector.broadcast %mul3A_444 : f32 to vector<16xf32>
      %select_n3A_446 = arith.select %eq3A_443, %broadcast_in_dim3A_445, %select_n3A_436 : vector<16xi1>, vector<16xf32>
      %reduce_sum3A_447 = arith.constant true
      %reduce_sum3A_448 = vector.broadcast %reduce_sum3A_447 : i1 to vector<16xi1>
      %reduce_sum3A_449 = tpu.scan <sum>, %scan3A_395#5 masked %reduce_sum3A_448 : vector<16xf32>, vector<16xi1> -> vector<16xf32>
      %reduce_sum3A_450 = vector.extract %reduce_sum3A_449[15] : f32 from vector<16xf32>
      %eq3A_451 = arith.constant 5 : i32
      %eq3A_452 = vector.broadcast %eq3A_451 : i32 to vector<16xi32>
      %eq3A_453 = arith.cmpi eq, %iota3A, %eq3A_452 : vector<16xi32>
      %mul3A_454 = arith.mulf %reduce_sum3A_450, %reduce_sum3A_450 : f32
      %broadcast_in_dim3A_455 = vector.broadcast %mul3A_454 : f32 to vector<16xf32>
      %select_n3A_456 = arith.select %eq3A_453, %broadcast_in_dim3A_455, %select_n3A_446 : vector<16xi1>, vector<16xf32>
      %reduce_sum3A_457 = arith.constant true
      %reduce_sum3A_458 = vector.broadcast %reduce_sum3A_457 : i1 to vector<16xi1>
      %reduce_sum3A_459 = tpu.scan <sum>, %scan3A_395#6 masked %reduce_sum3A_458 : vector<16xf32>, vector<16xi1> -> vector<16xf32>
      %reduce_sum3A_460 = vector.extract %reduce_sum3A_459[15] : f32 from vector<16xf32>
      %eq3A_461 = arith.constant 6 : i32
      %eq3A_462 = vector.broadcast %eq3A_461 : i32 to vector<16xi32>
      %eq3A_463 = arith.cmpi eq, %iota3A, %eq3A_462 : vector<16xi32>
      %mul3A_464 = arith.mulf %reduce_sum3A_460, %reduce_sum3A_460 : f32
      %broadcast_in_dim3A_465 = vector.broadcast %mul3A_464 : f32 to vector<16xf32>
      %select_n3A_466 = arith.select %eq3A_463, %broadcast_in_dim3A_465, %select_n3A_456 : vector<16xi1>, vector<16xf32>
      %reduce_sum3A_467 = arith.constant true
      %reduce_sum3A_468 = vector.broadcast %reduce_sum3A_467 : i1 to vector<16xi1>
      %reduce_sum3A_469 = tpu.scan <sum>, %scan3A_395#7 masked %reduce_sum3A_468 : vector<16xf32>, vector<16xi1> -> vector<16xf32>
      %reduce_sum3A_470 = vector.extract %reduce_sum3A_469[15] : f32 from vector<16xf32>
      %eq3A_471 = arith.constant 7 : i32
      %eq3A_472 = vector.broadcast %eq3A_471 : i32 to vector<16xi32>
      %eq3A_473 = arith.cmpi eq, %iota3A, %eq3A_472 : vector<16xi32>
      %mul3A_474 = arith.mulf %reduce_sum3A_470, %reduce_sum3A_470 : f32
      %broadcast_in_dim3A_475 = vector.broadcast %mul3A_474 : f32 to vector<16xf32>
      %select_n3A_476 = arith.select %eq3A_473, %broadcast_in_dim3A_475, %select_n3A_466 : vector<16xi1>, vector<16xf32>
      %reduce_sum3A_477 = arith.constant true
      %reduce_sum3A_478 = vector.broadcast %reduce_sum3A_477 : i1 to vector<16xi1>
      %reduce_sum3A_479 = tpu.scan <sum>, %scan3A_395#8 masked %reduce_sum3A_478 : vector<16xf32>, vector<16xi1> -> vector<16xf32>
      %reduce_sum3A_480 = vector.extract %reduce_sum3A_479[15] : f32 from vector<16xf32>
      %eq3A_481 = arith.constant 8 : i32
      %eq3A_482 = vector.broadcast %eq3A_481 : i32 to vector<16xi32>
      %eq3A_483 = arith.cmpi eq, %iota3A, %eq3A_482 : vector<16xi32>
      %mul3A_484 = arith.mulf %reduce_sum3A_480, %reduce_sum3A_480 : f32
      %broadcast_in_dim3A_485 = vector.broadcast %mul3A_484 : f32 to vector<16xf32>
      %select_n3A_486 = arith.select %eq3A_483, %broadcast_in_dim3A_485, %select_n3A_476 : vector<16xi1>, vector<16xf32>
      %reduce_sum3A_487 = arith.constant true
      %reduce_sum3A_488 = vector.broadcast %reduce_sum3A_487 : i1 to vector<16xi1>
      %reduce_sum3A_489 = tpu.scan <sum>, %scan3A_395#9 masked %reduce_sum3A_488 : vector<16xf32>, vector<16xi1> -> vector<16xf32>
      %reduce_sum3A_490 = vector.extract %reduce_sum3A_489[15] : f32 from vector<16xf32>
      %eq3A_491 = arith.constant 9 : i32
      %eq3A_492 = vector.broadcast %eq3A_491 : i32 to vector<16xi32>
      %eq3A_493 = arith.cmpi eq, %iota3A, %eq3A_492 : vector<16xi32>
      %mul3A_494 = arith.mulf %reduce_sum3A_490, %reduce_sum3A_490 : f32
      %broadcast_in_dim3A_495 = vector.broadcast %mul3A_494 : f32 to vector<16xf32>
      %select_n3A_496 = arith.select %eq3A_493, %broadcast_in_dim3A_495, %select_n3A_486 : vector<16xi1>, vector<16xf32>
      %reduce_sum3A_497 = arith.constant true
      %reduce_sum3A_498 = vector.broadcast %reduce_sum3A_497 : i1 to vector<16xi1>
      %reduce_sum3A_499 = tpu.scan <sum>, %scan3A_395#10 masked %reduce_sum3A_498 : vector<16xf32>, vector<16xi1> -> vector<16xf32>
      %reduce_sum3A_500 = vector.extract %reduce_sum3A_499[15] : f32 from vector<16xf32>
      %eq3A_501 = arith.constant 10 : i32
      %eq3A_502 = vector.broadcast %eq3A_501 : i32 to vector<16xi32>
      %eq3A_503 = arith.cmpi eq, %iota3A, %eq3A_502 : vector<16xi32>
      %mul3A_504 = arith.mulf %reduce_sum3A_500, %reduce_sum3A_500 : f32
      %broadcast_in_dim3A_505 = vector.broadcast %mul3A_504 : f32 to vector<16xf32>
      %select_n3A_506 = arith.select %eq3A_503, %broadcast_in_dim3A_505, %select_n3A_496 : vector<16xi1>, vector<16xf32>
      %reduce_sum3A_507 = arith.constant true
      %reduce_sum3A_508 = vector.broadcast %reduce_sum3A_507 : i1 to vector<16xi1>
      %reduce_sum3A_509 = tpu.scan <sum>, %scan3A_395#11 masked %reduce_sum3A_508 : vector<16xf32>, vector<16xi1> -> vector<16xf32>
      %reduce_sum3A_510 = vector.extract %reduce_sum3A_509[15] : f32 from vector<16xf32>
      %eq3A_511 = arith.constant 11 : i32
      %eq3A_512 = vector.broadcast %eq3A_511 : i32 to vector<16xi32>
      %eq3A_513 = arith.cmpi eq, %iota3A, %eq3A_512 : vector<16xi32>
      %mul3A_514 = arith.mulf %reduce_sum3A_510, %reduce_sum3A_510 : f32
      %broadcast_in_dim3A_515 = vector.broadcast %mul3A_514 : f32 to vector<16xf32>
      %select_n3A_516 = arith.select %eq3A_513, %broadcast_in_dim3A_515, %select_n3A_506 : vector<16xi1>, vector<16xf32>
      %reduce_sum3A_517 = arith.constant true
      %reduce_sum3A_518 = vector.broadcast %reduce_sum3A_517 : i1 to vector<16xi1>
      %reduce_sum3A_519 = tpu.scan <sum>, %scan3A_395#12 masked %reduce_sum3A_518 : vector<16xf32>, vector<16xi1> -> vector<16xf32>
      %reduce_sum3A_520 = vector.extract %reduce_sum3A_519[15] : f32 from vector<16xf32>
      %eq3A_521 = arith.constant 12 : i32
      %eq3A_522 = vector.broadcast %eq3A_521 : i32 to vector<16xi32>
      %eq3A_523 = arith.cmpi eq, %iota3A, %eq3A_522 : vector<16xi32>
      %mul3A_524 = arith.mulf %reduce_sum3A_520, %reduce_sum3A_520 : f32
      %broadcast_in_dim3A_525 = vector.broadcast %mul3A_524 : f32 to vector<16xf32>
      %select_n3A_526 = arith.select %eq3A_523, %broadcast_in_dim3A_525, %select_n3A_516 : vector<16xi1>, vector<16xf32>
      %reduce_sum3A_527 = arith.constant true
      %reduce_sum3A_528 = vector.broadcast %reduce_sum3A_527 : i1 to vector<16xi1>
      %reduce_sum3A_529 = tpu.scan <sum>, %scan3A_395#13 masked %reduce_sum3A_528 : vector<16xf32>, vector<16xi1> -> vector<16xf32>
      %reduce_sum3A_530 = vector.extract %reduce_sum3A_529[15] : f32 from vector<16xf32>
      %eq3A_531 = arith.constant 13 : i32
      %eq3A_532 = vector.broadcast %eq3A_531 : i32 to vector<16xi32>
      %eq3A_533 = arith.cmpi eq, %iota3A, %eq3A_532 : vector<16xi32>
      %mul3A_534 = arith.mulf %reduce_sum3A_530, %reduce_sum3A_530 : f32
      %broadcast_in_dim3A_535 = vector.broadcast %mul3A_534 : f32 to vector<16xf32>
      %select_n3A_536 = arith.select %eq3A_533, %broadcast_in_dim3A_535, %select_n3A_526 : vector<16xi1>, vector<16xf32>
      %reduce_sum3A_537 = arith.constant true
      %reduce_sum3A_538 = vector.broadcast %reduce_sum3A_537 : i1 to vector<16xi1>
      %reduce_sum3A_539 = tpu.scan <sum>, %scan3A_395#14 masked %reduce_sum3A_538 : vector<16xf32>, vector<16xi1> -> vector<16xf32>
      %reduce_sum3A_540 = vector.extract %reduce_sum3A_539[15] : f32 from vector<16xf32>
      %eq3A_541 = arith.constant 14 : i32
      %eq3A_542 = vector.broadcast %eq3A_541 : i32 to vector<16xi32>
      %eq3A_543 = arith.cmpi eq, %iota3A, %eq3A_542 : vector<16xi32>
      %mul3A_544 = arith.mulf %reduce_sum3A_540, %reduce_sum3A_540 : f32
      %broadcast_in_dim3A_545 = vector.broadcast %mul3A_544 : f32 to vector<16xf32>
      %select_n3A_546 = arith.select %eq3A_543, %broadcast_in_dim3A_545, %select_n3A_536 : vector<16xi1>, vector<16xf32>
      %reduce_sum3A_547 = arith.constant true
      %reduce_sum3A_548 = vector.broadcast %reduce_sum3A_547 : i1 to vector<16xi1>
      %reduce_sum3A_549 = tpu.scan <sum>, %scan3A_395#15 masked %reduce_sum3A_548 : vector<16xf32>, vector<16xi1> -> vector<16xf32>
      %reduce_sum3A_550 = vector.extract %reduce_sum3A_549[15] : f32 from vector<16xf32>
      %eq3A_551 = arith.constant 15 : i32
      %eq3A_552 = vector.broadcast %eq3A_551 : i32 to vector<16xi32>
      %eq3A_553 = arith.cmpi eq, %iota3A, %eq3A_552 : vector<16xi32>
      %mul3A_554 = arith.mulf %reduce_sum3A_550, %reduce_sum3A_550 : f32
      %broadcast_in_dim3A_555 = vector.broadcast %mul3A_554 : f32 to vector<16xf32>
      %select_n3A_556 = arith.select %eq3A_553, %broadcast_in_dim3A_555, %select_n3A_546 : vector<16xi1>, vector<16xf32>
      %mul3A_557 = arith.constant 6 : i32
      %mul3A_558 = arith.muli %add3A_40, %mul3A_557 : i32
      %add3A_559 = arith.constant 4 : i32
      %add3A_560 = arith.addi %mul3A_558, %add3A_559 : i32
      %mul3A_561 = arith.constant 8 : i32
      %mul3A_562 = arith.muli %add3A_560, %mul3A_561 : i32
      %add3A_563 = vector.broadcast %mul3A_562 : i32 to vector<16xi32>
      %add3A_564 = arith.addi %add3A_563, %iota3A : vector<16xi32>
      tpu.vector_store_idx %arg8[%add3A_564], %select_n3A_556 : memref<384xf32, #tpu.memory_space<vmem>>[vector<16xi32>], vector<16xf32>,
      %add3A_565 = arith.constant 2 : i32
      %add3A_566 = arith.addi %add3A_40, %add3A_565 : i32
      %lt3A = arith.constant 8 : i32
      %lt3A_567 = arith.cmpi slt, %add3A_566, %lt3A : i32
      %convert_element_type3A = arith.extui %lt3A_567 : i1 to i32
      %cond3A = arith.constant 0 : i32
      %cond3A_568 = arith.cmpi ne, %convert_element_type3A, %cond3A : i32
      scf.if %cond3A_568 {
        %mul3A_1107 = arith.constant 49152 : i32
        %mul3A_1108 = arith.muli %add3A_566, %mul3A_1107 : i32
        %add3A_1109 = arith.addi %mul3A_4, %mul3A_1108 : i32
        %dma_start3A_1110 = tpu.memref_slice %arg2[%add3A_1109] : memref<25165824xf32, #tpu.memory_space<hbm>> -> memref<49152xf32, #tpu.memory_space<hbm>>
        %dma_start3A_1111 = tpu.memref_slice %arg2[%add3A_1109] : memref<25165824xf32, #tpu.memory_space<hbm>> -> memref<49152xf32, #tpu.memory_space<hbm>>
        tpu.enqueue_dma source(%dma_start3A_1111 : memref<49152xf32, #tpu.memory_space<hbm>>) target(%arg5 : memref<49152xf32, #tpu.memory_space<vmem>>) target_semaphore(%arg9 : memref<!tpu.dma_semaphore, #tpu.memory_space<semaphore_mem>>)
      } else {
      }
      %mul3A_569 = arith.constant 2 : i32
      %mul3A_570 = arith.muli %scan3A_36, %mul3A_569 : i32
      %add3A_571 = arith.constant 1 : i32
      %add3A_572 = arith.addi %mul3A_570, %add3A_571 : i32
      %mul3A_573 = arith.constant 49152 : i32
      %mul3A_574 = arith.muli %add3A_572, %mul3A_573 : i32
      %add3A_575 = arith.addi %mul3A_4, %mul3A_574 : i32
      %dma_wait3A_576 = tpu.memref_slice %arg2[%add3A_575] : memref<25165824xf32, #tpu.memory_space<hbm>> -> memref<49152xf32, #tpu.memory_space<hbm>>
      %dma_wait3A_577 = tpu.memref_slice %arg2[%add3A_575] : memref<25165824xf32, #tpu.memory_space<hbm>> -> memref<49152xf32, #tpu.memory_space<hbm>>
      tpu.wait_dma2 semaphore(%arg10 : memref<!tpu.dma_semaphore, #tpu.memory_space<semaphore_mem>>) src(%dma_wait3A_577 : memref<49152xf32, #tpu.memory_space<hbm>>) dst(%arg6 : memref<49152xf32, #tpu.memory_space<vmem>>)
      %scan3A_578 = arith.constant 0 : i32
      %scan3A_579 = arith.constant 64 : i32
      %scan3A_580 = arith.addi %scan3A_578, %scan3A_579 : i32
      %scan3A_581 = arith.constant 1 : i32
      %scan3A_582:16 = scf.for %scan3A_1107 = %scan3A_578 to %scan3A_580 step %scan3A_581 iter_args(%scan3A_1108 = %broadcast_in_dim3A_28, %scan3A_1109 = %broadcast_in_dim3A_28, %scan3A_1110 = %broadcast_in_dim3A_28, %scan3A_1111 = %broadcast_in_dim3A_28, %scan3A_1112 = %broadcast_in_dim3A_28, %scan3A_1113 = %broadcast_in_dim3A_28, %scan3A_1114 = %broadcast_in_dim3A_28, %scan3A_1115 = %broadcast_in_dim3A_28, %scan3A_1116 = %broadcast_in_dim3A_28, %scan3A_1117 = %broadcast_in_dim3A_28, %scan3A_1118 = %broadcast_in_dim3A_28, %scan3A_1119 = %broadcast_in_dim3A_28, %scan3A_1120 = %broadcast_in_dim3A_28, %scan3A_1121 = %broadcast_in_dim3A_28, %scan3A_1122 = %broadcast_in_dim3A_28, %scan3A_1123 = %broadcast_in_dim3A_28) -> (vector<16xf32>, vector<16xf32>, vector<16xf32>, vector<16xf32>, vector<16xf32>, vector<16xf32>, vector<16xf32>, vector<16xf32>, vector<16xf32>, vector<16xf32>, vector<16xf32>, vector<16xf32>, vector<16xf32>, vector<16xf32>, vector<16xf32>, vector<16xf32>)  : i32 {
        %mul3A_1124 = arith.constant 16 : i32
        %mul3A_1125 = arith.muli %scan3A_1107, %mul3A_1124 : i32
        %get3A = arith.index_cast %mul3A_1125 : i32 to index
        %get3A_1126 = tpu.vector_load %arg7[%get3A] {strides = array<i32>} : memref<1024xf32, #tpu.memory_space<vmem>>, vector<16xf32>,
        %shift_right_arithmetic3A = arith.constant 3 : i32
        %shift_right_arithmetic3A_1127 = arith.shrsi %scan3A_1107, %shift_right_arithmetic3A : i32
        %mul3A_1128 = arith.constant 1024 : i32
        %mul3A_1129 = arith.muli %shift_right_arithmetic3A_1127, %mul3A_1128 : i32
        %add3A_1130 = arith.constant 0 : i32
        %add3A_1131 = arith.addi %add3A_1130, %mul3A_1129 : i32
        %and3A_1132 = arith.constant 7 : i32
        %and3A_1133 = arith.andi %scan3A_1107, %and3A_1132 : i32
        %shift_left3A = arith.constant 4 : i32
        %shift_left3A_1134 = arith.shli %and3A_1133, %shift_left3A : i32
        %add3A_1135 = arith.addi %add3A_1131, %shift_left3A_1134 : i32
        %add3A_1136 = arith.constant 0 : i32
        %add3A_1137 = arith.addi %add3A_1135, %add3A_1136 : i32
        %add3A_1138 = arith.constant 0 : i32
        %add3A_1139 = arith.addi %add3A_1137, %add3A_1138 : i32
        %get3A_1140 = arith.index_cast %add3A_1139 : i32 to index
        %get3A_1141 = tpu.vector_load %arg6[%get3A_1140] {strides = array<i32>} : memref<49152xf32, #tpu.memory_space<vmem>>, vector<16xf32>,
        %mul3A_1142 = arith.mulf %get3A_1141, %get3A_1126 : vector<16xf32>
        %add3A_1143 = arith.addf %scan3A_1108, %mul3A_1142 : vector<16xf32>
        %add3A_1144 = arith.constant 0 : i32
        %add3A_1145 = arith.addi %add3A_1135, %add3A_1144 : i32
        %add3A_1146 = arith.constant 128 : i32
        %add3A_1147 = arith.addi %add3A_1145, %add3A_1146 : i32
        %get3A_1148 = arith.index_cast %add3A_1147 : i32 to index
        %get3A_1149 = tpu.vector_load %arg6[%get3A_1148] {strides = array<i32>} : memref<49152xf32, #tpu.memory_space<vmem>>, vector<16xf32>,
        %mul3A_1150 = arith.mulf %get3A_1149, %get3A_1126 : vector<16xf32>
        %add3A_1151 = arith.addf %scan3A_1109, %mul3A_1150 : vector<16xf32>
        %add3A_1152 = arith.constant 0 : i32
        %add3A_1153 = arith.addi %add3A_1135, %add3A_1152 : i32
        %add3A_1154 = arith.constant 256 : i32
        %add3A_1155 = arith.addi %add3A_1153, %add3A_1154 : i32
        %get3A_1156 = arith.index_cast %add3A_1155 : i32 to index
        %get3A_1157 = tpu.vector_load %arg6[%get3A_1156] {strides = array<i32>} : memref<49152xf32, #tpu.memory_space<vmem>>, vector<16xf32>,
        %mul3A_1158 = arith.mulf %get3A_1157, %get3A_1126 : vector<16xf32>
        %add3A_1159 = arith.addf %scan3A_1110, %mul3A_1158 : vector<16xf32>
        %add3A_1160 = arith.constant 0 : i32
        %add3A_1161 = arith.addi %add3A_1135, %add3A_1160 : i32
        %add3A_1162 = arith.constant 384 : i32
        %add3A_1163 = arith.addi %add3A_1161, %add3A_1162 : i32
        %get3A_1164 = arith.index_cast %add3A_1163 : i32 to index
        %get3A_1165 = tpu.vector_load %arg6[%get3A_1164] {strides = array<i32>} : memref<49152xf32, #tpu.memory_space<vmem>>, vector<16xf32>,
        %mul3A_1166 = arith.mulf %get3A_1165, %get3A_1126 : vector<16xf32>
        %add3A_1167 = arith.addf %scan3A_1111, %mul3A_1166 : vector<16xf32>
        %add3A_1168 = arith.constant 0 : i32
        %add3A_1169 = arith.addi %add3A_1135, %add3A_1168 : i32
        %add3A_1170 = arith.constant 512 : i32
        %add3A_1171 = arith.addi %add3A_1169, %add3A_1170 : i32
        %get3A_1172 = arith.index_cast %add3A_1171 : i32 to index
        %get3A_1173 = tpu.vector_load %arg6[%get3A_1172] {strides = array<i32>} : memref<49152xf32, #tpu.memory_space<vmem>>, vector<16xf32>,
        %mul3A_1174 = arith.mulf %get3A_1173, %get3A_1126 : vector<16xf32>
        %add3A_1175 = arith.addf %scan3A_1112, %mul3A_1174 : vector<16xf32>
        %add3A_1176 = arith.constant 0 : i32
        %add3A_1177 = arith.addi %add3A_1135, %add3A_1176 : i32
        %add3A_1178 = arith.constant 640 : i32
        %add3A_1179 = arith.addi %add3A_1177, %add3A_1178 : i32
        %get3A_1180 = arith.index_cast %add3A_1179 : i32 to index
        %get3A_1181 = tpu.vector_load %arg6[%get3A_1180] {strides = array<i32>} : memref<49152xf32, #tpu.memory_space<vmem>>, vector<16xf32>,
        %mul3A_1182 = arith.mulf %get3A_1181, %get3A_1126 : vector<16xf32>
        %add3A_1183 = arith.addf %scan3A_1113, %mul3A_1182 : vector<16xf32>
        %add3A_1184 = arith.constant 0 : i32
        %add3A_1185 = arith.addi %add3A_1135, %add3A_1184 : i32
        %add3A_1186 = arith.constant 768 : i32
        %add3A_1187 = arith.addi %add3A_1185, %add3A_1186 : i32
        %get3A_1188 = arith.index_cast %add3A_1187 : i32 to index
        %get3A_1189 = tpu.vector_load %arg6[%get3A_1188] {strides = array<i32>} : memref<49152xf32, #tpu.memory_space<vmem>>, vector<16xf32>,
        %mul3A_1190 = arith.mulf %get3A_1189, %get3A_1126 : vector<16xf32>
        %add3A_1191 = arith.addf %scan3A_1114, %mul3A_1190 : vector<16xf32>
        %add3A_1192 = arith.constant 0 : i32
        %add3A_1193 = arith.addi %add3A_1135, %add3A_1192 : i32
        %add3A_1194 = arith.constant 896 : i32
        %add3A_1195 = arith.addi %add3A_1193, %add3A_1194 : i32
        %get3A_1196 = arith.index_cast %add3A_1195 : i32 to index
        %get3A_1197 = tpu.vector_load %arg6[%get3A_1196] {strides = array<i32>} : memref<49152xf32, #tpu.memory_space<vmem>>, vector<16xf32>,
        %mul3A_1198 = arith.mulf %get3A_1197, %get3A_1126 : vector<16xf32>
        %add3A_1199 = arith.addf %scan3A_1115, %mul3A_1198 : vector<16xf32>
        %add3A_1200 = arith.constant 8192 : i32
        %add3A_1201 = arith.addi %add3A_1135, %add3A_1200 : i32
        %add3A_1202 = arith.constant 0 : i32
        %add3A_1203 = arith.addi %add3A_1201, %add3A_1202 : i32
        %get3A_1204 = arith.index_cast %add3A_1203 : i32 to index
        %get3A_1205 = tpu.vector_load %arg6[%get3A_1204] {strides = array<i32>} : memref<49152xf32, #tpu.memory_space<vmem>>, vector<16xf32>,
        %mul3A_1206 = arith.mulf %get3A_1205, %get3A_1126 : vector<16xf32>
        %add3A_1207 = arith.addf %scan3A_1116, %mul3A_1206 : vector<16xf32>
        %add3A_1208 = arith.constant 8192 : i32
        %add3A_1209 = arith.addi %add3A_1135, %add3A_1208 : i32
        %add3A_1210 = arith.constant 128 : i32
        %add3A_1211 = arith.addi %add3A_1209, %add3A_1210 : i32
        %get3A_1212 = arith.index_cast %add3A_1211 : i32 to index
        %get3A_1213 = tpu.vector_load %arg6[%get3A_1212] {strides = array<i32>} : memref<49152xf32, #tpu.memory_space<vmem>>, vector<16xf32>,
        %mul3A_1214 = arith.mulf %get3A_1213, %get3A_1126 : vector<16xf32>
        %add3A_1215 = arith.addf %scan3A_1117, %mul3A_1214 : vector<16xf32>
        %add3A_1216 = arith.constant 8192 : i32
        %add3A_1217 = arith.addi %add3A_1135, %add3A_1216 : i32
        %add3A_1218 = arith.constant 256 : i32
        %add3A_1219 = arith.addi %add3A_1217, %add3A_1218 : i32
        %get3A_1220 = arith.index_cast %add3A_1219 : i32 to index
        %get3A_1221 = tpu.vector_load %arg6[%get3A_1220] {strides = array<i32>} : memref<49152xf32, #tpu.memory_space<vmem>>, vector<16xf32>,
        %mul3A_1222 = arith.mulf %get3A_1221, %get3A_1126 : vector<16xf32>
        %add3A_1223 = arith.addf %scan3A_1118, %mul3A_1222 : vector<16xf32>
        %add3A_1224 = arith.constant 8192 : i32
        %add3A_1225 = arith.addi %add3A_1135, %add3A_1224 : i32
        %add3A_1226 = arith.constant 384 : i32
        %add3A_1227 = arith.addi %add3A_1225, %add3A_1226 : i32
        %get3A_1228 = arith.index_cast %add3A_1227 : i32 to index
        %get3A_1229 = tpu.vector_load %arg6[%get3A_1228] {strides = array<i32>} : memref<49152xf32, #tpu.memory_space<vmem>>, vector<16xf32>,
        %mul3A_1230 = arith.mulf %get3A_1229, %get3A_1126 : vector<16xf32>
        %add3A_1231 = arith.addf %scan3A_1119, %mul3A_1230 : vector<16xf32>
        %add3A_1232 = arith.constant 8192 : i32
        %add3A_1233 = arith.addi %add3A_1135, %add3A_1232 : i32
        %add3A_1234 = arith.constant 512 : i32
        %add3A_1235 = arith.addi %add3A_1233, %add3A_1234 : i32
        %get3A_1236 = arith.index_cast %add3A_1235 : i32 to index
        %get3A_1237 = tpu.vector_load %arg6[%get3A_1236] {strides = array<i32>} : memref<49152xf32, #tpu.memory_space<vmem>>, vector<16xf32>,
        %mul3A_1238 = arith.mulf %get3A_1237, %get3A_1126 : vector<16xf32>
        %add3A_1239 = arith.addf %scan3A_1120, %mul3A_1238 : vector<16xf32>
        %add3A_1240 = arith.constant 8192 : i32
        %add3A_1241 = arith.addi %add3A_1135, %add3A_1240 : i32
        %add3A_1242 = arith.constant 640 : i32
        %add3A_1243 = arith.addi %add3A_1241, %add3A_1242 : i32
        %get3A_1244 = arith.index_cast %add3A_1243 : i32 to index
        %get3A_1245 = tpu.vector_load %arg6[%get3A_1244] {strides = array<i32>} : memref<49152xf32, #tpu.memory_space<vmem>>, vector<16xf32>,
        %mul3A_1246 = arith.mulf %get3A_1245, %get3A_1126 : vector<16xf32>
        %add3A_1247 = arith.addf %scan3A_1121, %mul3A_1246 : vector<16xf32>
        %add3A_1248 = arith.constant 8192 : i32
        %add3A_1249 = arith.addi %add3A_1135, %add3A_1248 : i32
        %add3A_1250 = arith.constant 768 : i32
        %add3A_1251 = arith.addi %add3A_1249, %add3A_1250 : i32
        %get3A_1252 = arith.index_cast %add3A_1251 : i32 to index
        %get3A_1253 = tpu.vector_load %arg6[%get3A_1252] {strides = array<i32>} : memref<49152xf32, #tpu.memory_space<vmem>>, vector<16xf32>,
        %mul3A_1254 = arith.mulf %get3A_1253, %get3A_1126 : vector<16xf32>
        %add3A_1255 = arith.addf %scan3A_1122, %mul3A_1254 : vector<16xf32>
        %add3A_1256 = arith.constant 8192 : i32
        %add3A_1257 = arith.addi %add3A_1135, %add3A_1256 : i32
        %add3A_1258 = arith.constant 896 : i32
        %add3A_1259 = arith.addi %add3A_1257, %add3A_1258 : i32
        %get3A_1260 = arith.index_cast %add3A_1259 : i32 to index
        %get3A_1261 = tpu.vector_load %arg6[%get3A_1260] {strides = array<i32>} : memref<49152xf32, #tpu.memory_space<vmem>>, vector<16xf32>,
        %mul3A_1262 = arith.mulf %get3A_1261, %get3A_1126 : vector<16xf32>
        %add3A_1263 = arith.addf %scan3A_1123, %mul3A_1262 : vector<16xf32>
        scf.yield %add3A_1143, %add3A_1151, %add3A_1159, %add3A_1167, %add3A_1175, %add3A_1183, %add3A_1191, %add3A_1199, %add3A_1207, %add3A_1215, %add3A_1223, %add3A_1231, %add3A_1239, %add3A_1247, %add3A_1255, %add3A_1263 : vector<16xf32>, vector<16xf32>, vector<16xf32>, vector<16xf32>, vector<16xf32>, vector<16xf32>, vector<16xf32>, vector<16xf32>, vector<16xf32>, vector<16xf32>, vector<16xf32>, vector<16xf32>, vector<16xf32>, vector<16xf32>, vector<16xf32>, vector<16xf32>
      }
      %scan3A_583 = arith.constant 64 : i32
      %reduce_sum3A_584 = arith.constant true
      %reduce_sum3A_585 = vector.broadcast %reduce_sum3A_584 : i1 to vector<16xi1>
      %reduce_sum3A_586 = tpu.scan <sum>, %scan3A_582#0 masked %reduce_sum3A_585 : vector<16xf32>, vector<16xi1> -> vector<16xf32>
      %reduce_sum3A_587 = vector.extract %reduce_sum3A_586[15] : f32 from vector<16xf32>
      %eq3A_588 = arith.constant 0 : i32
      %eq3A_589 = vector.broadcast %eq3A_588 : i32 to vector<16xi32>
      %eq3A_590 = arith.cmpi eq, %iota3A, %eq3A_589 : vector<16xi32>
      %mul3A_591 = arith.mulf %reduce_sum3A_587, %reduce_sum3A_587 : f32
      %broadcast_in_dim3A_592 = vector.broadcast %mul3A_591 : f32 to vector<16xf32>
      %select_n3A_593 = arith.select %eq3A_590, %broadcast_in_dim3A_592, %broadcast_in_dim3A_28 : vector<16xi1>, vector<16xf32>
      %reduce_sum3A_594 = arith.constant true
      %reduce_sum3A_595 = vector.broadcast %reduce_sum3A_594 : i1 to vector<16xi1>
      %reduce_sum3A_596 = tpu.scan <sum>, %scan3A_582#1 masked %reduce_sum3A_595 : vector<16xf32>, vector<16xi1> -> vector<16xf32>
      %reduce_sum3A_597 = vector.extract %reduce_sum3A_596[15] : f32 from vector<16xf32>
      %eq3A_598 = arith.constant 1 : i32
      %eq3A_599 = vector.broadcast %eq3A_598 : i32 to vector<16xi32>
      %eq3A_600 = arith.cmpi eq, %iota3A, %eq3A_599 : vector<16xi32>
      %mul3A_601 = arith.mulf %reduce_sum3A_597, %reduce_sum3A_597 : f32
      %broadcast_in_dim3A_602 = vector.broadcast %mul3A_601 : f32 to vector<16xf32>
      %select_n3A_603 = arith.select %eq3A_600, %broadcast_in_dim3A_602, %select_n3A_593 : vector<16xi1>, vector<16xf32>
      %reduce_sum3A_604 = arith.constant true
      %reduce_sum3A_605 = vector.broadcast %reduce_sum3A_604 : i1 to vector<16xi1>
      %reduce_sum3A_606 = tpu.scan <sum>, %scan3A_582#2 masked %reduce_sum3A_605 : vector<16xf32>, vector<16xi1> -> vector<16xf32>
      %reduce_sum3A_607 = vector.extract %reduce_sum3A_606[15] : f32 from vector<16xf32>
      %eq3A_608 = arith.constant 2 : i32
      %eq3A_609 = vector.broadcast %eq3A_608 : i32 to vector<16xi32>
      %eq3A_610 = arith.cmpi eq, %iota3A, %eq3A_609 : vector<16xi32>
      %mul3A_611 = arith.mulf %reduce_sum3A_607, %reduce_sum3A_607 : f32
      %broadcast_in_dim3A_612 = vector.broadcast %mul3A_611 : f32 to vector<16xf32>
      %select_n3A_613 = arith.select %eq3A_610, %broadcast_in_dim3A_612, %select_n3A_603 : vector<16xi1>, vector<16xf32>
      %reduce_sum3A_614 = arith.constant true
      %reduce_sum3A_615 = vector.broadcast %reduce_sum3A_614 : i1 to vector<16xi1>
      %reduce_sum3A_616 = tpu.scan <sum>, %scan3A_582#3 masked %reduce_sum3A_615 : vector<16xf32>, vector<16xi1> -> vector<16xf32>
      %reduce_sum3A_617 = vector.extract %reduce_sum3A_616[15] : f32 from vector<16xf32>
      %eq3A_618 = arith.constant 3 : i32
      %eq3A_619 = vector.broadcast %eq3A_618 : i32 to vector<16xi32>
      %eq3A_620 = arith.cmpi eq, %iota3A, %eq3A_619 : vector<16xi32>
      %mul3A_621 = arith.mulf %reduce_sum3A_617, %reduce_sum3A_617 : f32
      %broadcast_in_dim3A_622 = vector.broadcast %mul3A_621 : f32 to vector<16xf32>
      %select_n3A_623 = arith.select %eq3A_620, %broadcast_in_dim3A_622, %select_n3A_613 : vector<16xi1>, vector<16xf32>
      %reduce_sum3A_624 = arith.constant true
      %reduce_sum3A_625 = vector.broadcast %reduce_sum3A_624 : i1 to vector<16xi1>
      %reduce_sum3A_626 = tpu.scan <sum>, %scan3A_582#4 masked %reduce_sum3A_625 : vector<16xf32>, vector<16xi1> -> vector<16xf32>
      %reduce_sum3A_627 = vector.extract %reduce_sum3A_626[15] : f32 from vector<16xf32>
      %eq3A_628 = arith.constant 4 : i32
      %eq3A_629 = vector.broadcast %eq3A_628 : i32 to vector<16xi32>
      %eq3A_630 = arith.cmpi eq, %iota3A, %eq3A_629 : vector<16xi32>
      %mul3A_631 = arith.mulf %reduce_sum3A_627, %reduce_sum3A_627 : f32
      %broadcast_in_dim3A_632 = vector.broadcast %mul3A_631 : f32 to vector<16xf32>
      %select_n3A_633 = arith.select %eq3A_630, %broadcast_in_dim3A_632, %select_n3A_623 : vector<16xi1>, vector<16xf32>
      %reduce_sum3A_634 = arith.constant true
      %reduce_sum3A_635 = vector.broadcast %reduce_sum3A_634 : i1 to vector<16xi1>
      %reduce_sum3A_636 = tpu.scan <sum>, %scan3A_582#5 masked %reduce_sum3A_635 : vector<16xf32>, vector<16xi1> -> vector<16xf32>
      %reduce_sum3A_637 = vector.extract %reduce_sum3A_636[15] : f32 from vector<16xf32>
      %eq3A_638 = arith.constant 5 : i32
      %eq3A_639 = vector.broadcast %eq3A_638 : i32 to vector<16xi32>
      %eq3A_640 = arith.cmpi eq, %iota3A, %eq3A_639 : vector<16xi32>
      %mul3A_641 = arith.mulf %reduce_sum3A_637, %reduce_sum3A_637 : f32
      %broadcast_in_dim3A_642 = vector.broadcast %mul3A_641 : f32 to vector<16xf32>
      %select_n3A_643 = arith.select %eq3A_640, %broadcast_in_dim3A_642, %select_n3A_633 : vector<16xi1>, vector<16xf32>
      %reduce_sum3A_644 = arith.constant true
      %reduce_sum3A_645 = vector.broadcast %reduce_sum3A_644 : i1 to vector<16xi1>
      %reduce_sum3A_646 = tpu.scan <sum>, %scan3A_582#6 masked %reduce_sum3A_645 : vector<16xf32>, vector<16xi1> -> vector<16xf32>
      %reduce_sum3A_647 = vector.extract %reduce_sum3A_646[15] : f32 from vector<16xf32>
      %eq3A_648 = arith.constant 6 : i32
      %eq3A_649 = vector.broadcast %eq3A_648 : i32 to vector<16xi32>
      %eq3A_650 = arith.cmpi eq, %iota3A, %eq3A_649 : vector<16xi32>
      %mul3A_651 = arith.mulf %reduce_sum3A_647, %reduce_sum3A_647 : f32
      %broadcast_in_dim3A_652 = vector.broadcast %mul3A_651 : f32 to vector<16xf32>
      %select_n3A_653 = arith.select %eq3A_650, %broadcast_in_dim3A_652, %select_n3A_643 : vector<16xi1>, vector<16xf32>
      %reduce_sum3A_654 = arith.constant true
      %reduce_sum3A_655 = vector.broadcast %reduce_sum3A_654 : i1 to vector<16xi1>
      %reduce_sum3A_656 = tpu.scan <sum>, %scan3A_582#7 masked %reduce_sum3A_655 : vector<16xf32>, vector<16xi1> -> vector<16xf32>
      %reduce_sum3A_657 = vector.extract %reduce_sum3A_656[15] : f32 from vector<16xf32>
      %eq3A_658 = arith.constant 7 : i32
      %eq3A_659 = vector.broadcast %eq3A_658 : i32 to vector<16xi32>
      %eq3A_660 = arith.cmpi eq, %iota3A, %eq3A_659 : vector<16xi32>
      %mul3A_661 = arith.mulf %reduce_sum3A_657, %reduce_sum3A_657 : f32
      %broadcast_in_dim3A_662 = vector.broadcast %mul3A_661 : f32 to vector<16xf32>
      %select_n3A_663 = arith.select %eq3A_660, %broadcast_in_dim3A_662, %select_n3A_653 : vector<16xi1>, vector<16xf32>
      %reduce_sum3A_664 = arith.constant true
      %reduce_sum3A_665 = vector.broadcast %reduce_sum3A_664 : i1 to vector<16xi1>
      %reduce_sum3A_666 = tpu.scan <sum>, %scan3A_582#8 masked %reduce_sum3A_665 : vector<16xf32>, vector<16xi1> -> vector<16xf32>
      %reduce_sum3A_667 = vector.extract %reduce_sum3A_666[15] : f32 from vector<16xf32>
      %eq3A_668 = arith.constant 8 : i32
      %eq3A_669 = vector.broadcast %eq3A_668 : i32 to vector<16xi32>
      %eq3A_670 = arith.cmpi eq, %iota3A, %eq3A_669 : vector<16xi32>
      %mul3A_671 = arith.mulf %reduce_sum3A_667, %reduce_sum3A_667 : f32
      %broadcast_in_dim3A_672 = vector.broadcast %mul3A_671 : f32 to vector<16xf32>
      %select_n3A_673 = arith.select %eq3A_670, %broadcast_in_dim3A_672, %select_n3A_663 : vector<16xi1>, vector<16xf32>
      %reduce_sum3A_674 = arith.constant true
      %reduce_sum3A_675 = vector.broadcast %reduce_sum3A_674 : i1 to vector<16xi1>
      %reduce_sum3A_676 = tpu.scan <sum>, %scan3A_582#9 masked %reduce_sum3A_675 : vector<16xf32>, vector<16xi1> -> vector<16xf32>
      %reduce_sum3A_677 = vector.extract %reduce_sum3A_676[15] : f32 from vector<16xf32>
      %eq3A_678 = arith.constant 9 : i32
      %eq3A_679 = vector.broadcast %eq3A_678 : i32 to vector<16xi32>
      %eq3A_680 = arith.cmpi eq, %iota3A, %eq3A_679 : vector<16xi32>
      %mul3A_681 = arith.mulf %reduce_sum3A_677, %reduce_sum3A_677 : f32
      %broadcast_in_dim3A_682 = vector.broadcast %mul3A_681 : f32 to vector<16xf32>
      %select_n3A_683 = arith.select %eq3A_680, %broadcast_in_dim3A_682, %select_n3A_673 : vector<16xi1>, vector<16xf32>
      %reduce_sum3A_684 = arith.constant true
      %reduce_sum3A_685 = vector.broadcast %reduce_sum3A_684 : i1 to vector<16xi1>
      %reduce_sum3A_686 = tpu.scan <sum>, %scan3A_582#10 masked %reduce_sum3A_685 : vector<16xf32>, vector<16xi1> -> vector<16xf32>
      %reduce_sum3A_687 = vector.extract %reduce_sum3A_686[15] : f32 from vector<16xf32>
      %eq3A_688 = arith.constant 10 : i32
      %eq3A_689 = vector.broadcast %eq3A_688 : i32 to vector<16xi32>
      %eq3A_690 = arith.cmpi eq, %iota3A, %eq3A_689 : vector<16xi32>
      %mul3A_691 = arith.mulf %reduce_sum3A_687, %reduce_sum3A_687 : f32
      %broadcast_in_dim3A_692 = vector.broadcast %mul3A_691 : f32 to vector<16xf32>
      %select_n3A_693 = arith.select %eq3A_690, %broadcast_in_dim3A_692, %select_n3A_683 : vector<16xi1>, vector<16xf32>
      %reduce_sum3A_694 = arith.constant true
      %reduce_sum3A_695 = vector.broadcast %reduce_sum3A_694 : i1 to vector<16xi1>
      %reduce_sum3A_696 = tpu.scan <sum>, %scan3A_582#11 masked %reduce_sum3A_695 : vector<16xf32>, vector<16xi1> -> vector<16xf32>
      %reduce_sum3A_697 = vector.extract %reduce_sum3A_696[15] : f32 from vector<16xf32>
      %eq3A_698 = arith.constant 11 : i32
      %eq3A_699 = vector.broadcast %eq3A_698 : i32 to vector<16xi32>
      %eq3A_700 = arith.cmpi eq, %iota3A, %eq3A_699 : vector<16xi32>
      %mul3A_701 = arith.mulf %reduce_sum3A_697, %reduce_sum3A_697 : f32
      %broadcast_in_dim3A_702 = vector.broadcast %mul3A_701 : f32 to vector<16xf32>
      %select_n3A_703 = arith.select %eq3A_700, %broadcast_in_dim3A_702, %select_n3A_693 : vector<16xi1>, vector<16xf32>
      %reduce_sum3A_704 = arith.constant true
      %reduce_sum3A_705 = vector.broadcast %reduce_sum3A_704 : i1 to vector<16xi1>
      %reduce_sum3A_706 = tpu.scan <sum>, %scan3A_582#12 masked %reduce_sum3A_705 : vector<16xf32>, vector<16xi1> -> vector<16xf32>
      %reduce_sum3A_707 = vector.extract %reduce_sum3A_706[15] : f32 from vector<16xf32>
      %eq3A_708 = arith.constant 12 : i32
      %eq3A_709 = vector.broadcast %eq3A_708 : i32 to vector<16xi32>
      %eq3A_710 = arith.cmpi eq, %iota3A, %eq3A_709 : vector<16xi32>
      %mul3A_711 = arith.mulf %reduce_sum3A_707, %reduce_sum3A_707 : f32
      %broadcast_in_dim3A_712 = vector.broadcast %mul3A_711 : f32 to vector<16xf32>
      %select_n3A_713 = arith.select %eq3A_710, %broadcast_in_dim3A_712, %select_n3A_703 : vector<16xi1>, vector<16xf32>
      %reduce_sum3A_714 = arith.constant true
      %reduce_sum3A_715 = vector.broadcast %reduce_sum3A_714 : i1 to vector<16xi1>
      %reduce_sum3A_716 = tpu.scan <sum>, %scan3A_582#13 masked %reduce_sum3A_715 : vector<16xf32>, vector<16xi1> -> vector<16xf32>
      %reduce_sum3A_717 = vector.extract %reduce_sum3A_716[15] : f32 from vector<16xf32>
      %eq3A_718 = arith.constant 13 : i32
      %eq3A_719 = vector.broadcast %eq3A_718 : i32 to vector<16xi32>
      %eq3A_720 = arith.cmpi eq, %iota3A, %eq3A_719 : vector<16xi32>
      %mul3A_721 = arith.mulf %reduce_sum3A_717, %reduce_sum3A_717 : f32
      %broadcast_in_dim3A_722 = vector.broadcast %mul3A_721 : f32 to vector<16xf32>
      %select_n3A_723 = arith.select %eq3A_720, %broadcast_in_dim3A_722, %select_n3A_713 : vector<16xi1>, vector<16xf32>
      %reduce_sum3A_724 = arith.constant true
      %reduce_sum3A_725 = vector.broadcast %reduce_sum3A_724 : i1 to vector<16xi1>
      %reduce_sum3A_726 = tpu.scan <sum>, %scan3A_582#14 masked %reduce_sum3A_725 : vector<16xf32>, vector<16xi1> -> vector<16xf32>
      %reduce_sum3A_727 = vector.extract %reduce_sum3A_726[15] : f32 from vector<16xf32>
      %eq3A_728 = arith.constant 14 : i32
      %eq3A_729 = vector.broadcast %eq3A_728 : i32 to vector<16xi32>
      %eq3A_730 = arith.cmpi eq, %iota3A, %eq3A_729 : vector<16xi32>
      %mul3A_731 = arith.mulf %reduce_sum3A_727, %reduce_sum3A_727 : f32
      %broadcast_in_dim3A_732 = vector.broadcast %mul3A_731 : f32 to vector<16xf32>
      %select_n3A_733 = arith.select %eq3A_730, %broadcast_in_dim3A_732, %select_n3A_723 : vector<16xi1>, vector<16xf32>
      %reduce_sum3A_734 = arith.constant true
      %reduce_sum3A_735 = vector.broadcast %reduce_sum3A_734 : i1 to vector<16xi1>
      %reduce_sum3A_736 = tpu.scan <sum>, %scan3A_582#15 masked %reduce_sum3A_735 : vector<16xf32>, vector<16xi1> -> vector<16xf32>
      %reduce_sum3A_737 = vector.extract %reduce_sum3A_736[15] : f32 from vector<16xf32>
      %eq3A_738 = arith.constant 15 : i32
      %eq3A_739 = vector.broadcast %eq3A_738 : i32 to vector<16xi32>
      %eq3A_740 = arith.cmpi eq, %iota3A, %eq3A_739 : vector<16xi32>
      %mul3A_741 = arith.mulf %reduce_sum3A_737, %reduce_sum3A_737 : f32
      %broadcast_in_dim3A_742 = vector.broadcast %mul3A_741 : f32 to vector<16xf32>
      %select_n3A_743 = arith.select %eq3A_740, %broadcast_in_dim3A_742, %select_n3A_733 : vector<16xi1>, vector<16xf32>
      %mul3A_744 = arith.constant 6 : i32
      %mul3A_745 = arith.muli %add3A_572, %mul3A_744 : i32
      %add3A_746 = arith.constant 0 : i32
      %add3A_747 = arith.addi %mul3A_745, %add3A_746 : i32
      %mul3A_748 = arith.constant 8 : i32
      %mul3A_749 = arith.muli %add3A_747, %mul3A_748 : i32
      %add3A_750 = vector.broadcast %mul3A_749 : i32 to vector<16xi32>
      %add3A_751 = arith.addi %add3A_750, %iota3A : vector<16xi32>
      tpu.vector_store_idx %arg8[%add3A_751], %select_n3A_743 : memref<384xf32, #tpu.memory_space<vmem>>[vector<16xi32>], vector<16xf32>,
      %scan3A_752 = arith.constant 0 : i32
      %scan3A_753 = arith.constant 64 : i32
      %scan3A_754 = arith.addi %scan3A_752, %scan3A_753 : i32
      %scan3A_755 = arith.constant 1 : i32
      %scan3A_756:16 = scf.for %scan3A_1107 = %scan3A_752 to %scan3A_754 step %scan3A_755 iter_args(%scan3A_1108 = %broadcast_in_dim3A_28, %scan3A_1109 = %broadcast_in_dim3A_28, %scan3A_1110 = %broadcast_in_dim3A_28, %scan3A_1111 = %broadcast_in_dim3A_28, %scan3A_1112 = %broadcast_in_dim3A_28, %scan3A_1113 = %broadcast_in_dim3A_28, %scan3A_1114 = %broadcast_in_dim3A_28, %scan3A_1115 = %broadcast_in_dim3A_28, %scan3A_1116 = %broadcast_in_dim3A_28, %scan3A_1117 = %broadcast_in_dim3A_28, %scan3A_1118 = %broadcast_in_dim3A_28, %scan3A_1119 = %broadcast_in_dim3A_28, %scan3A_1120 = %broadcast_in_dim3A_28, %scan3A_1121 = %broadcast_in_dim3A_28, %scan3A_1122 = %broadcast_in_dim3A_28, %scan3A_1123 = %broadcast_in_dim3A_28) -> (vector<16xf32>, vector<16xf32>, vector<16xf32>, vector<16xf32>, vector<16xf32>, vector<16xf32>, vector<16xf32>, vector<16xf32>, vector<16xf32>, vector<16xf32>, vector<16xf32>, vector<16xf32>, vector<16xf32>, vector<16xf32>, vector<16xf32>, vector<16xf32>)  : i32 {
        %mul3A_1124 = arith.constant 16 : i32
        %mul3A_1125 = arith.muli %scan3A_1107, %mul3A_1124 : i32
        %get3A = arith.index_cast %mul3A_1125 : i32 to index
        %get3A_1126 = tpu.vector_load %arg7[%get3A] {strides = array<i32>} : memref<1024xf32, #tpu.memory_space<vmem>>, vector<16xf32>,
        %shift_right_arithmetic3A = arith.constant 3 : i32
        %shift_right_arithmetic3A_1127 = arith.shrsi %scan3A_1107, %shift_right_arithmetic3A : i32
        %mul3A_1128 = arith.constant 1024 : i32
        %mul3A_1129 = arith.muli %shift_right_arithmetic3A_1127, %mul3A_1128 : i32
        %add3A_1130 = arith.constant 16384 : i32
        %add3A_1131 = arith.addi %add3A_1130, %mul3A_1129 : i32
        %and3A_1132 = arith.constant 7 : i32
        %and3A_1133 = arith.andi %scan3A_1107, %and3A_1132 : i32
        %shift_left3A = arith.constant 4 : i32
        %shift_left3A_1134 = arith.shli %and3A_1133, %shift_left3A : i32
        %add3A_1135 = arith.addi %add3A_1131, %shift_left3A_1134 : i32
        %add3A_1136 = arith.constant 0 : i32
        %add3A_1137 = arith.addi %add3A_1135, %add3A_1136 : i32
        %add3A_1138 = arith.constant 0 : i32
        %add3A_1139 = arith.addi %add3A_1137, %add3A_1138 : i32
        %get3A_1140 = arith.index_cast %add3A_1139 : i32 to index
        %get3A_1141 = tpu.vector_load %arg6[%get3A_1140] {strides = array<i32>} : memref<49152xf32, #tpu.memory_space<vmem>>, vector<16xf32>,
        %mul3A_1142 = arith.mulf %get3A_1141, %get3A_1126 : vector<16xf32>
        %add3A_1143 = arith.addf %scan3A_1108, %mul3A_1142 : vector<16xf32>
        %add3A_1144 = arith.constant 0 : i32
        %add3A_1145 = arith.addi %add3A_1135, %add3A_1144 : i32
        %add3A_1146 = arith.constant 128 : i32
        %add3A_1147 = arith.addi %add3A_1145, %add3A_1146 : i32
        %get3A_1148 = arith.index_cast %add3A_1147 : i32 to index
        %get3A_1149 = tpu.vector_load %arg6[%get3A_1148] {strides = array<i32>} : memref<49152xf32, #tpu.memory_space<vmem>>, vector<16xf32>,
        %mul3A_1150 = arith.mulf %get3A_1149, %get3A_1126 : vector<16xf32>
        %add3A_1151 = arith.addf %scan3A_1109, %mul3A_1150 : vector<16xf32>
        %add3A_1152 = arith.constant 0 : i32
        %add3A_1153 = arith.addi %add3A_1135, %add3A_1152 : i32
        %add3A_1154 = arith.constant 256 : i32
        %add3A_1155 = arith.addi %add3A_1153, %add3A_1154 : i32
        %get3A_1156 = arith.index_cast %add3A_1155 : i32 to index
        %get3A_1157 = tpu.vector_load %arg6[%get3A_1156] {strides = array<i32>} : memref<49152xf32, #tpu.memory_space<vmem>>, vector<16xf32>,
        %mul3A_1158 = arith.mulf %get3A_1157, %get3A_1126 : vector<16xf32>
        %add3A_1159 = arith.addf %scan3A_1110, %mul3A_1158 : vector<16xf32>
        %add3A_1160 = arith.constant 0 : i32
        %add3A_1161 = arith.addi %add3A_1135, %add3A_1160 : i32
        %add3A_1162 = arith.constant 384 : i32
        %add3A_1163 = arith.addi %add3A_1161, %add3A_1162 : i32
        %get3A_1164 = arith.index_cast %add3A_1163 : i32 to index
        %get3A_1165 = tpu.vector_load %arg6[%get3A_1164] {strides = array<i32>} : memref<49152xf32, #tpu.memory_space<vmem>>, vector<16xf32>,
        %mul3A_1166 = arith.mulf %get3A_1165, %get3A_1126 : vector<16xf32>
        %add3A_1167 = arith.addf %scan3A_1111, %mul3A_1166 : vector<16xf32>
        %add3A_1168 = arith.constant 0 : i32
        %add3A_1169 = arith.addi %add3A_1135, %add3A_1168 : i32
        %add3A_1170 = arith.constant 512 : i32
        %add3A_1171 = arith.addi %add3A_1169, %add3A_1170 : i32
        %get3A_1172 = arith.index_cast %add3A_1171 : i32 to index
        %get3A_1173 = tpu.vector_load %arg6[%get3A_1172] {strides = array<i32>} : memref<49152xf32, #tpu.memory_space<vmem>>, vector<16xf32>,
        %mul3A_1174 = arith.mulf %get3A_1173, %get3A_1126 : vector<16xf32>
        %add3A_1175 = arith.addf %scan3A_1112, %mul3A_1174 : vector<16xf32>
        %add3A_1176 = arith.constant 0 : i32
        %add3A_1177 = arith.addi %add3A_1135, %add3A_1176 : i32
        %add3A_1178 = arith.constant 640 : i32
        %add3A_1179 = arith.addi %add3A_1177, %add3A_1178 : i32
        %get3A_1180 = arith.index_cast %add3A_1179 : i32 to index
        %get3A_1181 = tpu.vector_load %arg6[%get3A_1180] {strides = array<i32>} : memref<49152xf32, #tpu.memory_space<vmem>>, vector<16xf32>,
        %mul3A_1182 = arith.mulf %get3A_1181, %get3A_1126 : vector<16xf32>
        %add3A_1183 = arith.addf %scan3A_1113, %mul3A_1182 : vector<16xf32>
        %add3A_1184 = arith.constant 0 : i32
        %add3A_1185 = arith.addi %add3A_1135, %add3A_1184 : i32
        %add3A_1186 = arith.constant 768 : i32
        %add3A_1187 = arith.addi %add3A_1185, %add3A_1186 : i32
        %get3A_1188 = arith.index_cast %add3A_1187 : i32 to index
        %get3A_1189 = tpu.vector_load %arg6[%get3A_1188] {strides = array<i32>} : memref<49152xf32, #tpu.memory_space<vmem>>, vector<16xf32>,
        %mul3A_1190 = arith.mulf %get3A_1189, %get3A_1126 : vector<16xf32>
        %add3A_1191 = arith.addf %scan3A_1114, %mul3A_1190 : vector<16xf32>
        %add3A_1192 = arith.constant 0 : i32
        %add3A_1193 = arith.addi %add3A_1135, %add3A_1192 : i32
        %add3A_1194 = arith.constant 896 : i32
        %add3A_1195 = arith.addi %add3A_1193, %add3A_1194 : i32
        %get3A_1196 = arith.index_cast %add3A_1195 : i32 to index
        %get3A_1197 = tpu.vector_load %arg6[%get3A_1196] {strides = array<i32>} : memref<49152xf32, #tpu.memory_space<vmem>>, vector<16xf32>,
        %mul3A_1198 = arith.mulf %get3A_1197, %get3A_1126 : vector<16xf32>
        %add3A_1199 = arith.addf %scan3A_1115, %mul3A_1198 : vector<16xf32>
        %add3A_1200 = arith.constant 8192 : i32
        %add3A_1201 = arith.addi %add3A_1135, %add3A_1200 : i32
        %add3A_1202 = arith.constant 0 : i32
        %add3A_1203 = arith.addi %add3A_1201, %add3A_1202 : i32
        %get3A_1204 = arith.index_cast %add3A_1203 : i32 to index
        %get3A_1205 = tpu.vector_load %arg6[%get3A_1204] {strides = array<i32>} : memref<49152xf32, #tpu.memory_space<vmem>>, vector<16xf32>,
        %mul3A_1206 = arith.mulf %get3A_1205, %get3A_1126 : vector<16xf32>
        %add3A_1207 = arith.addf %scan3A_1116, %mul3A_1206 : vector<16xf32>
        %add3A_1208 = arith.constant 8192 : i32
        %add3A_1209 = arith.addi %add3A_1135, %add3A_1208 : i32
        %add3A_1210 = arith.constant 128 : i32
        %add3A_1211 = arith.addi %add3A_1209, %add3A_1210 : i32
        %get3A_1212 = arith.index_cast %add3A_1211 : i32 to index
        %get3A_1213 = tpu.vector_load %arg6[%get3A_1212] {strides = array<i32>} : memref<49152xf32, #tpu.memory_space<vmem>>, vector<16xf32>,
        %mul3A_1214 = arith.mulf %get3A_1213, %get3A_1126 : vector<16xf32>
        %add3A_1215 = arith.addf %scan3A_1117, %mul3A_1214 : vector<16xf32>
        %add3A_1216 = arith.constant 8192 : i32
        %add3A_1217 = arith.addi %add3A_1135, %add3A_1216 : i32
        %add3A_1218 = arith.constant 256 : i32
        %add3A_1219 = arith.addi %add3A_1217, %add3A_1218 : i32
        %get3A_1220 = arith.index_cast %add3A_1219 : i32 to index
        %get3A_1221 = tpu.vector_load %arg6[%get3A_1220] {strides = array<i32>} : memref<49152xf32, #tpu.memory_space<vmem>>, vector<16xf32>,
        %mul3A_1222 = arith.mulf %get3A_1221, %get3A_1126 : vector<16xf32>
        %add3A_1223 = arith.addf %scan3A_1118, %mul3A_1222 : vector<16xf32>
        %add3A_1224 = arith.constant 8192 : i32
        %add3A_1225 = arith.addi %add3A_1135, %add3A_1224 : i32
        %add3A_1226 = arith.constant 384 : i32
        %add3A_1227 = arith.addi %add3A_1225, %add3A_1226 : i32
        %get3A_1228 = arith.index_cast %add3A_1227 : i32 to index
        %get3A_1229 = tpu.vector_load %arg6[%get3A_1228] {strides = array<i32>} : memref<49152xf32, #tpu.memory_space<vmem>>, vector<16xf32>,
        %mul3A_1230 = arith.mulf %get3A_1229, %get3A_1126 : vector<16xf32>
        %add3A_1231 = arith.addf %scan3A_1119, %mul3A_1230 : vector<16xf32>
        %add3A_1232 = arith.constant 8192 : i32
        %add3A_1233 = arith.addi %add3A_1135, %add3A_1232 : i32
        %add3A_1234 = arith.constant 512 : i32
        %add3A_1235 = arith.addi %add3A_1233, %add3A_1234 : i32
        %get3A_1236 = arith.index_cast %add3A_1235 : i32 to index
        %get3A_1237 = tpu.vector_load %arg6[%get3A_1236] {strides = array<i32>} : memref<49152xf32, #tpu.memory_space<vmem>>, vector<16xf32>,
        %mul3A_1238 = arith.mulf %get3A_1237, %get3A_1126 : vector<16xf32>
        %add3A_1239 = arith.addf %scan3A_1120, %mul3A_1238 : vector<16xf32>
        %add3A_1240 = arith.constant 8192 : i32
        %add3A_1241 = arith.addi %add3A_1135, %add3A_1240 : i32
        %add3A_1242 = arith.constant 640 : i32
        %add3A_1243 = arith.addi %add3A_1241, %add3A_1242 : i32
        %get3A_1244 = arith.index_cast %add3A_1243 : i32 to index
        %get3A_1245 = tpu.vector_load %arg6[%get3A_1244] {strides = array<i32>} : memref<49152xf32, #tpu.memory_space<vmem>>, vector<16xf32>,
        %mul3A_1246 = arith.mulf %get3A_1245, %get3A_1126 : vector<16xf32>
        %add3A_1247 = arith.addf %scan3A_1121, %mul3A_1246 : vector<16xf32>
        %add3A_1248 = arith.constant 8192 : i32
        %add3A_1249 = arith.addi %add3A_1135, %add3A_1248 : i32
        %add3A_1250 = arith.constant 768 : i32
        %add3A_1251 = arith.addi %add3A_1249, %add3A_1250 : i32
        %get3A_1252 = arith.index_cast %add3A_1251 : i32 to index
        %get3A_1253 = tpu.vector_load %arg6[%get3A_1252] {strides = array<i32>} : memref<49152xf32, #tpu.memory_space<vmem>>, vector<16xf32>,
        %mul3A_1254 = arith.mulf %get3A_1253, %get3A_1126 : vector<16xf32>
        %add3A_1255 = arith.addf %scan3A_1122, %mul3A_1254 : vector<16xf32>
        %add3A_1256 = arith.constant 8192 : i32
        %add3A_1257 = arith.addi %add3A_1135, %add3A_1256 : i32
        %add3A_1258 = arith.constant 896 : i32
        %add3A_1259 = arith.addi %add3A_1257, %add3A_1258 : i32
        %get3A_1260 = arith.index_cast %add3A_1259 : i32 to index
        %get3A_1261 = tpu.vector_load %arg6[%get3A_1260] {strides = array<i32>} : memref<49152xf32, #tpu.memory_space<vmem>>, vector<16xf32>,
        %mul3A_1262 = arith.mulf %get3A_1261, %get3A_1126 : vector<16xf32>
        %add3A_1263 = arith.addf %scan3A_1123, %mul3A_1262 : vector<16xf32>
        scf.yield %add3A_1143, %add3A_1151, %add3A_1159, %add3A_1167, %add3A_1175, %add3A_1183, %add3A_1191, %add3A_1199, %add3A_1207, %add3A_1215, %add3A_1223, %add3A_1231, %add3A_1239, %add3A_1247, %add3A_1255, %add3A_1263 : vector<16xf32>, vector<16xf32>, vector<16xf32>, vector<16xf32>, vector<16xf32>, vector<16xf32>, vector<16xf32>, vector<16xf32>, vector<16xf32>, vector<16xf32>, vector<16xf32>, vector<16xf32>, vector<16xf32>, vector<16xf32>, vector<16xf32>, vector<16xf32>
      }
      %scan3A_757 = arith.constant 64 : i32
      %reduce_sum3A_758 = arith.constant true
      %reduce_sum3A_759 = vector.broadcast %reduce_sum3A_758 : i1 to vector<16xi1>
      %reduce_sum3A_760 = tpu.scan <sum>, %scan3A_756#0 masked %reduce_sum3A_759 : vector<16xf32>, vector<16xi1> -> vector<16xf32>
      %reduce_sum3A_761 = vector.extract %reduce_sum3A_760[15] : f32 from vector<16xf32>
      %eq3A_762 = arith.constant 0 : i32
      %eq3A_763 = vector.broadcast %eq3A_762 : i32 to vector<16xi32>
      %eq3A_764 = arith.cmpi eq, %iota3A, %eq3A_763 : vector<16xi32>
      %mul3A_765 = arith.mulf %reduce_sum3A_761, %reduce_sum3A_761 : f32
      %broadcast_in_dim3A_766 = vector.broadcast %mul3A_765 : f32 to vector<16xf32>
      %select_n3A_767 = arith.select %eq3A_764, %broadcast_in_dim3A_766, %broadcast_in_dim3A_28 : vector<16xi1>, vector<16xf32>
      %reduce_sum3A_768 = arith.constant true
      %reduce_sum3A_769 = vector.broadcast %reduce_sum3A_768 : i1 to vector<16xi1>
      %reduce_sum3A_770 = tpu.scan <sum>, %scan3A_756#1 masked %reduce_sum3A_769 : vector<16xf32>, vector<16xi1> -> vector<16xf32>
      %reduce_sum3A_771 = vector.extract %reduce_sum3A_770[15] : f32 from vector<16xf32>
      %eq3A_772 = arith.constant 1 : i32
      %eq3A_773 = vector.broadcast %eq3A_772 : i32 to vector<16xi32>
      %eq3A_774 = arith.cmpi eq, %iota3A, %eq3A_773 : vector<16xi32>
      %mul3A_775 = arith.mulf %reduce_sum3A_771, %reduce_sum3A_771 : f32
      %broadcast_in_dim3A_776 = vector.broadcast %mul3A_775 : f32 to vector<16xf32>
      %select_n3A_777 = arith.select %eq3A_774, %broadcast_in_dim3A_776, %select_n3A_767 : vector<16xi1>, vector<16xf32>
      %reduce_sum3A_778 = arith.constant true
      %reduce_sum3A_779 = vector.broadcast %reduce_sum3A_778 : i1 to vector<16xi1>
      %reduce_sum3A_780 = tpu.scan <sum>, %scan3A_756#2 masked %reduce_sum3A_779 : vector<16xf32>, vector<16xi1> -> vector<16xf32>
      %reduce_sum3A_781 = vector.extract %reduce_sum3A_780[15] : f32 from vector<16xf32>
      %eq3A_782 = arith.constant 2 : i32
      %eq3A_783 = vector.broadcast %eq3A_782 : i32 to vector<16xi32>
      %eq3A_784 = arith.cmpi eq, %iota3A, %eq3A_783 : vector<16xi32>
      %mul3A_785 = arith.mulf %reduce_sum3A_781, %reduce_sum3A_781 : f32
      %broadcast_in_dim3A_786 = vector.broadcast %mul3A_785 : f32 to vector<16xf32>
      %select_n3A_787 = arith.select %eq3A_784, %broadcast_in_dim3A_786, %select_n3A_777 : vector<16xi1>, vector<16xf32>
      %reduce_sum3A_788 = arith.constant true
      %reduce_sum3A_789 = vector.broadcast %reduce_sum3A_788 : i1 to vector<16xi1>
      %reduce_sum3A_790 = tpu.scan <sum>, %scan3A_756#3 masked %reduce_sum3A_789 : vector<16xf32>, vector<16xi1> -> vector<16xf32>
      %reduce_sum3A_791 = vector.extract %reduce_sum3A_790[15] : f32 from vector<16xf32>
      %eq3A_792 = arith.constant 3 : i32
      %eq3A_793 = vector.broadcast %eq3A_792 : i32 to vector<16xi32>
      %eq3A_794 = arith.cmpi eq, %iota3A, %eq3A_793 : vector<16xi32>
      %mul3A_795 = arith.mulf %reduce_sum3A_791, %reduce_sum3A_791 : f32
      %broadcast_in_dim3A_796 = vector.broadcast %mul3A_795 : f32 to vector<16xf32>
      %select_n3A_797 = arith.select %eq3A_794, %broadcast_in_dim3A_796, %select_n3A_787 : vector<16xi1>, vector<16xf32>
      %reduce_sum3A_798 = arith.constant true
      %reduce_sum3A_799 = vector.broadcast %reduce_sum3A_798 : i1 to vector<16xi1>
      %reduce_sum3A_800 = tpu.scan <sum>, %scan3A_756#4 masked %reduce_sum3A_799 : vector<16xf32>, vector<16xi1> -> vector<16xf32>
      %reduce_sum3A_801 = vector.extract %reduce_sum3A_800[15] : f32 from vector<16xf32>
      %eq3A_802 = arith.constant 4 : i32
      %eq3A_803 = vector.broadcast %eq3A_802 : i32 to vector<16xi32>
      %eq3A_804 = arith.cmpi eq, %iota3A, %eq3A_803 : vector<16xi32>
      %mul3A_805 = arith.mulf %reduce_sum3A_801, %reduce_sum3A_801 : f32
      %broadcast_in_dim3A_806 = vector.broadcast %mul3A_805 : f32 to vector<16xf32>
      %select_n3A_807 = arith.select %eq3A_804, %broadcast_in_dim3A_806, %select_n3A_797 : vector<16xi1>, vector<16xf32>
      %reduce_sum3A_808 = arith.constant true
      %reduce_sum3A_809 = vector.broadcast %reduce_sum3A_808 : i1 to vector<16xi1>
      %reduce_sum3A_810 = tpu.scan <sum>, %scan3A_756#5 masked %reduce_sum3A_809 : vector<16xf32>, vector<16xi1> -> vector<16xf32>
      %reduce_sum3A_811 = vector.extract %reduce_sum3A_810[15] : f32 from vector<16xf32>
      %eq3A_812 = arith.constant 5 : i32
      %eq3A_813 = vector.broadcast %eq3A_812 : i32 to vector<16xi32>
      %eq3A_814 = arith.cmpi eq, %iota3A, %eq3A_813 : vector<16xi32>
      %mul3A_815 = arith.mulf %reduce_sum3A_811, %reduce_sum3A_811 : f32
      %broadcast_in_dim3A_816 = vector.broadcast %mul3A_815 : f32 to vector<16xf32>
      %select_n3A_817 = arith.select %eq3A_814, %broadcast_in_dim3A_816, %select_n3A_807 : vector<16xi1>, vector<16xf32>
      %reduce_sum3A_818 = arith.constant true
      %reduce_sum3A_819 = vector.broadcast %reduce_sum3A_818 : i1 to vector<16xi1>
      %reduce_sum3A_820 = tpu.scan <sum>, %scan3A_756#6 masked %reduce_sum3A_819 : vector<16xf32>, vector<16xi1> -> vector<16xf32>
      %reduce_sum3A_821 = vector.extract %reduce_sum3A_820[15] : f32 from vector<16xf32>
      %eq3A_822 = arith.constant 6 : i32
      %eq3A_823 = vector.broadcast %eq3A_822 : i32 to vector<16xi32>
      %eq3A_824 = arith.cmpi eq, %iota3A, %eq3A_823 : vector<16xi32>
      %mul3A_825 = arith.mulf %reduce_sum3A_821, %reduce_sum3A_821 : f32
      %broadcast_in_dim3A_826 = vector.broadcast %mul3A_825 : f32 to vector<16xf32>
      %select_n3A_827 = arith.select %eq3A_824, %broadcast_in_dim3A_826, %select_n3A_817 : vector<16xi1>, vector<16xf32>
      %reduce_sum3A_828 = arith.constant true
      %reduce_sum3A_829 = vector.broadcast %reduce_sum3A_828 : i1 to vector<16xi1>
      %reduce_sum3A_830 = tpu.scan <sum>, %scan3A_756#7 masked %reduce_sum3A_829 : vector<16xf32>, vector<16xi1> -> vector<16xf32>
      %reduce_sum3A_831 = vector.extract %reduce_sum3A_830[15] : f32 from vector<16xf32>
      %eq3A_832 = arith.constant 7 : i32
      %eq3A_833 = vector.broadcast %eq3A_832 : i32 to vector<16xi32>
      %eq3A_834 = arith.cmpi eq, %iota3A, %eq3A_833 : vector<16xi32>
      %mul3A_835 = arith.mulf %reduce_sum3A_831, %reduce_sum3A_831 : f32
      %broadcast_in_dim3A_836 = vector.broadcast %mul3A_835 : f32 to vector<16xf32>
      %select_n3A_837 = arith.select %eq3A_834, %broadcast_in_dim3A_836, %select_n3A_827 : vector<16xi1>, vector<16xf32>
      %reduce_sum3A_838 = arith.constant true
      %reduce_sum3A_839 = vector.broadcast %reduce_sum3A_838 : i1 to vector<16xi1>
      %reduce_sum3A_840 = tpu.scan <sum>, %scan3A_756#8 masked %reduce_sum3A_839 : vector<16xf32>, vector<16xi1> -> vector<16xf32>
      %reduce_sum3A_841 = vector.extract %reduce_sum3A_840[15] : f32 from vector<16xf32>
      %eq3A_842 = arith.constant 8 : i32
      %eq3A_843 = vector.broadcast %eq3A_842 : i32 to vector<16xi32>
      %eq3A_844 = arith.cmpi eq, %iota3A, %eq3A_843 : vector<16xi32>
      %mul3A_845 = arith.mulf %reduce_sum3A_841, %reduce_sum3A_841 : f32
      %broadcast_in_dim3A_846 = vector.broadcast %mul3A_845 : f32 to vector<16xf32>
      %select_n3A_847 = arith.select %eq3A_844, %broadcast_in_dim3A_846, %select_n3A_837 : vector<16xi1>, vector<16xf32>
      %reduce_sum3A_848 = arith.constant true
      %reduce_sum3A_849 = vector.broadcast %reduce_sum3A_848 : i1 to vector<16xi1>
      %reduce_sum3A_850 = tpu.scan <sum>, %scan3A_756#9 masked %reduce_sum3A_849 : vector<16xf32>, vector<16xi1> -> vector<16xf32>
      %reduce_sum3A_851 = vector.extract %reduce_sum3A_850[15] : f32 from vector<16xf32>
      %eq3A_852 = arith.constant 9 : i32
      %eq3A_853 = vector.broadcast %eq3A_852 : i32 to vector<16xi32>
      %eq3A_854 = arith.cmpi eq, %iota3A, %eq3A_853 : vector<16xi32>
      %mul3A_855 = arith.mulf %reduce_sum3A_851, %reduce_sum3A_851 : f32
      %broadcast_in_dim3A_856 = vector.broadcast %mul3A_855 : f32 to vector<16xf32>
      %select_n3A_857 = arith.select %eq3A_854, %broadcast_in_dim3A_856, %select_n3A_847 : vector<16xi1>, vector<16xf32>
      %reduce_sum3A_858 = arith.constant true
      %reduce_sum3A_859 = vector.broadcast %reduce_sum3A_858 : i1 to vector<16xi1>
      %reduce_sum3A_860 = tpu.scan <sum>, %scan3A_756#10 masked %reduce_sum3A_859 : vector<16xf32>, vector<16xi1> -> vector<16xf32>
      %reduce_sum3A_861 = vector.extract %reduce_sum3A_860[15] : f32 from vector<16xf32>
      %eq3A_862 = arith.constant 10 : i32
      %eq3A_863 = vector.broadcast %eq3A_862 : i32 to vector<16xi32>
      %eq3A_864 = arith.cmpi eq, %iota3A, %eq3A_863 : vector<16xi32>
      %mul3A_865 = arith.mulf %reduce_sum3A_861, %reduce_sum3A_861 : f32
      %broadcast_in_dim3A_866 = vector.broadcast %mul3A_865 : f32 to vector<16xf32>
      %select_n3A_867 = arith.select %eq3A_864, %broadcast_in_dim3A_866, %select_n3A_857 : vector<16xi1>, vector<16xf32>
      %reduce_sum3A_868 = arith.constant true
      %reduce_sum3A_869 = vector.broadcast %reduce_sum3A_868 : i1 to vector<16xi1>
      %reduce_sum3A_870 = tpu.scan <sum>, %scan3A_756#11 masked %reduce_sum3A_869 : vector<16xf32>, vector<16xi1> -> vector<16xf32>
      %reduce_sum3A_871 = vector.extract %reduce_sum3A_870[15] : f32 from vector<16xf32>
      %eq3A_872 = arith.constant 11 : i32
      %eq3A_873 = vector.broadcast %eq3A_872 : i32 to vector<16xi32>
      %eq3A_874 = arith.cmpi eq, %iota3A, %eq3A_873 : vector<16xi32>
      %mul3A_875 = arith.mulf %reduce_sum3A_871, %reduce_sum3A_871 : f32
      %broadcast_in_dim3A_876 = vector.broadcast %mul3A_875 : f32 to vector<16xf32>
      %select_n3A_877 = arith.select %eq3A_874, %broadcast_in_dim3A_876, %select_n3A_867 : vector<16xi1>, vector<16xf32>
      %reduce_sum3A_878 = arith.constant true
      %reduce_sum3A_879 = vector.broadcast %reduce_sum3A_878 : i1 to vector<16xi1>
      %reduce_sum3A_880 = tpu.scan <sum>, %scan3A_756#12 masked %reduce_sum3A_879 : vector<16xf32>, vector<16xi1> -> vector<16xf32>
      %reduce_sum3A_881 = vector.extract %reduce_sum3A_880[15] : f32 from vector<16xf32>
      %eq3A_882 = arith.constant 12 : i32
      %eq3A_883 = vector.broadcast %eq3A_882 : i32 to vector<16xi32>
      %eq3A_884 = arith.cmpi eq, %iota3A, %eq3A_883 : vector<16xi32>
      %mul3A_885 = arith.mulf %reduce_sum3A_881, %reduce_sum3A_881 : f32
      %broadcast_in_dim3A_886 = vector.broadcast %mul3A_885 : f32 to vector<16xf32>
      %select_n3A_887 = arith.select %eq3A_884, %broadcast_in_dim3A_886, %select_n3A_877 : vector<16xi1>, vector<16xf32>
      %reduce_sum3A_888 = arith.constant true
      %reduce_sum3A_889 = vector.broadcast %reduce_sum3A_888 : i1 to vector<16xi1>
      %reduce_sum3A_890 = tpu.scan <sum>, %scan3A_756#13 masked %reduce_sum3A_889 : vector<16xf32>, vector<16xi1> -> vector<16xf32>
      %reduce_sum3A_891 = vector.extract %reduce_sum3A_890[15] : f32 from vector<16xf32>
      %eq3A_892 = arith.constant 13 : i32
      %eq3A_893 = vector.broadcast %eq3A_892 : i32 to vector<16xi32>
      %eq3A_894 = arith.cmpi eq, %iota3A, %eq3A_893 : vector<16xi32>
      %mul3A_895 = arith.mulf %reduce_sum3A_891, %reduce_sum3A_891 : f32
      %broadcast_in_dim3A_896 = vector.broadcast %mul3A_895 : f32 to vector<16xf32>
      %select_n3A_897 = arith.select %eq3A_894, %broadcast_in_dim3A_896, %select_n3A_887 : vector<16xi1>, vector<16xf32>
      %reduce_sum3A_898 = arith.constant true
      %reduce_sum3A_899 = vector.broadcast %reduce_sum3A_898 : i1 to vector<16xi1>
      %reduce_sum3A_900 = tpu.scan <sum>, %scan3A_756#14 masked %reduce_sum3A_899 : vector<16xf32>, vector<16xi1> -> vector<16xf32>
      %reduce_sum3A_901 = vector.extract %reduce_sum3A_900[15] : f32 from vector<16xf32>
      %eq3A_902 = arith.constant 14 : i32
      %eq3A_903 = vector.broadcast %eq3A_902 : i32 to vector<16xi32>
      %eq3A_904 = arith.cmpi eq, %iota3A, %eq3A_903 : vector<16xi32>
      %mul3A_905 = arith.mulf %reduce_sum3A_901, %reduce_sum3A_901 : f32
      %broadcast_in_dim3A_906 = vector.broadcast %mul3A_905 : f32 to vector<16xf32>
      %select_n3A_907 = arith.select %eq3A_904, %broadcast_in_dim3A_906, %select_n3A_897 : vector<16xi1>, vector<16xf32>
      %reduce_sum3A_908 = arith.constant true
      %reduce_sum3A_909 = vector.broadcast %reduce_sum3A_908 : i1 to vector<16xi1>
      %reduce_sum3A_910 = tpu.scan <sum>, %scan3A_756#15 masked %reduce_sum3A_909 : vector<16xf32>, vector<16xi1> -> vector<16xf32>
      %reduce_sum3A_911 = vector.extract %reduce_sum3A_910[15] : f32 from vector<16xf32>
      %eq3A_912 = arith.constant 15 : i32
      %eq3A_913 = vector.broadcast %eq3A_912 : i32 to vector<16xi32>
      %eq3A_914 = arith.cmpi eq, %iota3A, %eq3A_913 : vector<16xi32>
      %mul3A_915 = arith.mulf %reduce_sum3A_911, %reduce_sum3A_911 : f32
      %broadcast_in_dim3A_916 = vector.broadcast %mul3A_915 : f32 to vector<16xf32>
      %select_n3A_917 = arith.select %eq3A_914, %broadcast_in_dim3A_916, %select_n3A_907 : vector<16xi1>, vector<16xf32>
      %mul3A_918 = arith.constant 6 : i32
      %mul3A_919 = arith.muli %add3A_572, %mul3A_918 : i32
      %add3A_920 = arith.constant 2 : i32
      %add3A_921 = arith.addi %mul3A_919, %add3A_920 : i32
      %mul3A_922 = arith.constant 8 : i32
      %mul3A_923 = arith.muli %add3A_921, %mul3A_922 : i32
      %add3A_924 = vector.broadcast %mul3A_923 : i32 to vector<16xi32>
      %add3A_925 = arith.addi %add3A_924, %iota3A : vector<16xi32>
      tpu.vector_store_idx %arg8[%add3A_925], %select_n3A_917 : memref<384xf32, #tpu.memory_space<vmem>>[vector<16xi32>], vector<16xf32>,
      %scan3A_926 = arith.constant 0 : i32
      %scan3A_927 = arith.constant 64 : i32
      %scan3A_928 = arith.addi %scan3A_926, %scan3A_927 : i32
      %scan3A_929 = arith.constant 1 : i32
      %scan3A_930:16 = scf.for %scan3A_1107 = %scan3A_926 to %scan3A_928 step %scan3A_929 iter_args(%scan3A_1108 = %broadcast_in_dim3A_28, %scan3A_1109 = %broadcast_in_dim3A_28, %scan3A_1110 = %broadcast_in_dim3A_28, %scan3A_1111 = %broadcast_in_dim3A_28, %scan3A_1112 = %broadcast_in_dim3A_28, %scan3A_1113 = %broadcast_in_dim3A_28, %scan3A_1114 = %broadcast_in_dim3A_28, %scan3A_1115 = %broadcast_in_dim3A_28, %scan3A_1116 = %broadcast_in_dim3A_28, %scan3A_1117 = %broadcast_in_dim3A_28, %scan3A_1118 = %broadcast_in_dim3A_28, %scan3A_1119 = %broadcast_in_dim3A_28, %scan3A_1120 = %broadcast_in_dim3A_28, %scan3A_1121 = %broadcast_in_dim3A_28, %scan3A_1122 = %broadcast_in_dim3A_28, %scan3A_1123 = %broadcast_in_dim3A_28) -> (vector<16xf32>, vector<16xf32>, vector<16xf32>, vector<16xf32>, vector<16xf32>, vector<16xf32>, vector<16xf32>, vector<16xf32>, vector<16xf32>, vector<16xf32>, vector<16xf32>, vector<16xf32>, vector<16xf32>, vector<16xf32>, vector<16xf32>, vector<16xf32>)  : i32 {
        %mul3A_1124 = arith.constant 16 : i32
        %mul3A_1125 = arith.muli %scan3A_1107, %mul3A_1124 : i32
        %get3A = arith.index_cast %mul3A_1125 : i32 to index
        %get3A_1126 = tpu.vector_load %arg7[%get3A] {strides = array<i32>} : memref<1024xf32, #tpu.memory_space<vmem>>, vector<16xf32>,
        %shift_right_arithmetic3A = arith.constant 3 : i32
        %shift_right_arithmetic3A_1127 = arith.shrsi %scan3A_1107, %shift_right_arithmetic3A : i32
        %mul3A_1128 = arith.constant 1024 : i32
        %mul3A_1129 = arith.muli %shift_right_arithmetic3A_1127, %mul3A_1128 : i32
        %add3A_1130 = arith.constant 32768 : i32
        %add3A_1131 = arith.addi %add3A_1130, %mul3A_1129 : i32
        %and3A_1132 = arith.constant 7 : i32
        %and3A_1133 = arith.andi %scan3A_1107, %and3A_1132 : i32
        %shift_left3A = arith.constant 4 : i32
        %shift_left3A_1134 = arith.shli %and3A_1133, %shift_left3A : i32
        %add3A_1135 = arith.addi %add3A_1131, %shift_left3A_1134 : i32
        %add3A_1136 = arith.constant 0 : i32
        %add3A_1137 = arith.addi %add3A_1135, %add3A_1136 : i32
        %add3A_1138 = arith.constant 0 : i32
        %add3A_1139 = arith.addi %add3A_1137, %add3A_1138 : i32
        %get3A_1140 = arith.index_cast %add3A_1139 : i32 to index
        %get3A_1141 = tpu.vector_load %arg6[%get3A_1140] {strides = array<i32>} : memref<49152xf32, #tpu.memory_space<vmem>>, vector<16xf32>,
        %mul3A_1142 = arith.mulf %get3A_1141, %get3A_1126 : vector<16xf32>
        %add3A_1143 = arith.addf %scan3A_1108, %mul3A_1142 : vector<16xf32>
        %add3A_1144 = arith.constant 0 : i32
        %add3A_1145 = arith.addi %add3A_1135, %add3A_1144 : i32
        %add3A_1146 = arith.constant 128 : i32
        %add3A_1147 = arith.addi %add3A_1145, %add3A_1146 : i32
        %get3A_1148 = arith.index_cast %add3A_1147 : i32 to index
        %get3A_1149 = tpu.vector_load %arg6[%get3A_1148] {strides = array<i32>} : memref<49152xf32, #tpu.memory_space<vmem>>, vector<16xf32>,
        %mul3A_1150 = arith.mulf %get3A_1149, %get3A_1126 : vector<16xf32>
        %add3A_1151 = arith.addf %scan3A_1109, %mul3A_1150 : vector<16xf32>
        %add3A_1152 = arith.constant 0 : i32
        %add3A_1153 = arith.addi %add3A_1135, %add3A_1152 : i32
        %add3A_1154 = arith.constant 256 : i32
        %add3A_1155 = arith.addi %add3A_1153, %add3A_1154 : i32
        %get3A_1156 = arith.index_cast %add3A_1155 : i32 to index
        %get3A_1157 = tpu.vector_load %arg6[%get3A_1156] {strides = array<i32>} : memref<49152xf32, #tpu.memory_space<vmem>>, vector<16xf32>,
        %mul3A_1158 = arith.mulf %get3A_1157, %get3A_1126 : vector<16xf32>
        %add3A_1159 = arith.addf %scan3A_1110, %mul3A_1158 : vector<16xf32>
        %add3A_1160 = arith.constant 0 : i32
        %add3A_1161 = arith.addi %add3A_1135, %add3A_1160 : i32
        %add3A_1162 = arith.constant 384 : i32
        %add3A_1163 = arith.addi %add3A_1161, %add3A_1162 : i32
        %get3A_1164 = arith.index_cast %add3A_1163 : i32 to index
        %get3A_1165 = tpu.vector_load %arg6[%get3A_1164] {strides = array<i32>} : memref<49152xf32, #tpu.memory_space<vmem>>, vector<16xf32>,
        %mul3A_1166 = arith.mulf %get3A_1165, %get3A_1126 : vector<16xf32>
        %add3A_1167 = arith.addf %scan3A_1111, %mul3A_1166 : vector<16xf32>
        %add3A_1168 = arith.constant 0 : i32
        %add3A_1169 = arith.addi %add3A_1135, %add3A_1168 : i32
        %add3A_1170 = arith.constant 512 : i32
        %add3A_1171 = arith.addi %add3A_1169, %add3A_1170 : i32
        %get3A_1172 = arith.index_cast %add3A_1171 : i32 to index
        %get3A_1173 = tpu.vector_load %arg6[%get3A_1172] {strides = array<i32>} : memref<49152xf32, #tpu.memory_space<vmem>>, vector<16xf32>,
        %mul3A_1174 = arith.mulf %get3A_1173, %get3A_1126 : vector<16xf32>
        %add3A_1175 = arith.addf %scan3A_1112, %mul3A_1174 : vector<16xf32>
        %add3A_1176 = arith.constant 0 : i32
        %add3A_1177 = arith.addi %add3A_1135, %add3A_1176 : i32
        %add3A_1178 = arith.constant 640 : i32
        %add3A_1179 = arith.addi %add3A_1177, %add3A_1178 : i32
        %get3A_1180 = arith.index_cast %add3A_1179 : i32 to index
        %get3A_1181 = tpu.vector_load %arg6[%get3A_1180] {strides = array<i32>} : memref<49152xf32, #tpu.memory_space<vmem>>, vector<16xf32>,
        %mul3A_1182 = arith.mulf %get3A_1181, %get3A_1126 : vector<16xf32>
        %add3A_1183 = arith.addf %scan3A_1113, %mul3A_1182 : vector<16xf32>
        %add3A_1184 = arith.constant 0 : i32
        %add3A_1185 = arith.addi %add3A_1135, %add3A_1184 : i32
        %add3A_1186 = arith.constant 768 : i32
        %add3A_1187 = arith.addi %add3A_1185, %add3A_1186 : i32
        %get3A_1188 = arith.index_cast %add3A_1187 : i32 to index
        %get3A_1189 = tpu.vector_load %arg6[%get3A_1188] {strides = array<i32>} : memref<49152xf32, #tpu.memory_space<vmem>>, vector<16xf32>,
        %mul3A_1190 = arith.mulf %get3A_1189, %get3A_1126 : vector<16xf32>
        %add3A_1191 = arith.addf %scan3A_1114, %mul3A_1190 : vector<16xf32>
        %add3A_1192 = arith.constant 0 : i32
        %add3A_1193 = arith.addi %add3A_1135, %add3A_1192 : i32
        %add3A_1194 = arith.constant 896 : i32
        %add3A_1195 = arith.addi %add3A_1193, %add3A_1194 : i32
        %get3A_1196 = arith.index_cast %add3A_1195 : i32 to index
        %get3A_1197 = tpu.vector_load %arg6[%get3A_1196] {strides = array<i32>} : memref<49152xf32, #tpu.memory_space<vmem>>, vector<16xf32>,
        %mul3A_1198 = arith.mulf %get3A_1197, %get3A_1126 : vector<16xf32>
        %add3A_1199 = arith.addf %scan3A_1115, %mul3A_1198 : vector<16xf32>
        %add3A_1200 = arith.constant 8192 : i32
        %add3A_1201 = arith.addi %add3A_1135, %add3A_1200 : i32
        %add3A_1202 = arith.constant 0 : i32
        %add3A_1203 = arith.addi %add3A_1201, %add3A_1202 : i32
        %get3A_1204 = arith.index_cast %add3A_1203 : i32 to index
        %get3A_1205 = tpu.vector_load %arg6[%get3A_1204] {strides = array<i32>} : memref<49152xf32, #tpu.memory_space<vmem>>, vector<16xf32>,
        %mul3A_1206 = arith.mulf %get3A_1205, %get3A_1126 : vector<16xf32>
        %add3A_1207 = arith.addf %scan3A_1116, %mul3A_1206 : vector<16xf32>
        %add3A_1208 = arith.constant 8192 : i32
        %add3A_1209 = arith.addi %add3A_1135, %add3A_1208 : i32
        %add3A_1210 = arith.constant 128 : i32
        %add3A_1211 = arith.addi %add3A_1209, %add3A_1210 : i32
        %get3A_1212 = arith.index_cast %add3A_1211 : i32 to index
        %get3A_1213 = tpu.vector_load %arg6[%get3A_1212] {strides = array<i32>} : memref<49152xf32, #tpu.memory_space<vmem>>, vector<16xf32>,
        %mul3A_1214 = arith.mulf %get3A_1213, %get3A_1126 : vector<16xf32>
        %add3A_1215 = arith.addf %scan3A_1117, %mul3A_1214 : vector<16xf32>
        %add3A_1216 = arith.constant 8192 : i32
        %add3A_1217 = arith.addi %add3A_1135, %add3A_1216 : i32
        %add3A_1218 = arith.constant 256 : i32
        %add3A_1219 = arith.addi %add3A_1217, %add3A_1218 : i32
        %get3A_1220 = arith.index_cast %add3A_1219 : i32 to index
        %get3A_1221 = tpu.vector_load %arg6[%get3A_1220] {strides = array<i32>} : memref<49152xf32, #tpu.memory_space<vmem>>, vector<16xf32>,
        %mul3A_1222 = arith.mulf %get3A_1221, %get3A_1126 : vector<16xf32>
        %add3A_1223 = arith.addf %scan3A_1118, %mul3A_1222 : vector<16xf32>
        %add3A_1224 = arith.constant 8192 : i32
        %add3A_1225 = arith.addi %add3A_1135, %add3A_1224 : i32
        %add3A_1226 = arith.constant 384 : i32
        %add3A_1227 = arith.addi %add3A_1225, %add3A_1226 : i32
        %get3A_1228 = arith.index_cast %add3A_1227 : i32 to index
        %get3A_1229 = tpu.vector_load %arg6[%get3A_1228] {strides = array<i32>} : memref<49152xf32, #tpu.memory_space<vmem>>, vector<16xf32>,
        %mul3A_1230 = arith.mulf %get3A_1229, %get3A_1126 : vector<16xf32>
        %add3A_1231 = arith.addf %scan3A_1119, %mul3A_1230 : vector<16xf32>
        %add3A_1232 = arith.constant 8192 : i32
        %add3A_1233 = arith.addi %add3A_1135, %add3A_1232 : i32
        %add3A_1234 = arith.constant 512 : i32
        %add3A_1235 = arith.addi %add3A_1233, %add3A_1234 : i32
        %get3A_1236 = arith.index_cast %add3A_1235 : i32 to index
        %get3A_1237 = tpu.vector_load %arg6[%get3A_1236] {strides = array<i32>} : memref<49152xf32, #tpu.memory_space<vmem>>, vector<16xf32>,
        %mul3A_1238 = arith.mulf %get3A_1237, %get3A_1126 : vector<16xf32>
        %add3A_1239 = arith.addf %scan3A_1120, %mul3A_1238 : vector<16xf32>
        %add3A_1240 = arith.constant 8192 : i32
        %add3A_1241 = arith.addi %add3A_1135, %add3A_1240 : i32
        %add3A_1242 = arith.constant 640 : i32
        %add3A_1243 = arith.addi %add3A_1241, %add3A_1242 : i32
        %get3A_1244 = arith.index_cast %add3A_1243 : i32 to index
        %get3A_1245 = tpu.vector_load %arg6[%get3A_1244] {strides = array<i32>} : memref<49152xf32, #tpu.memory_space<vmem>>, vector<16xf32>,
        %mul3A_1246 = arith.mulf %get3A_1245, %get3A_1126 : vector<16xf32>
        %add3A_1247 = arith.addf %scan3A_1121, %mul3A_1246 : vector<16xf32>
        %add3A_1248 = arith.constant 8192 : i32
        %add3A_1249 = arith.addi %add3A_1135, %add3A_1248 : i32
        %add3A_1250 = arith.constant 768 : i32
        %add3A_1251 = arith.addi %add3A_1249, %add3A_1250 : i32
        %get3A_1252 = arith.index_cast %add3A_1251 : i32 to index
        %get3A_1253 = tpu.vector_load %arg6[%get3A_1252] {strides = array<i32>} : memref<49152xf32, #tpu.memory_space<vmem>>, vector<16xf32>,
        %mul3A_1254 = arith.mulf %get3A_1253, %get3A_1126 : vector<16xf32>
        %add3A_1255 = arith.addf %scan3A_1122, %mul3A_1254 : vector<16xf32>
        %add3A_1256 = arith.constant 8192 : i32
        %add3A_1257 = arith.addi %add3A_1135, %add3A_1256 : i32
        %add3A_1258 = arith.constant 896 : i32
        %add3A_1259 = arith.addi %add3A_1257, %add3A_1258 : i32
        %get3A_1260 = arith.index_cast %add3A_1259 : i32 to index
        %get3A_1261 = tpu.vector_load %arg6[%get3A_1260] {strides = array<i32>} : memref<49152xf32, #tpu.memory_space<vmem>>, vector<16xf32>,
        %mul3A_1262 = arith.mulf %get3A_1261, %get3A_1126 : vector<16xf32>
        %add3A_1263 = arith.addf %scan3A_1123, %mul3A_1262 : vector<16xf32>
        scf.yield %add3A_1143, %add3A_1151, %add3A_1159, %add3A_1167, %add3A_1175, %add3A_1183, %add3A_1191, %add3A_1199, %add3A_1207, %add3A_1215, %add3A_1223, %add3A_1231, %add3A_1239, %add3A_1247, %add3A_1255, %add3A_1263 : vector<16xf32>, vector<16xf32>, vector<16xf32>, vector<16xf32>, vector<16xf32>, vector<16xf32>, vector<16xf32>, vector<16xf32>, vector<16xf32>, vector<16xf32>, vector<16xf32>, vector<16xf32>, vector<16xf32>, vector<16xf32>, vector<16xf32>, vector<16xf32>
      }
      %scan3A_931 = arith.constant 64 : i32
      %reduce_sum3A_932 = arith.constant true
      %reduce_sum3A_933 = vector.broadcast %reduce_sum3A_932 : i1 to vector<16xi1>
      %reduce_sum3A_934 = tpu.scan <sum>, %scan3A_930#0 masked %reduce_sum3A_933 : vector<16xf32>, vector<16xi1> -> vector<16xf32>
      %reduce_sum3A_935 = vector.extract %reduce_sum3A_934[15] : f32 from vector<16xf32>
      %eq3A_936 = arith.constant 0 : i32
      %eq3A_937 = vector.broadcast %eq3A_936 : i32 to vector<16xi32>
      %eq3A_938 = arith.cmpi eq, %iota3A, %eq3A_937 : vector<16xi32>
      %mul3A_939 = arith.mulf %reduce_sum3A_935, %reduce_sum3A_935 : f32
      %broadcast_in_dim3A_940 = vector.broadcast %mul3A_939 : f32 to vector<16xf32>
      %select_n3A_941 = arith.select %eq3A_938, %broadcast_in_dim3A_940, %broadcast_in_dim3A_28 : vector<16xi1>, vector<16xf32>
      %reduce_sum3A_942 = arith.constant true
      %reduce_sum3A_943 = vector.broadcast %reduce_sum3A_942 : i1 to vector<16xi1>
      %reduce_sum3A_944 = tpu.scan <sum>, %scan3A_930#1 masked %reduce_sum3A_943 : vector<16xf32>, vector<16xi1> -> vector<16xf32>
      %reduce_sum3A_945 = vector.extract %reduce_sum3A_944[15] : f32 from vector<16xf32>
      %eq3A_946 = arith.constant 1 : i32
      %eq3A_947 = vector.broadcast %eq3A_946 : i32 to vector<16xi32>
      %eq3A_948 = arith.cmpi eq, %iota3A, %eq3A_947 : vector<16xi32>
      %mul3A_949 = arith.mulf %reduce_sum3A_945, %reduce_sum3A_945 : f32
      %broadcast_in_dim3A_950 = vector.broadcast %mul3A_949 : f32 to vector<16xf32>
      %select_n3A_951 = arith.select %eq3A_948, %broadcast_in_dim3A_950, %select_n3A_941 : vector<16xi1>, vector<16xf32>
      %reduce_sum3A_952 = arith.constant true
      %reduce_sum3A_953 = vector.broadcast %reduce_sum3A_952 : i1 to vector<16xi1>
      %reduce_sum3A_954 = tpu.scan <sum>, %scan3A_930#2 masked %reduce_sum3A_953 : vector<16xf32>, vector<16xi1> -> vector<16xf32>
      %reduce_sum3A_955 = vector.extract %reduce_sum3A_954[15] : f32 from vector<16xf32>
      %eq3A_956 = arith.constant 2 : i32
      %eq3A_957 = vector.broadcast %eq3A_956 : i32 to vector<16xi32>
      %eq3A_958 = arith.cmpi eq, %iota3A, %eq3A_957 : vector<16xi32>
      %mul3A_959 = arith.mulf %reduce_sum3A_955, %reduce_sum3A_955 : f32
      %broadcast_in_dim3A_960 = vector.broadcast %mul3A_959 : f32 to vector<16xf32>
      %select_n3A_961 = arith.select %eq3A_958, %broadcast_in_dim3A_960, %select_n3A_951 : vector<16xi1>, vector<16xf32>
      %reduce_sum3A_962 = arith.constant true
      %reduce_sum3A_963 = vector.broadcast %reduce_sum3A_962 : i1 to vector<16xi1>
      %reduce_sum3A_964 = tpu.scan <sum>, %scan3A_930#3 masked %reduce_sum3A_963 : vector<16xf32>, vector<16xi1> -> vector<16xf32>
      %reduce_sum3A_965 = vector.extract %reduce_sum3A_964[15] : f32 from vector<16xf32>
      %eq3A_966 = arith.constant 3 : i32
      %eq3A_967 = vector.broadcast %eq3A_966 : i32 to vector<16xi32>
      %eq3A_968 = arith.cmpi eq, %iota3A, %eq3A_967 : vector<16xi32>
      %mul3A_969 = arith.mulf %reduce_sum3A_965, %reduce_sum3A_965 : f32
      %broadcast_in_dim3A_970 = vector.broadcast %mul3A_969 : f32 to vector<16xf32>
      %select_n3A_971 = arith.select %eq3A_968, %broadcast_in_dim3A_970, %select_n3A_961 : vector<16xi1>, vector<16xf32>
      %reduce_sum3A_972 = arith.constant true
      %reduce_sum3A_973 = vector.broadcast %reduce_sum3A_972 : i1 to vector<16xi1>
      %reduce_sum3A_974 = tpu.scan <sum>, %scan3A_930#4 masked %reduce_sum3A_973 : vector<16xf32>, vector<16xi1> -> vector<16xf32>
      %reduce_sum3A_975 = vector.extract %reduce_sum3A_974[15] : f32 from vector<16xf32>
      %eq3A_976 = arith.constant 4 : i32
      %eq3A_977 = vector.broadcast %eq3A_976 : i32 to vector<16xi32>
      %eq3A_978 = arith.cmpi eq, %iota3A, %eq3A_977 : vector<16xi32>
      %mul3A_979 = arith.mulf %reduce_sum3A_975, %reduce_sum3A_975 : f32
      %broadcast_in_dim3A_980 = vector.broadcast %mul3A_979 : f32 to vector<16xf32>
      %select_n3A_981 = arith.select %eq3A_978, %broadcast_in_dim3A_980, %select_n3A_971 : vector<16xi1>, vector<16xf32>
      %reduce_sum3A_982 = arith.constant true
      %reduce_sum3A_983 = vector.broadcast %reduce_sum3A_982 : i1 to vector<16xi1>
      %reduce_sum3A_984 = tpu.scan <sum>, %scan3A_930#5 masked %reduce_sum3A_983 : vector<16xf32>, vector<16xi1> -> vector<16xf32>
      %reduce_sum3A_985 = vector.extract %reduce_sum3A_984[15] : f32 from vector<16xf32>
      %eq3A_986 = arith.constant 5 : i32
      %eq3A_987 = vector.broadcast %eq3A_986 : i32 to vector<16xi32>
      %eq3A_988 = arith.cmpi eq, %iota3A, %eq3A_987 : vector<16xi32>
      %mul3A_989 = arith.mulf %reduce_sum3A_985, %reduce_sum3A_985 : f32
      %broadcast_in_dim3A_990 = vector.broadcast %mul3A_989 : f32 to vector<16xf32>
      %select_n3A_991 = arith.select %eq3A_988, %broadcast_in_dim3A_990, %select_n3A_981 : vector<16xi1>, vector<16xf32>
      %reduce_sum3A_992 = arith.constant true
      %reduce_sum3A_993 = vector.broadcast %reduce_sum3A_992 : i1 to vector<16xi1>
      %reduce_sum3A_994 = tpu.scan <sum>, %scan3A_930#6 masked %reduce_sum3A_993 : vector<16xf32>, vector<16xi1> -> vector<16xf32>
      %reduce_sum3A_995 = vector.extract %reduce_sum3A_994[15] : f32 from vector<16xf32>
      %eq3A_996 = arith.constant 6 : i32
      %eq3A_997 = vector.broadcast %eq3A_996 : i32 to vector<16xi32>
      %eq3A_998 = arith.cmpi eq, %iota3A, %eq3A_997 : vector<16xi32>
      %mul3A_999 = arith.mulf %reduce_sum3A_995, %reduce_sum3A_995 : f32
      %broadcast_in_dim3A_1000 = vector.broadcast %mul3A_999 : f32 to vector<16xf32>
      %select_n3A_1001 = arith.select %eq3A_998, %broadcast_in_dim3A_1000, %select_n3A_991 : vector<16xi1>, vector<16xf32>
      %reduce_sum3A_1002 = arith.constant true
      %reduce_sum3A_1003 = vector.broadcast %reduce_sum3A_1002 : i1 to vector<16xi1>
      %reduce_sum3A_1004 = tpu.scan <sum>, %scan3A_930#7 masked %reduce_sum3A_1003 : vector<16xf32>, vector<16xi1> -> vector<16xf32>
      %reduce_sum3A_1005 = vector.extract %reduce_sum3A_1004[15] : f32 from vector<16xf32>
      %eq3A_1006 = arith.constant 7 : i32
      %eq3A_1007 = vector.broadcast %eq3A_1006 : i32 to vector<16xi32>
      %eq3A_1008 = arith.cmpi eq, %iota3A, %eq3A_1007 : vector<16xi32>
      %mul3A_1009 = arith.mulf %reduce_sum3A_1005, %reduce_sum3A_1005 : f32
      %broadcast_in_dim3A_1010 = vector.broadcast %mul3A_1009 : f32 to vector<16xf32>
      %select_n3A_1011 = arith.select %eq3A_1008, %broadcast_in_dim3A_1010, %select_n3A_1001 : vector<16xi1>, vector<16xf32>
      %reduce_sum3A_1012 = arith.constant true
      %reduce_sum3A_1013 = vector.broadcast %reduce_sum3A_1012 : i1 to vector<16xi1>
      %reduce_sum3A_1014 = tpu.scan <sum>, %scan3A_930#8 masked %reduce_sum3A_1013 : vector<16xf32>, vector<16xi1> -> vector<16xf32>
      %reduce_sum3A_1015 = vector.extract %reduce_sum3A_1014[15] : f32 from vector<16xf32>
      %eq3A_1016 = arith.constant 8 : i32
      %eq3A_1017 = vector.broadcast %eq3A_1016 : i32 to vector<16xi32>
      %eq3A_1018 = arith.cmpi eq, %iota3A, %eq3A_1017 : vector<16xi32>
      %mul3A_1019 = arith.mulf %reduce_sum3A_1015, %reduce_sum3A_1015 : f32
      %broadcast_in_dim3A_1020 = vector.broadcast %mul3A_1019 : f32 to vector<16xf32>
      %select_n3A_1021 = arith.select %eq3A_1018, %broadcast_in_dim3A_1020, %select_n3A_1011 : vector<16xi1>, vector<16xf32>
      %reduce_sum3A_1022 = arith.constant true
      %reduce_sum3A_1023 = vector.broadcast %reduce_sum3A_1022 : i1 to vector<16xi1>
      %reduce_sum3A_1024 = tpu.scan <sum>, %scan3A_930#9 masked %reduce_sum3A_1023 : vector<16xf32>, vector<16xi1> -> vector<16xf32>
      %reduce_sum3A_1025 = vector.extract %reduce_sum3A_1024[15] : f32 from vector<16xf32>
      %eq3A_1026 = arith.constant 9 : i32
      %eq3A_1027 = vector.broadcast %eq3A_1026 : i32 to vector<16xi32>
      %eq3A_1028 = arith.cmpi eq, %iota3A, %eq3A_1027 : vector<16xi32>
      %mul3A_1029 = arith.mulf %reduce_sum3A_1025, %reduce_sum3A_1025 : f32
      %broadcast_in_dim3A_1030 = vector.broadcast %mul3A_1029 : f32 to vector<16xf32>
      %select_n3A_1031 = arith.select %eq3A_1028, %broadcast_in_dim3A_1030, %select_n3A_1021 : vector<16xi1>, vector<16xf32>
      %reduce_sum3A_1032 = arith.constant true
      %reduce_sum3A_1033 = vector.broadcast %reduce_sum3A_1032 : i1 to vector<16xi1>
      %reduce_sum3A_1034 = tpu.scan <sum>, %scan3A_930#10 masked %reduce_sum3A_1033 : vector<16xf32>, vector<16xi1> -> vector<16xf32>
      %reduce_sum3A_1035 = vector.extract %reduce_sum3A_1034[15] : f32 from vector<16xf32>
      %eq3A_1036 = arith.constant 10 : i32
      %eq3A_1037 = vector.broadcast %eq3A_1036 : i32 to vector<16xi32>
      %eq3A_1038 = arith.cmpi eq, %iota3A, %eq3A_1037 : vector<16xi32>
      %mul3A_1039 = arith.mulf %reduce_sum3A_1035, %reduce_sum3A_1035 : f32
      %broadcast_in_dim3A_1040 = vector.broadcast %mul3A_1039 : f32 to vector<16xf32>
      %select_n3A_1041 = arith.select %eq3A_1038, %broadcast_in_dim3A_1040, %select_n3A_1031 : vector<16xi1>, vector<16xf32>
      %reduce_sum3A_1042 = arith.constant true
      %reduce_sum3A_1043 = vector.broadcast %reduce_sum3A_1042 : i1 to vector<16xi1>
      %reduce_sum3A_1044 = tpu.scan <sum>, %scan3A_930#11 masked %reduce_sum3A_1043 : vector<16xf32>, vector<16xi1> -> vector<16xf32>
      %reduce_sum3A_1045 = vector.extract %reduce_sum3A_1044[15] : f32 from vector<16xf32>
      %eq3A_1046 = arith.constant 11 : i32
      %eq3A_1047 = vector.broadcast %eq3A_1046 : i32 to vector<16xi32>
      %eq3A_1048 = arith.cmpi eq, %iota3A, %eq3A_1047 : vector<16xi32>
      %mul3A_1049 = arith.mulf %reduce_sum3A_1045, %reduce_sum3A_1045 : f32
      %broadcast_in_dim3A_1050 = vector.broadcast %mul3A_1049 : f32 to vector<16xf32>
      %select_n3A_1051 = arith.select %eq3A_1048, %broadcast_in_dim3A_1050, %select_n3A_1041 : vector<16xi1>, vector<16xf32>
      %reduce_sum3A_1052 = arith.constant true
      %reduce_sum3A_1053 = vector.broadcast %reduce_sum3A_1052 : i1 to vector<16xi1>
      %reduce_sum3A_1054 = tpu.scan <sum>, %scan3A_930#12 masked %reduce_sum3A_1053 : vector<16xf32>, vector<16xi1> -> vector<16xf32>
      %reduce_sum3A_1055 = vector.extract %reduce_sum3A_1054[15] : f32 from vector<16xf32>
      %eq3A_1056 = arith.constant 12 : i32
      %eq3A_1057 = vector.broadcast %eq3A_1056 : i32 to vector<16xi32>
      %eq3A_1058 = arith.cmpi eq, %iota3A, %eq3A_1057 : vector<16xi32>
      %mul3A_1059 = arith.mulf %reduce_sum3A_1055, %reduce_sum3A_1055 : f32
      %broadcast_in_dim3A_1060 = vector.broadcast %mul3A_1059 : f32 to vector<16xf32>
      %select_n3A_1061 = arith.select %eq3A_1058, %broadcast_in_dim3A_1060, %select_n3A_1051 : vector<16xi1>, vector<16xf32>
      %reduce_sum3A_1062 = arith.constant true
      %reduce_sum3A_1063 = vector.broadcast %reduce_sum3A_1062 : i1 to vector<16xi1>
      %reduce_sum3A_1064 = tpu.scan <sum>, %scan3A_930#13 masked %reduce_sum3A_1063 : vector<16xf32>, vector<16xi1> -> vector<16xf32>
      %reduce_sum3A_1065 = vector.extract %reduce_sum3A_1064[15] : f32 from vector<16xf32>
      %eq3A_1066 = arith.constant 13 : i32
      %eq3A_1067 = vector.broadcast %eq3A_1066 : i32 to vector<16xi32>
      %eq3A_1068 = arith.cmpi eq, %iota3A, %eq3A_1067 : vector<16xi32>
      %mul3A_1069 = arith.mulf %reduce_sum3A_1065, %reduce_sum3A_1065 : f32
      %broadcast_in_dim3A_1070 = vector.broadcast %mul3A_1069 : f32 to vector<16xf32>
      %select_n3A_1071 = arith.select %eq3A_1068, %broadcast_in_dim3A_1070, %select_n3A_1061 : vector<16xi1>, vector<16xf32>
      %reduce_sum3A_1072 = arith.constant true
      %reduce_sum3A_1073 = vector.broadcast %reduce_sum3A_1072 : i1 to vector<16xi1>
      %reduce_sum3A_1074 = tpu.scan <sum>, %scan3A_930#14 masked %reduce_sum3A_1073 : vector<16xf32>, vector<16xi1> -> vector<16xf32>
      %reduce_sum3A_1075 = vector.extract %reduce_sum3A_1074[15] : f32 from vector<16xf32>
      %eq3A_1076 = arith.constant 14 : i32
      %eq3A_1077 = vector.broadcast %eq3A_1076 : i32 to vector<16xi32>
      %eq3A_1078 = arith.cmpi eq, %iota3A, %eq3A_1077 : vector<16xi32>
      %mul3A_1079 = arith.mulf %reduce_sum3A_1075, %reduce_sum3A_1075 : f32
      %broadcast_in_dim3A_1080 = vector.broadcast %mul3A_1079 : f32 to vector<16xf32>
      %select_n3A_1081 = arith.select %eq3A_1078, %broadcast_in_dim3A_1080, %select_n3A_1071 : vector<16xi1>, vector<16xf32>
      %reduce_sum3A_1082 = arith.constant true
      %reduce_sum3A_1083 = vector.broadcast %reduce_sum3A_1082 : i1 to vector<16xi1>
      %reduce_sum3A_1084 = tpu.scan <sum>, %scan3A_930#15 masked %reduce_sum3A_1083 : vector<16xf32>, vector<16xi1> -> vector<16xf32>
      %reduce_sum3A_1085 = vector.extract %reduce_sum3A_1084[15] : f32 from vector<16xf32>
      %eq3A_1086 = arith.constant 15 : i32
      %eq3A_1087 = vector.broadcast %eq3A_1086 : i32 to vector<16xi32>
      %eq3A_1088 = arith.cmpi eq, %iota3A, %eq3A_1087 : vector<16xi32>
      %mul3A_1089 = arith.mulf %reduce_sum3A_1085, %reduce_sum3A_1085 : f32
      %broadcast_in_dim3A_1090 = vector.broadcast %mul3A_1089 : f32 to vector<16xf32>
      %select_n3A_1091 = arith.select %eq3A_1088, %broadcast_in_dim3A_1090, %select_n3A_1081 : vector<16xi1>, vector<16xf32>
      %mul3A_1092 = arith.constant 6 : i32
      %mul3A_1093 = arith.muli %add3A_572, %mul3A_1092 : i32
      %add3A_1094 = arith.constant 4 : i32
      %add3A_1095 = arith.addi %mul3A_1093, %add3A_1094 : i32
      %mul3A_1096 = arith.constant 8 : i32
      %mul3A_1097 = arith.muli %add3A_1095, %mul3A_1096 : i32
      %add3A_1098 = vector.broadcast %mul3A_1097 : i32 to vector<16xi32>
      %add3A_1099 = arith.addi %add3A_1098, %iota3A : vector<16xi32>
      tpu.vector_store_idx %arg8[%add3A_1099], %select_n3A_1091 : memref<384xf32, #tpu.memory_space<vmem>>[vector<16xi32>], vector<16xf32>,
      %add3A_1100 = arith.constant 2 : i32
      %add3A_1101 = arith.addi %add3A_572, %add3A_1100 : i32
      %lt3A_1102 = arith.constant 8 : i32
      %lt3A_1103 = arith.cmpi slt, %add3A_1101, %lt3A_1102 : i32
      %convert_element_type3A_1104 = arith.extui %lt3A_1103 : i1 to i32
      %cond3A_1105 = arith.constant 0 : i32
      %cond3A_1106 = arith.cmpi ne, %convert_element_type3A_1104, %cond3A_1105 : i32
      scf.if %cond3A_1106 {
        %mul3A_1107 = arith.constant 49152 : i32
        %mul3A_1108 = arith.muli %add3A_1101, %mul3A_1107 : i32
        %add3A_1109 = arith.addi %mul3A_4, %mul3A_1108 : i32
        %dma_start3A_1110 = tpu.memref_slice %arg2[%add3A_1109] : memref<25165824xf32, #tpu.memory_space<hbm>> -> memref<49152xf32, #tpu.memory_space<hbm>>
        %dma_start3A_1111 = tpu.memref_slice %arg2[%add3A_1109] : memref<25165824xf32, #tpu.memory_space<hbm>> -> memref<49152xf32, #tpu.memory_space<hbm>>
        tpu.enqueue_dma source(%dma_start3A_1111 : memref<49152xf32, #tpu.memory_space<hbm>>) target(%arg6 : memref<49152xf32, #tpu.memory_space<vmem>>) target_semaphore(%arg10 : memref<!tpu.dma_semaphore, #tpu.memory_space<semaphore_mem>>)
      } else {
      }
    }
    %scan3A_33 = arith.constant 4 : i32
    %mul3A_34 = arith.constant 384 : i32
    %mul3A_35 = arith.muli %add3A, %mul3A_34 : i32
    "tpu.region"() ({
      %run_scoped3A = tpu.sem_alloc : memref<!tpu.dma_semaphore, #tpu.memory_space<semaphore_mem>>
      %dma_start3A_36 = tpu.memref_slice %arg4[%mul3A_35] : memref<12288xf32, #tpu.memory_space<hbm>> -> memref<384xf32, #tpu.memory_space<hbm>>
      %dma_start3A_37 = tpu.memref_slice %arg4[%mul3A_35] : memref<12288xf32, #tpu.memory_space<hbm>> -> memref<384xf32, #tpu.memory_space<hbm>>
      tpu.enqueue_dma source(%arg8 : memref<384xf32, #tpu.memory_space<vmem>>) target(%dma_start3A_37 : memref<384xf32, #tpu.memory_space<hbm>>) target_semaphore(%run_scoped3A : memref<!tpu.dma_semaphore, #tpu.memory_space<semaphore_mem>>)
      %dma_wait3A = tpu.memref_slice %arg4[%mul3A_35] : memref<12288xf32, #tpu.memory_space<hbm>> -> memref<384xf32, #tpu.memory_space<hbm>>
      %dma_wait3A_38 = tpu.memref_slice %arg4[%mul3A_35] : memref<12288xf32, #tpu.memory_space<hbm>> -> memref<384xf32, #tpu.memory_space<hbm>>
      tpu.wait_dma2 semaphore(%run_scoped3A : memref<!tpu.dma_semaphore, #tpu.memory_space<semaphore_mem>>) src(%arg8 : memref<384xf32, #tpu.memory_space<vmem>>) dst(%dma_wait3A_38 : memref<384xf32, #tpu.memory_space<hbm>>)
      tpu.yield
    }) : () -> ()
    return
  }
}

module attributes {stable_mosaic.version = 14 : i64} {
  func.func @_tc_body(%arg0: i32, %arg1: i32, %arg2: memref<1x1x512x1024xf32, #tpu.memory_space<vmem>>, %arg3: memref<1x1x1024xf32, #tpu.memory_space<vmem>>, %arg4: memref<1x1x8x512xf32, #tpu.memory_space<vmem>>) attributes {dimension_semantics = [#tpu.dimension_semantics<arbitrary>, #tpu.dimension_semantics<arbitrary>], iteration_bounds = array<i64: 8, 3>, scalar_prefetch = 0 : i64, scratch_operands = 0 : i64, tpu.core_type = #tpu.core_type<tc>, window_params = [{transform_indices = @transform_0, window_bounds = array<i64: 1, 1, 512, 1024>}, {transform_indices = @transform_1, window_bounds = array<i64: 1, 1, 1024>}, {transform_indices = @transform_2, window_bounds = array<i64: 1, 1, 8, 512>}]} {
    %get3A = arith.constant 0 : index
    %get3A_0 = arith.constant 0 : index
    %get3A_1 = arith.constant 0 : index
    %get3A_2 = arith.constant 0 : index
    %get3A_3 = vector.load %arg2[%get3A, %get3A_0, %get3A_1, %get3A_2] : memref<1x1x512x1024xf32, #tpu.memory_space<vmem>>, vector<1x1x512x1024xf32>
    %get3A_4 = vector.shape_cast %get3A_3 : vector<1x1x512x1024xf32> to vector<512x1024xf32>
    %get3A_5 = arith.constant 0 : index
    %get3A_6 = arith.constant 0 : index
    %get3A_7 = arith.constant 0 : index
    %get3A_8 = vector.load %arg3[%get3A_5, %get3A_6, %get3A_7] : memref<1x1x1024xf32, #tpu.memory_space<vmem>>, vector<1x1x1024xf32>
    %get3A_9 = vector.shape_cast %get3A_8 : vector<1x1x1024xf32> to vector<1x1024xf32>
    %mul3A = vector.broadcast %get3A_9 : vector<1x1024xf32> to vector<512x1024xf32>
    %mul3A_10 = arith.mulf %get3A_4, %mul3A : vector<512x1024xf32>
    %reduce_sum3A = arith.constant dense<0.000000e+00> : vector<512xf32>
    %reduce_sum3A_11 = vector.multi_reduction <add>, %mul3A_10, %reduce_sum3A [1] : vector<512x1024xf32> to vector<512xf32>
    %mul3A_12 = arith.mulf %reduce_sum3A_11, %reduce_sum3A_11 : vector<512xf32>
    %reshape3A = vector.shape_cast %mul3A_12 : vector<512xf32> to vector<1x512xf32>
    %broadcast_in_dim3A = arith.constant 0.000000e+00 : f32
    %broadcast_in_dim3A_13 = vector.broadcast %broadcast_in_dim3A : f32 to vector<7x512xf32>
    %concatenate3A = tpu.concatenate %reshape3A, %broadcast_in_dim3A_13 in 0 : vector<1x512xf32>, vector<7x512xf32> -> vector<8x512xf32>
    %swap3A = arith.constant 0 : index
    %swap3A_14 = arith.constant 0 : index
    %swap3A_15 = arith.constant 0 : index
    %swap3A_16 = arith.constant 0 : index
    %swap3A_17 = vector.load %arg4[%swap3A, %swap3A_14, %swap3A_15, %swap3A_16] : memref<1x1x8x512xf32, #tpu.memory_space<vmem>>, vector<1x1x8x512xf32>
    %swap3A_18 = vector.shape_cast %swap3A_17 : vector<1x1x8x512xf32> to vector<8x512xf32>
    %swap3A_19 = vector.shape_cast %concatenate3A : vector<8x512xf32> to vector<1x1x8x512xf32>
    tpu.vector_store %arg4[%swap3A, %swap3A_14, %swap3A_15, %swap3A_16], %swap3A_19 {strides = array<i32>} : memref<1x1x8x512xf32, #tpu.memory_space<vmem>>, vector<1x1x8x512xf32>,
    return
  }
  func.func @transform_0(%arg0: i32, %arg1: i32) -> (i32, i32, i32, i32) {
    %add3A = arith.constant 8 : i32
    %add3A_0 = arith.addi %add3A, %arg0 : i32
    %c0_i32 = arith.constant 0 : i32
    %c0_i32_1 = arith.constant 0 : i32
    %c0_i32_2 = arith.constant 0 : i32
    return %add3A_0, %arg1, %c0_i32, %c0_i32_1 : i32, i32, i32, i32
  }
  func.func @transform_1(%arg0: i32, %arg1: i32) -> (i32, i32, i32) {
    %add3A = arith.constant 8 : i32
    %add3A_0 = arith.addi %add3A, %arg0 : i32
    %c0_i32 = arith.constant 0 : i32
    %c0_i32_1 = arith.constant 0 : i32
    %c0_i32_2 = arith.constant 0 : i32
    return %add3A_0, %c0_i32, %c0_i32_1 : i32, i32, i32
  }
  func.func @transform_2(%arg0: i32, %arg1: i32) -> (i32, i32, i32, i32) {
    %c0_i32 = arith.constant 0 : i32
    %c0_i32_0 = arith.constant 0 : i32
    %c0_i32_1 = arith.constant 0 : i32
    return %arg0, %arg1, %c0_i32, %c0_i32_0 : i32, i32, i32, i32
  }
}

</mosaic_0001>

<sc_bundles>
// kernel: kernel.4.cloned.1.call-start
scs
__scs_entry_jumppad:
0x0: {  	(pc) =	sbr.rel $0x88, $3  }
0x1: {  	(tag) =	ssettag $0x0;
	lr =	simm.s32 $0x1  }
0x2: {  	[smem:$0x3F9F] =	sst lr;
	_ =	strace $0xD0000000  }
0x3: {  	_ = 	snop  }
0x4: {  	_ = 	snop  }
0x5: {  	_ = 	snop  }
0x6: {  	_ = 	snop  }
0x7: {  	_ = 	snop  }
__scs_overlays_trampoline_lowered:
0x8: {  	[smem:$0x3FAE] =	sst s0  }
0x9: {  	[smem:$0x3FAF] =	sst s1  }
0xa: {  	[smem:$0x3FB0] =	sst s2  }
0xb: {  	[smem:$0x3FB1] =	sst s3  }
0xc: {  	[smem:$0x3FB2] =	sst s4  }
0xd: {  	[smem:$0x3FB3] =	sst s5  }
0xe: {  	[smem:$0x3FB4] =	sst s6  }
0xf: {  	[smem:$0x3FB5] =	sst s7  }
0x10: {  	[smem:$0x3FB6] =	sst s8  }
0x11: {  	[smem:$0x3FB7] =	sst s9;
	s0 =	simm.s32 @!p0 $0x0  }
0x12: {  	s1 =	sld [smem:$0x3F9D];
	s0 =	simm.s32 @p0 $0x1  }
0x13: {  	[smem:$0x3FB8] =	sst s0;
	s0 =	simm.s32 @!p1 $0x0  }
0x14: {  	s2 =	sld [smem:$0x3F9C];
	s0 =	simm.s32 @p1 $0x1  }
0x15: {  	[smem:$0x3FB9] =	sst s0;
	s0 =	simm.s32 @!p2 $0x0  }
0x16: {  	s3 =	sld [smem:$0x3FDB];
	s0 =	simm.s32 @p2 $0x1  }
0x17: {  	s4 =	simm.s32 $0x1BF5;
	[smem:$0x3FBB] =	sst s0  }
0x18: {  	s0 =	sld [smem:$0x3F9E];
	_ =	swait.ge [sflag:s4], $0x0  }
0x19: {  	s7 =	sld [smem:$0x3F9F]  }
0x1a: {  	s8 =	sadd.s32 $0xFFFFE003, lr  }
0x1b: {  	s9 =	sadd.s32 $0xFFFFFEF7, lr;
	s5 =	simm.s32 $0xFFFFFFFF;
	p2 =	slt.u32 s8, $0xFFFFF086  }
0x1c: {  	p1 =	slt.u32 s9, $0xF7A;
	s5 =	simm.s32 @!p2 $0x0  }
0x1d: {  	s5 =	simm.s32 @p1 $0x1;
	p0 =	seq.s32 s7, s2  }
0x1e: {  	s7 =	smul.u32 @!p0 $0xF7A, s2;
	p2 =	seq.s32 @!p0 s5, $0x0  }
0x1f: {  	s9 =	smul.u32 $0xF7A, s1;
	s8 =	simm.s32 @!p0 $0x1BF5;
	p2 =	por !p2, p0  }
0x20: {  	[sflag:s8] =	ssyncset.s32 @!p0 $0xFFFFF086;
	s6 =	sadd.s32 @!p0 s3, s7;
	s7 =	simm.s32 @!p0 $0x108  }
0x21: {  	s3 =	sadd.s32 s3, s9;
	s6 =	sadd.s32 @!p0 $0x88, s6;
	s7 =	simm.s32 @p2 $0x1082  }
0x22: {  	[simem:s7], [sflag:s8] =	dma.local @!p0 [hbm:s6], $0xF7A  }
0x23: {  	s9 =	sor.u32 $0xD0000000, s2;
	s6 =	simm.s32 $0x108;
	_ =	swait.ge @!p0 [sflag:s8], $0x0  }
0x24: {  	s3 =	sadd.s32 $0x88, s3;
	s6 =	simm.s32 @!p1 $0x1082;
	[sflag:s4] =	ssyncset.s32 $0xFFFFF086  }
0x25: {  	[simem:s6], [sflag:s4] =	dma.local [hbm:s3], $0xF7A  }
0x26: {  	[smem:$0x3F9F] =	sst s1;
	(tag) =	ssettag s2;
	_ =	strace s9  }
0x27: {  	s1 =	sld [smem:$0x3FAF]  }
0x28: {  	s2 =	sld [smem:$0x3FB0]  }
0x29: {  	s4 =	sld [smem:$0x3FB2]  }
0x2a: {  	p0 =	seq.s32 s5, $0x0;
	s5 =	sld [smem:$0x3FB3]  }
0x2b: {  	s6 =	sld [smem:$0x3FB4]  }
0x2c: {  	s7 =	sld [smem:$0x3FB5]  }
0x2d: {  	s3 =	simm.s32 $0x108;
	s8 =	sld [smem:$0x3FB6]  }
0x2e: {  	s3 =	simm.s32 @!p0 $0x1082;
	s9 =	sld [smem:$0x3FB7]  }
0x2f: {  	lr =	sadd.s32 s0, s3;
	s0 =	sld [smem:$0x3FAE]  }
0x30: {  	s3 =	sld [smem:$0x3FB1]  }
0x31: {  	[smem:$0x3FBA] =	sst s10  }
0x32: {  	s10 =	sld [smem:$0x3FB8];
	_ =	sdelay $0x3  }
0x33: {  	p0 =	seq.s32 s10, $0x1;
	s10 =	sld [smem:$0x3FBA];
	_ =	sdelay $0x3  }
0x34: {  	[smem:$0x3FBA] =	sst s10  }
0x35: {  	s10 =	sld [smem:$0x3FB9];
	_ =	sdelay $0x3  }
0x36: {  	p1 =	seq.s32 s10, $0x1;
	s10 =	sld [smem:$0x3FBA];
	_ =	sdelay $0x3  }
0x37: {  	[smem:$0x3FBA] =	sst s10  }
0x38: {  	s10 =	sld [smem:$0x3FBB]  }
0x39: {  	_ = 	snop;
	(pc) =	sbr.ind lr, $3  }
0x3a: {  	_ = 	snop  }
0x3b: {  	_ = 	snop  }
0x3c: {  	p2 =	seq.s32 s10, $0x1;
	s10 =	sld [smem:$0x3FBA]  }
0x3d: {  	_ =	shalt  }
0x3e: {  	_ =	shalt  }
0x3f: {  	_ =	shalt  }
0x40: {  	_ =	shalt  }
0x41: {  	_ =	shalt  }
0x42: {  	_ =	shalt  }
0x43: {  	_ =	shalt  }
0x44: {  	_ =	shalt  }
0x45: {  	_ =	shalt  }
0x46: {  	_ =	shalt  }
0x47: {  	_ =	shalt  }
0x48: {  	_ =	shalt  }
0x49: {  	_ =	shalt  }
0x4a: {  	_ =	shalt  }
0x4b: {  	_ =	shalt  }
0x4c: {  	_ =	shalt  }
0x4d: {  	_ =	shalt  }
0x4e: {  	_ =	shalt  }
0x4f: {  	_ =	shalt  }
0x50: {  	_ =	shalt  }
0x51: {  	_ =	shalt  }
0x52: {  	_ =	shalt  }
0x53: {  	_ =	shalt  }
0x54: {  	_ =	shalt  }
0x55: {  	_ =	shalt  }
0x56: {  	_ =	shalt  }
0x57: {  	_ =	shalt  }
0x58: {  	_ =	shalt  }
0x59: {  	_ =	shalt  }
0x5a: {  	_ =	shalt  }
0x5b: {  	_ =	shalt  }
0x5c: {  	_ =	shalt  }
0x5d: {  	_ =	shalt  }
0x5e: {  	_ =	shalt  }
0x5f: {  	_ =	shalt  }
0x60: {  	_ =	shalt  }
0x61: {  	_ =	shalt  }
0x62: {  	_ =	shalt  }
0x63: {  	_ =	shalt  }
0x64: {  	_ =	shalt  }
0x65: {  	_ =	shalt  }
0x66: {  	_ =	shalt  }
0x67: {  	_ =	shalt  }
0x68: {  	_ =	shalt  }
0x69: {  	_ =	shalt  }
0x6a: {  	_ =	shalt  }
0x6b: {  	_ =	shalt  }
0x6c: {  	_ =	shalt  }
0x6d: {  	_ =	shalt  }
0x6e: {  	_ =	shalt  }
0x6f: {  	_ =	shalt  }
0x70: {  	_ =	shalt  }
0x71: {  	_ =	shalt  }
0x72: {  	_ =	shalt  }
0x73: {  	_ =	shalt  }
0x74: {  	_ =	shalt  }
0x75: {  	_ =	shalt  }
0x76: {  	_ =	shalt  }
0x77: {  	_ =	shalt  }
0x78: {  	_ =	shalt  }
0x79: {  	_ =	shalt  }
0x7a: {  	_ =	shalt  }
0x7b: {  	_ =	shalt  }
0x7c: {  	_ =	shalt  }
0x7d: {  	_ =	shalt  }
0x7e: {  	_ =	shalt  }
0x7f: {  	_ =	shalt  }
0x80: {  	_ =	shalt  }
0x81: {  	_ =	shalt  }
0x82: {  	_ =	shalt  }
0x83: {  	_ =	shalt  }
0x84: {  	_ =	shalt  }
0x85: {  	_ =	shalt  }
0x86: {  	_ =	shalt  }
0x87: {  	_ =	shalt  }
.Lfunc_end0:
.L_simem_size_0:
called_computation_lowered:
.L_overlay_start_0:
0x88: {  	s2 =	sld [smem:$0x3FD9]  }
0x89: {  	s3 =	sld [smem:$0x3FFE];
	_ =	sdelay $0x1  }
0x8a: {  	s1 =	srdreg.scid  }
0x8b: {  	s0 =	sand.u32 $0x1, s1  }
0x8c: {  	s17 =	sshll.u32 s0, $0xA;
	s2 =	sadd.s32 s3, s2  }
0x8d: {  	s2 =	sadd.s32 s2, s17  }
0x8e: {  	[smem:$0x3FC6] =	sst s2  }
0x8f: {  	_ = 	snop  }
0x90: {  	s2 =	sld [smem:$0x3FC8]  }
0x91: {  	s18 =	sld [smem:$0x3FD0];
	(tm) =	ssettm $0x1  }
0x92: {  	s4 =	sld [smem:$0x3FFB];
	_ =	sdelay $0x3  }
0x93: {  	_ =	strace s4  }
0x94: {  	s4 =	sld [smem:$0x3FFC];
	_ =	sdelay $0x3  }
0x95: {  	_ =	strace s4  }
0x96: {  	s4 =	sld [smem:$0x3FFD];
	_ =	sdelay $0x3  }
0x97: {  	_ =	strace s4  }
0x98: {  	_ =	strace $0x8FFFFFFF  }
0x99: {  	s19 =	sld [smem:$0x3FDB];
	_ =	sdelay $0x1  }
0x9a: {  	s5 =	simm.s32 $_scs_section_size  }
0x9b: {  	s6 =	simm.s32 $_size__tile_overlayer_lowered;
	s7 =	simm.s32 $_tile_overlayer_lowered  }
0x9c: {  	s22 =	simm.s32 $0x1BFF;
	s21 =	sshll.u32 s7, $0x1;
	s4 =	sadd.s32 s5, s19  }
0x9d: {  	s8 =	simm.s32 $0x0;
	s20 =	sshll.u32 s6, $0x1;
	s6 =	sadd.s32 s21, s4  }
0x9e: {  	[timem:s8], [sflag:s22] =	dma.local [hbm:s6], s20  }
0x9f: {  	_ =	swait.ge [sflag:s22], s20  }
0xa0: {  	s5 =	ssub.s32 $0x0, s20;
	[sflag:s22] =	ssyncset.done $0x0  }
0xa1: {  	[sflag:s22] =	ssyncadd.s32 s5;
	_ =	sdelay $0x1  }
0xa2: {  	s23 =	simm.s32 $0x1B8B  }
0xa3: {  	_ =	swait.ge [sflag:s23], $0x1  }
0xa4: {  	[sflag:s23] =	ssyncset.done $0x0  }
0xa5: {  	s25 =	simm.s32 $0x1B8E;
	s24 =	sld [smem:$0x3FFE];
	[sflag:s23] =	ssyncadd.s32 $0xFFFFFFFF  }
0xa6: {  	s26 =	simm.s32 $execute0_lowered;
	[smem:$0x3FD2] =	sst s25  }
0xa7: {  	s6 =	sshll.u32 s26, $0x1;
	_ =	strace $0x80000046;
	[dreg:$0x1] =	wrdreg $0xFFFFFFFF  }
0xa8: {  	s28 =	simm.s32 $_size_execute0_lowered;
	s4 =	sadd.s32 s4, s6;
	[dreg:$0x0] =	wrdreg $0x0  }
0xa9: {  	s6 =	sshll.u32 s28, $0x1;
	[dreg:$0x2] =	wrdreg s4  }
0xaa: {  	[dreg:$0x3] =	wrdreg s6  }
0xab: {  	[dreg:$0x4] =	wrdreg $0xC0  }
0xac: {  	_ =	task [dreg:s8], $0x5FFFF  }
0xad: {  	[dreg:$0x1] =	wrdreg $0xFFFFFFFF  }
0xae: {  	[dreg:$0x0] =	wrdreg $0x60  }
0xaf: {  	[dreg:$0x2] =	wrdreg s2  }
0xb0: {  	[dreg:$0x3] =	wrdreg s18  }
0xb1: {  	[dreg:$0x4] =	wrdreg s24  }
0xb2: {  	[dreg:$0x5] =	wrdreg $0x9  }
0xb3: {  	_ =	task.clear_ibuf [dreg:s8], $0x6FFFF;
	_ =	strace $0x90000046  }
0xb4: {  	s29 =	simm.s32 $0x9;
	_ =	strace $0x80000048  }
0xb5: {  	_ =	swait.ge [sflag:s29], $0x1  }
0xb6: {  	[sflag:s29] =	ssyncadd.s32 $0xFFFFFFFF  }
0xb7: {  	_ =	strace $0x90000048  }
0xb8: {  	_ =	sfence  }
0xb9: {  	s30 =	sld [smem:$0x0];
	_ =	sdelay $0x2  }
0xba: {  	s31 =	sshll.u32 s1, $0xD;
	s1 =	sshrl.u32 s1, $0x2  }
0xbb: {  	s3 =	sand.u32 $0x4000, s31;
	s1 =	sadd.s32 s1, s30  }
0xbc: {  	s0 =	sor.u32 s3, s0;
	s1 =	sshll.u32 s1, $0x11  }
0xbd: {  	s0 =	sor.u32 s1, s0  }
0xbe: {  	s0 =	sadd.s32 $0x8F2B, s0  }
0xbf: {  	[sflag:s0] =	ssyncadd.remote.s32 $0x1  }
0xc0: {  	_ =	sfence.sel $0xFFFF  }
0xc1: {  	[dreg:$0x0] =	wrdreg $0xFFFFFFFF;
	(pc) =	sbr.abs _section_cstart, $3  }
0xc2: {  	[dreg:$0x1] =	wrdreg $0xFFFFFFFF  }
0xc3: {  	_ =	task.clear_ibuf [dreg:s8], $0x2FFFF;
	_ =	strace $0x9FFFFFFF  }
0xc4: {  	(tm) =	ssettm $0x7FFFFFFF  }
0xc5: {  	_ =	shalt  }
tec
execute0_lowered:
.L_overlay_start_1:
0x0: {  	(tag) =	ssettag $0x1  }
0x1: {  	s1 =	rddreg [dreg:$0x0]  }
0x2: {  	s4 =	rddreg [dreg:$0x1];
	s2 =	srdreg.scid  }
0x3: {  	s0 =	stileid.u32;
	s5 =	rddreg [dreg:$0x2];
	s3 =	simm.s32 $0x0  }
0x4: {  	s12 =	simm.s32 $0x3;
	s13 =	simm.s32 $0xC000;
	s14 =	simm.s32 $0x1  }
0x5: {  	s15 =	simm.s32 $0x18400;
	s6 =	sand.u32 $0x1, s2;
	s7 =	sshll.u32 s0, $0x1  }
0x6: {  	s16 =	simm.s32 $0x2;
	s17 =	simm.s32 $0x0;
	s7 =	sor.u32 s6, s7  }
0x7: {  	[smem:$0x7FF] =	sst s3;
	s26 =	sshll.u32 s0, $0x6;
	s8 =	smul.u32 $0x30, s7  }
0x8: {  	vm0 =	vcmask $0x300;
	_ =	strace $0x80000047;
	s25 =	ssub.s32 $0x2, s6;
	s9 =	smul.u32 $0x60000, s7  }
.Ltmp0:
0x9: {  	vm1 =	vcmask $0x704;
	vm2 =	vcmask $0xB08;
	vm3 =	vcmask $0xF0C;
	s6 =	sand.u32 $0x380, s26;
	s28 =	sshrl.u32 s25, $0x1;
	(pc) =	sbr.rel .LBB2_1-.Ltmp0, $4  }
0xa: {  	vm4 =	vcmask $0x1310;
	vm5 =	vcmask $0x1714;
	vm6 =	vcmask $0x1B18;
	s30 =	sadd.s32 s4, s6;
	s11 =	ssub.s32 s25, s28;
	s29 =	sshrl.u32 s9, $0x3  }
0xb: {  	vm7 =	vcmask $0x1F1C;
	vm8 =	vcmask $0x2320;
	vm9 =	vcmask $0x2724;
	[dreg:$0x4] =	wrdreg s30;
	s10 =	sadd.s32 s8, s5;
	s5 =	sadd.s32 s1, s29  }
0xc: {  	vm10 =	vcmask $0x2B28;
	vm11 =	vcmask $0x2F2C;
	vm12 =	vcmask $0x3330;
	s7 =	sor.u32 $0x18000, s9;
	s8 =	sadd.s32 $0x24000, s9;
	s31 =	sadd.s32 $0x1800, s5  }
0xd: {  	vm13 =	vcmask $0x3734;
	vm14 =	vcmask $0x3B38;
	v0 =	vlaneseq.u32;
	s9 =	sadd.s32 $0x600, s10;
	s10 =	smax.u32 s11, $0x1;
	[dreg:$0x5] =	wrdreg s31  }
.LBB2_16:
0xe: {  	s17 =	sadd.s32 $0x1, s17  }
0xf: {  	p0 =	sne.s32 s17, s10  }
.Ltmp1:
0x10: {  	_ = 	snop;
	(pc) =	sbr.rel @!p0 .LBB2_17-.Ltmp1, $4  }
0x11: {  	[hbm4b:s9+s3] =	stream.linear.scatter [tilespmem:s15], [sflag:$0x3], $0x180, $0x38;
	[tilespmem:$0x18580] =	vst v63  }
0x12: {  	_ =	swait.ge [sflag:s12], $0x180  }
0x13: {  	[sflag:s12] =	ssyncset.done $0x0  }
0x14: {  	[sflag:s12] =	ssyncadd.s32 $0xFFFFFE80  }
.LBB2_1:
0x15: {  	s0 =	rddreg [dreg:$0x4];
	s2 =	simm.s32 $0x18000  }
0x16: {  	[tilespmem:s2], [sflag:$0x3] =	stream.linear.gather [hbm4b:s0+s3], $0x400, $0x38;
	[tilespmem:$0x18580] =	vst v63  }
0x17: {  	_ =	swait.ge [sflag:s12], $0x400  }
0x18: {  	[sflag:s12] =	ssyncset.done $0x0  }
0x19: {  	[sflag:s12] =	ssyncadd.s32 $0xFFFFFC00  }
0x1a: {  	[tilespmem:s3], [sflag:$0x1] =	stream.linear.gather [hbm4b:s5+s3], $0xC000, $0x38;
	[tilespmem:$0x18580] =	vst v63  }
0x1b: {  	s18 =	simm.s32 $0x0;
	s31 =	rddreg [dreg:$0x5]  }
0x1c: {  	[tilespmem:s13], [sflag:$0x2] =	stream.linear.gather [hbm4b:s31+s3], $0xC000, $0x38;
	[tilespmem:$0x18580] =	vst v63  }
.LBB2_2:
0x1d: {  	_ =	swait.ge [sflag:s14], $0xC000  }
0x1e: {  	s19 =	simm.s32 $0x0;
	s20 =	simm.s32 $0x18000;
	[sflag:s14] =	ssyncset.done $0x0  }
0x1f: {  	s21 =	sand.u32 $0x1C00, s19;
	s19 =	sand.u32 $0x70, s19;
	[sflag:s14] =	ssyncadd.s32 $0xFFFF4000  }
0x20: {  	s22 =	sor.u32 s19, s21;
	v2 =	vld [tilespmem:s20+$0x0]  }
0x21: {  	v1 =	vld [tilespmem:s22+$0x2380]  }
0x22: {  	v3 =	vld [tilespmem:s22+$0x0]  }
0x23: {  	v4 =	vld [tilespmem:s22+$0x80]  }
0x24: {  	v5 =	vld [tilespmem:s22+$0x100]  }
0x25: {  	v16 =	vld [tilespmem:s22+$0x2000]  }
0x26: {  	v17 =	vld [tilespmem:s22+$0x2080]  }
0x27: {  	v6 =	vld [tilespmem:s22+$0x180]  }
0x28: {  	v7 =	vld [tilespmem:s22+$0x200]  }
0x29: {  	v10 =	vld [tilespmem:s22+$0x300];
	v1 =	vmul.f32 v1, v2  }
0x2a: {  	v8 =	vld [tilespmem:s22+$0x280];
	v3 =	vmul.f32 v3, v2;
	v4 =	vmul.f32 v4, v2  }
0x2b: {  	v9 =	vimm.f32 $0.0e+00;
	v11 =	vld [tilespmem:s22+$0x380];
	v24 =	vmul.f32 v16, v2;
	v23 =	vmul.f32 v17, v2  }
0x2c: {  	v17 =	vimm.f32 $0.0e+00;
	v16 =	vimm.f32 $0.0e+00;
	v15 =	vadd.f32 v3, v9  }
0x2d: {  	v3 =	vmul.f32 v5, v2;
	v13 =	vadd.f32 v4, v9;
	v4 =	vmul.f32 v6, v2  }
0x2e: {  	v22 =	vld [tilespmem:s22+$0x2100];
	v1 =	vadd.f32 v1, v9;
	v5 =	vmul.f32 v7, v2;
	v6 =	vmul.f32 v10, v2  }
0x2f: {  	v21 =	vld [tilespmem:s22+$0x2180];
	v7 =	vimm.f32 $0.0e+00;
	v14 =	vadd.f32 v3, v9;
	v3 =	vmul.f32 v8, v2  }
0x30: {  	s31 =	simm.s32 $0x80;
	v19 =	vld [tilespmem:s22+$0x2200];
	v12 =	vadd.f32 v4, v9;
	v10 =	vadd.f32 v5, v9;
	v4 =	vmul.f32 v11, v2  }
0x31: {  	s23 =	sand.u32 $0x1C00, s31;
	v18 =	vld [tilespmem:s22+$0x2280];
	s20 =	simm.s32 $0x10;
	v6 =	vadd.f32 v6, v9;
	v11 =	vimm.f32 $0.0e+00;
	v8 =	vadd.f32 v3, v9  }
0x32: {  	s19 =	simm.s32 $0x18010;
	s21 =	simm.s32 $0x100;
	v20 =	vld [tilespmem:s22+$0x2300];
	s24 =	sand.u32 $0x70, s20;
	v5 =	vadd.f32 v4, v9;
	v4 =	vimm.f32 $0.0e+00;
	v3 =	vimm.f32 $0.0e+00  }
.LBB2_3:
0x33: {  	p0 =	sne.s32 s21, $0x1F80;
	v25 =	vld [tilespmem:s19+$0x0];
	s22 =	sor.u32 s24, s23;
	v9 =	vadd.f32 v24, v9;
	v22 =	vmul.f32 v22, v2  }
0x34: {  	v24 =	vld [tilespmem:s22+$0x2380];
	v17 =	vadd.f32 v23, v17;
	v21 =	vmul.f32 v21, v2  }
0x35: {  	v23 =	vld [tilespmem:s22+$0x0];
	v16 =	vadd.f32 v22, v16;
	v19 =	vmul.f32 v19, v2  }
0x36: {  	v22 =	vld [tilespmem:s22+$0x80];
	v11 =	vadd.f32 v21, v11;
	v18 =	vmul.f32 v18, v2  }
0x37: {  	v21 =	vld [tilespmem:s22+$0x100];
	v7 =	vadd.f32 v19, v7;
	v19 =	vmul.f32 v20, v2  }
0x38: {  	v20 =	vld [tilespmem:s22+$0x180];
	v4 =	vadd.f32 v18, v4;
	v2 =	vmov v25  }
0x39: {  	v18 =	vld [tilespmem:s22+$0x200];
	v24 =	vmul.f32 v24, v2;
	v3 =	vadd.f32 v19, v3  }
0x3a: {  	v19 =	vmul.f32 v23, v2;
	v23 =	vld [tilespmem:s22+$0x280]  }
0x3b: {  	v22 =	vmul.f32 v22, v2;
	v25 =	vld [tilespmem:s22+$0x300];
	v1 =	vadd.f32 v24, v1  }
0x3c: {  	v15 =	vadd.f32 v19, v15;
	v19 =	vmul.f32 v21, v2;
	v24 =	vld [tilespmem:s22+$0x380]  }
0x3d: {  	v13 =	vadd.f32 v22, v13;
	v20 =	vmul.f32 v20, v2;
	v26 =	vld [tilespmem:s22+$0x2000]  }
0x3e: {  	v14 =	vadd.f32 v19, v14;
	v18 =	vmul.f32 v18, v2;
	v27 =	vld [tilespmem:s22+$0x2080]  }
.Ltmp2:
0x3f: {  	v12 =	vadd.f32 v20, v12;
	v19 =	vmul.f32 v23, v2;
	v22 =	vld [tilespmem:s22+$0x2100];
	(pc) =	sbr.rel @p0 .LBB2_3-.Ltmp2, $4  }
0x40: {  	v10 =	vadd.f32 v18, v10;
	v18 =	vmul.f32 v25, v2;
	v21 =	vld [tilespmem:s22+$0x2180]  }
0x41: {  	v8 =	vadd.f32 v19, v8;
	v20 =	vmul.f32 v24, v2;
	v19 =	vld [tilespmem:s22+$0x2200]  }
0x42: {  	s20 =	sadd.s32 $0x10, s20;
	s19 =	sadd.s32 $0x10, s19;
	v6 =	vadd.f32 v18, v6;
	v24 =	vmul.f32 v26, v2;
	v18 =	vld [tilespmem:s22+$0x2280]  }
0x43: {  	s23 =	sand.u32 $0x1C00, s21;
	s21 =	sadd.s32 $0x80, s21;
	s24 =	sand.u32 $0x70, s20;
	v5 =	vadd.f32 v20, v5;
	v23 =	vmul.f32 v27, v2;
	v20 =	vld [tilespmem:s22+$0x2300]  }
0x44: {  	v25 =	vld [tilespmem:s19+$0x0];
	s22 =	sor.u32 s24, s23  }
0x45: {  	v26 =	vld [tilespmem:s22+$0x0]  }
0x46: {  	v27 =	vld [tilespmem:s22+$0x80]  }
0x47: {  	v28 =	vld [tilespmem:s22+$0x100]  }
0x48: {  	v29 =	vld [tilespmem:s22+$0x180]  }
0x49: {  	v30 =	vld [tilespmem:s22+$0x200]  }
0x4a: {  	v31 =	vld [tilespmem:s22+$0x280];
	v26 =	vmul.f32 v26, v25  }
0x4b: {  	v32 =	vld [tilespmem:s22+$0x300];
	v27 =	vmul.f32 v27, v25  }
0x4c: {  	v9 =	vadd.f32 v24, v9;
	v63 =	vld [tilespmem:s22+$0x380];
	v15 =	vadd.f32 v26, v15;
	v26 =	vmul.f32 v28, v25  }
0x4d: {  	v22 =	vmul.f32 v22, v2;
	v24 =	vmul.f32 v29, v25;
	v13 =	vadd.f32 v27, v13;
	v27 =	vld [tilespmem:s22+$0x2000]  }
0x4e: {  	v17 =	vadd.f32 v23, v17;
	v21 =	vmul.f32 v21, v2;
	v14 =	vadd.f32 v26, v14;
	(xrf2) =	vadd.scan.msk.f32 $0xffff, v15;
	v15 =	vld [tilespmem:s22+$0x2080]  }
0x4f: {  	v23 =	vmul.f32 v31, v25;
	v12 =	vadd.f32 v24, v12;
	v26 =	vmul.f32 v30, v25;
	(xrf2) =	vadd.scan.msk.f32 $0xffff, v13;
	v13 =	vld [tilespmem:s22+$0x2100]  }
0x50: {  	v16 =	vadd.f32 v22, v16;
	v19 =	vmul.f32 v19, v2;
	v22 =	vmul.f32 v32, v25;
	(xrf2) =	vadd.scan.msk.f32 $0xffff, v14;
	v14 =	vld [tilespmem:s22+$0x2180]  }
0x51: {  	v18 =	vmul.f32 v18, v2;
	v8 =	vadd.f32 v23, v8;
	v10 =	vadd.f32 v26, v10;
	(xrf2) =	vadd.scan.msk.f32 $0xffff, v12;
	v12 =	vld [tilespmem:s22+$0x2200]  }
0x52: {  	v23 =	vmul.f32 v63, v25;
	v6 =	vadd.f32 v22, v6;
	v24 =	vld [tilespmem:s22+$0x2280];
	v22 =	vmul.f32 v27, v25  }
0x53: {  	v2 =	vmul.f32 v20, v2;
	(xrf2) =	vadd.scan.msk.f32 $0xffff, v10;
	v10 =	vadd.f32 v21, v11;
	v11 =	vmul.f32 v15, v25;
	v15 =	vld [tilespmem:s22+$0x2300]  }
0x54: {  	v5 =	vadd.f32 v23, v5;
	(xrf2) =	vadd.scan.msk.f32 $0xffff, v8;
	v9 =	vadd.f32 v22, v9;
	v13 =	vmul.f32 v13, v25  }
0x55: {  	v8 =	vld [tilespmem:s22+$0x2380];
	(xrf2) =	vadd.scan.msk.f32 $0xffff, v6;
	v6 =	vadd.f32 v19, v7;
	v7 =	vadd.f32 v11, v17;
	v11 =	vmul.f32 v14, v25  }
0x56: {  	v4 =	vadd.f32 v18, v4;
	v2 =	vadd.f32 v2, v3;
	(xrf2) =	vadd.scan.msk.f32 $0xffff, v5;
	v12 =	vmul.f32 v12, v25  }
0x57: {  	v5 =	vadd.f32 v13, v16;
	(xrf2) =	vadd.scan.msk.f32 $0xffff, v9;
	v9 =	vadd.f32 v11, v10  }
0x58: {  	v10 =	vmul.f32 v24, v25;
	v3 =	vadd.f32 v12, v6;
	v6 =	vmul.f32 v15, v25  }
0x59: {  	(xrf2) =	vadd.scan.msk.f32 $0xffff, v7  }
0x5a: {  	v7, _, _ =	vpop (xrf2);
	(xrf2) =	vadd.scan.msk.f32 $0xffff, v5;
	v5 =	vmul.f32 v8, v25;
	v4 =	vadd.f32 v10, v4  }
0x5b: {  	(v2sf) =	vpush v7, $0xF;
	v7, _, _ =	vpop (xrf2);
	(xrf2) =	vadd.scan.msk.f32 $0xffff, v9;
	v2 =	vadd.f32 v6, v2  }
0x5c: {  	(v2sf) =	vpush v7, $0xF;
	v1 =	vadd.f32 v5, v1;
	v6, _, _ =	vpop (xrf2);
	(xrf2) =	vadd.scan.msk.f32 $0xffff, v3  }
0x5d: {  	(v2sf) =	vpush v6, $0xF;
	v3, _, _ =	vpop (xrf2);
	(xrf2) =	vadd.scan.msk.f32 $0xffff, v4  }
0x5e: {  	(v2sf) =	vpush v3, $0xF;
	v3, _, _ =	vpop (xrf2);
	(xrf2) =	vadd.scan.msk.f32 $0xffff, v2  }
0x5f: {  	(v2sf) =	vpush v3, $0xF;
	v2, _, _ =	vpop (xrf2);
	(xrf2) =	vadd.scan.msk.f32 $0xffff, v1  }
0x60: {  	v1, _, _ =	vpop (xrf2);
	(v2sf) =	vpush v2, $0xF  }
0x61: {  	v2, _, _ =	vpop (xrf2);
	(v2sf) =	vpush v1, $0xF  }
0x62: {  	v1, _, _ =	vpop (xrf2);
	(v2sf) =	vpush v2, $0xF  }
0x63: {  	v2, _, _ =	vpop (xrf2);
	(v2sf) =	vpush v1, $0xF  }
0x64: {  	v1, _, _ =	vpop (xrf2);
	(v2sf) =	vpush v2, $0xF  }
0x65: {  	v2, _, _ =	vpop (xrf2);
	(v2sf) =	vpush v1, $0xF  }
0x66: {  	v1, _, _ =	vpop (xrf2);
	(v2sf) =	vpush v2, $0xF  }
0x67: {  	v2, _, _ =	vpop (xrf2);
	(v2sf) =	vpush v1, $0xF  }
0x68: {  	v1, _, _ =	vpop (xrf2);
	(v2sf) =	vpush v2, $0xF  }
0x69: {  	(v2sf) =	vpush v1, $0xF;
	v1, _, _ =	vpop (xrf2)  }
0x6a: {  	s23 =	spop (v2sf);
	(v2sf) =	vpush v1, $0xF  }
0x6b: {  	s20 =	spop (v2sf)  }
0x6c: {  	s21 =	spop (v2sf)  }
0x6d: {  	s22 =	spop (v2sf)  }
0x6e: {  	s24 =	spop (v2sf)  }
0x6f: {  	s6 =	spop (v2sf)  }
0x70: {  	s25 =	spop (v2sf)  }
0x71: {  	s26 =	spop (v2sf)  }
0x72: {  	s28 =	spop (v2sf)  }
0x73: {  	s29 =	spop (v2sf)  }
0x74: {  	s30 =	spop (v2sf)  }
0x75: {  	s31 =	spop (v2sf)  }
0x76: {  	s2 =	spop (v2sf)  }
0x77: {  	s0 =	spop (v2sf)  }
0x78: {  	s11 =	spop (v2sf)  }
0x79: {  	s19 =	smul.f32 s23, s23;
	s4 =	spop (v2sf)  }
0x7a: {  	s4 =	smul.f32 s4, s4  }
0x7b: {  	s20 =	smul.f32 s20, s20  }
0x7c: {  	s21 =	smul.f32 s21, s21;
	v1 =	vmov s4  }
0x7d: {  	s22 =	smul.f32 s22, s22;
	v1 =	vsel vm0, s19, v1  }
0x7e: {  	s23 =	smul.f32 s24, s24;
	v1 =	vsel vm1, s20, v1  }
0x7f: {  	s24 =	smul.f32 s6, s6;
	v1 =	vsel vm2, s21, v1  }
0x80: {  	s25 =	smul.f32 s25, s25;
	v1 =	vsel vm3, s22, v1  }
0x81: {  	s6 =	smul.f32 s26, s26;
	v1 =	vsel vm4, s23, v1  }
0x82: {  	s19 =	smul.u32 $0x60, s18;
	v1 =	vsel vm5, s24, v1  }
0x83: {  	s22 =	smul.f32 s28, s28;
	v1 =	vsel vm6, s25, v1  }
0x84: {  	s23 =	smul.f32 s29, s29;
	v1 =	vsel vm7, s6, v1  }
0x85: {  	s24 =	smul.f32 s30, s30;
	v1 =	vsel vm8, s22, v1  }
0x86: {  	s25 =	smul.f32 s31, s31;
	v1 =	vsel vm9, s23, v1  }
0x87: {  	s2 =	smul.f32 s2, s2;
	v2 =	vor.u32 s19, v0;
	v1 =	vsel vm10, s24, v1  }
0x88: {  	s0 =	smul.f32 s0, s0;
	v1 =	vsel vm11, s25, v1  }
0x89: {  	s26 =	smul.f32 s11, s11;
	v1 =	vsel vm12, s2, v1  }
0x8a: {  	v1 =	vsel vm13, s0, v1  }
0x8b: {  	s28 =	simm.s32 $0x0;
	v1 =	vsel vm14, s26, v1  }
0x8c: {  	s29 =	simm.s32 $0x18000;
	s30 =	sand.u32 $0x1C00, s28;
	s0 =	sand.u32 $0x70, s28;
	[tilespmem:v2+s15+$0x0] =	vst.idx.msk $0xffff, v1  }
0x8d: {  	s0 =	sor.u32 s0, s30;
	v2 =	vld [tilespmem:s29+$0x0]  }
0x8e: {  	v1 =	vld [tilespmem:s0+$0x6380]  }
0x8f: {  	v3 =	vld [tilespmem:s0+$0x4000]  }
0x90: {  	v4 =	vld [tilespmem:s0+$0x4080]  }
0x91: {  	v5 =	vld [tilespmem:s0+$0x4100]  }
0x92: {  	v16 =	vld [tilespmem:s0+$0x6000]  }
0x93: {  	v17 =	vld [tilespmem:s0+$0x6080]  }
0x94: {  	v6 =	vld [tilespmem:s0+$0x4180]  }
0x95: {  	v7 =	vld [tilespmem:s0+$0x4200]  }
0x96: {  	v10 =	vld [tilespmem:s0+$0x4300];
	v1 =	vmul.f32 v1, v2  }
0x97: {  	v8 =	vld [tilespmem:s0+$0x4280];
	v3 =	vmul.f32 v3, v2;
	v4 =	vmul.f32 v4, v2  }
0x98: {  	v9 =	vimm.f32 $0.0e+00;
	v11 =	vld [tilespmem:s0+$0x4380];
	v24 =	vmul.f32 v16, v2;
	v23 =	vmul.f32 v17, v2  }
0x99: {  	v17 =	vimm.f32 $0.0e+00;
	v16 =	vimm.f32 $0.0e+00;
	v15 =	vadd.f32 v3, v9  }
0x9a: {  	v3 =	vmul.f32 v5, v2;
	v13 =	vadd.f32 v4, v9;
	v4 =	vmul.f32 v6, v2  }
0x9b: {  	v22 =	vld [tilespmem:s0+$0x6100];
	v1 =	vadd.f32 v1, v9;
	v5 =	vmul.f32 v7, v2;
	v6 =	vmul.f32 v10, v2  }
0x9c: {  	v21 =	vld [tilespmem:s0+$0x6180];
	v7 =	vimm.f32 $0.0e+00;
	v14 =	vadd.f32 v3, v9;
	v3 =	vmul.f32 v8, v2  }
0x9d: {  	v19 =	vld [tilespmem:s0+$0x6200];
	v12 =	vadd.f32 v4, v9;
	v10 =	vadd.f32 v5, v9;
	v4 =	vmul.f32 v11, v2  }
0x9e: {  	s20 =	simm.s32 $0x18010;
	s21 =	simm.s32 $0x10;
	s31 =	simm.s32 $0x80;
	v18 =	vld [tilespmem:s0+$0x6280];
	v6 =	vadd.f32 v6, v9;
	v11 =	vimm.f32 $0.0e+00;
	v8 =	vadd.f32 v3, v9  }
0x9f: {  	s22 =	simm.s32 $0x100;
	s24 =	sand.u32 $0x1C00, s31;
	s25 =	sand.u32 $0x70, s21;
	v20 =	vld [tilespmem:s0+$0x6300];
	v5 =	vadd.f32 v4, v9;
	v4 =	vimm.f32 $0.0e+00;
	v3 =	vimm.f32 $0.0e+00  }
.LBB2_5:
0xa0: {  	p0 =	sne.s32 s22, $0x1F80;
	v25 =	vld [tilespmem:s20+$0x0];
	s23 =	sor.u32 s25, s24;
	v9 =	vadd.f32 v24, v9;
	v22 =	vmul.f32 v22, v2  }
0xa1: {  	v24 =	vld [tilespmem:s23+$0x6380];
	v17 =	vadd.f32 v23, v17;
	v21 =	vmul.f32 v21, v2  }
0xa2: {  	v23 =	vld [tilespmem:s23+$0x4000];
	v16 =	vadd.f32 v22, v16;
	v19 =	vmul.f32 v19, v2  }
0xa3: {  	v22 =	vld [tilespmem:s23+$0x4080];
	v11 =	vadd.f32 v21, v11;
	v18 =	vmul.f32 v18, v2  }
0xa4: {  	v21 =	vld [tilespmem:s23+$0x4100];
	v7 =	vadd.f32 v19, v7;
	v19 =	vmul.f32 v20, v2  }
0xa5: {  	v20 =	vld [tilespmem:s23+$0x4180];
	v4 =	vadd.f32 v18, v4;
	v2 =	vmov v25  }
0xa6: {  	v18 =	vld [tilespmem:s23+$0x4200];
	v24 =	vmul.f32 v24, v2;
	v3 =	vadd.f32 v19, v3  }
0xa7: {  	v19 =	vmul.f32 v23, v2;
	v23 =	vld [tilespmem:s23+$0x4280]  }
0xa8: {  	v22 =	vmul.f32 v22, v2;
	v25 =	vld [tilespmem:s23+$0x4300];
	v1 =	vadd.f32 v24, v1  }
0xa9: {  	v15 =	vadd.f32 v19, v15;
	v19 =	vmul.f32 v21, v2;
	v24 =	vld [tilespmem:s23+$0x4380]  }
0xaa: {  	v13 =	vadd.f32 v22, v13;
	v20 =	vmul.f32 v20, v2;
	v26 =	vld [tilespmem:s23+$0x6000]  }
0xab: {  	v14 =	vadd.f32 v19, v14;
	v18 =	vmul.f32 v18, v2;
	v27 =	vld [tilespmem:s23+$0x6080]  }
.Ltmp3:
0xac: {  	v12 =	vadd.f32 v20, v12;
	v19 =	vmul.f32 v23, v2;
	v22 =	vld [tilespmem:s23+$0x6100];
	(pc) =	sbr.rel @p0 .LBB2_5-.Ltmp3, $4  }
0xad: {  	v10 =	vadd.f32 v18, v10;
	v18 =	vmul.f32 v25, v2;
	v21 =	vld [tilespmem:s23+$0x6180]  }
0xae: {  	v8 =	vadd.f32 v19, v8;
	v20 =	vmul.f32 v24, v2;
	v19 =	vld [tilespmem:s23+$0x6200]  }
0xaf: {  	s21 =	sadd.s32 $0x10, s21;
	s20 =	sadd.s32 $0x10, s20;
	v6 =	vadd.f32 v18, v6;
	v24 =	vmul.f32 v26, v2;
	v18 =	vld [tilespmem:s23+$0x6280]  }
0xb0: {  	s24 =	sand.u32 $0x1C00, s22;
	s22 =	sadd.s32 $0x80, s22;
	s25 =	sand.u32 $0x70, s21;
	v5 =	vadd.f32 v20, v5;
	v23 =	vmul.f32 v27, v2;
	v20 =	vld [tilespmem:s23+$0x6300]  }
0xb1: {  	v25 =	vld [tilespmem:s20+$0x0];
	s0 =	sor.u32 s25, s24  }
0xb2: {  	v26 =	vld [tilespmem:s0+$0x4000]  }
0xb3: {  	v27 =	vld [tilespmem:s0+$0x4080]  }
0xb4: {  	v28 =	vld [tilespmem:s0+$0x4100]  }
0xb5: {  	v29 =	vld [tilespmem:s0+$0x4180]  }
0xb6: {  	v30 =	vld [tilespmem:s0+$0x4200]  }
0xb7: {  	v31 =	vld [tilespmem:s0+$0x4280];
	v26 =	vmul.f32 v26, v25  }
0xb8: {  	v32 =	vld [tilespmem:s0+$0x4300];
	v27 =	vmul.f32 v27, v25  }
0xb9: {  	v9 =	vadd.f32 v24, v9;
	v63 =	vld [tilespmem:s0+$0x4380];
	v15 =	vadd.f32 v26, v15;
	v26 =	vmul.f32 v28, v25  }
0xba: {  	v22 =	vmul.f32 v22, v2;
	v24 =	vmul.f32 v29, v25;
	v13 =	vadd.f32 v27, v13;
	v27 =	vld [tilespmem:s0+$0x6000]  }
0xbb: {  	v17 =	vadd.f32 v23, v17;
	v21 =	vmul.f32 v21, v2;
	v14 =	vadd.f32 v26, v14;
	(xrf2) =	vadd.scan.msk.f32 $0xffff, v15;
	v15 =	vld [tilespmem:s0+$0x6080]  }
0xbc: {  	v23 =	vmul.f32 v31, v25;
	v12 =	vadd.f32 v24, v12;
	v26 =	vmul.f32 v30, v25;
	(xrf2) =	vadd.scan.msk.f32 $0xffff, v13;
	v13 =	vld [tilespmem:s0+$0x6100]  }
0xbd: {  	v16 =	vadd.f32 v22, v16;
	v19 =	vmul.f32 v19, v2;
	v22 =	vmul.f32 v32, v25;
	(xrf2) =	vadd.scan.msk.f32 $0xffff, v14;
	v14 =	vld [tilespmem:s0+$0x6180]  }
0xbe: {  	v18 =	vmul.f32 v18, v2;
	v8 =	vadd.f32 v23, v8;
	v10 =	vadd.f32 v26, v10;
	(xrf2) =	vadd.scan.msk.f32 $0xffff, v12;
	v12 =	vld [tilespmem:s0+$0x6200]  }
0xbf: {  	v23 =	vmul.f32 v63, v25;
	v6 =	vadd.f32 v22, v6;
	v24 =	vld [tilespmem:s0+$0x6280];
	v22 =	vmul.f32 v27, v25  }
0xc0: {  	v2 =	vmul.f32 v20, v2;
	(xrf2) =	vadd.scan.msk.f32 $0xffff, v10;
	v10 =	vadd.f32 v21, v11;
	v11 =	vmul.f32 v15, v25;
	v15 =	vld [tilespmem:s0+$0x6300]  }
0xc1: {  	v5 =	vadd.f32 v23, v5;
	(xrf2) =	vadd.scan.msk.f32 $0xffff, v8;
	v9 =	vadd.f32 v22, v9;
	v13 =	vmul.f32 v13, v25  }
0xc2: {  	v8 =	vld [tilespmem:s0+$0x6380];
	(xrf2) =	vadd.scan.msk.f32 $0xffff, v6;
	v6 =	vadd.f32 v19, v7;
	v7 =	vadd.f32 v11, v17;
	v11 =	vmul.f32 v14, v25  }
0xc3: {  	v4 =	vadd.f32 v18, v4;
	v2 =	vadd.f32 v2, v3;
	(xrf2) =	vadd.scan.msk.f32 $0xffff, v5;
	v12 =	vmul.f32 v12, v25  }
0xc4: {  	v5 =	vadd.f32 v13, v16;
	(xrf2) =	vadd.scan.msk.f32 $0xffff, v9;
	v9 =	vadd.f32 v11, v10  }
0xc5: {  	v10 =	vmul.f32 v24, v25;
	v3 =	vadd.f32 v12, v6;
	v6 =	vmul.f32 v15, v25  }
0xc6: {  	(xrf2) =	vadd.scan.msk.f32 $0xffff, v7  }
0xc7: {  	v7, _, _ =	vpop (xrf2);
	(xrf2) =	vadd.scan.msk.f32 $0xffff, v5;
	v5 =	vmul.f32 v8, v25;
	v4 =	vadd.f32 v10, v4  }
0xc8: {  	(v2sf) =	vpush v7, $0xF;
	v7, _, _ =	vpop (xrf2);
	(xrf2) =	vadd.scan.msk.f32 $0xffff, v9;
	v2 =	vadd.f32 v6, v2  }
0xc9: {  	(v2sf) =	vpush v7, $0xF;
	v1 =	vadd.f32 v5, v1;
	v6, _, _ =	vpop (xrf2);
	(xrf2) =	vadd.scan.msk.f32 $0xffff, v3  }
0xca: {  	(v2sf) =	vpush v6, $0xF;
	v3, _, _ =	vpop (xrf2);
	(xrf2) =	vadd.scan.msk.f32 $0xffff, v4  }
0xcb: {  	(v2sf) =	vpush v3, $0xF;
	v3, _, _ =	vpop (xrf2);
	(xrf2) =	vadd.scan.msk.f32 $0xffff, v2  }
0xcc: {  	(v2sf) =	vpush v3, $0xF;
	v2, _, _ =	vpop (xrf2);
	(xrf2) =	vadd.scan.msk.f32 $0xffff, v1  }
0xcd: {  	v1, _, _ =	vpop (xrf2);
	(v2sf) =	vpush v2, $0xF  }
0xce: {  	v2, _, _ =	vpop (xrf2);
	(v2sf) =	vpush v1, $0xF  }
0xcf: {  	v1, _, _ =	vpop (xrf2);
	(v2sf) =	vpush v2, $0xF  }
0xd0: {  	v2, _, _ =	vpop (xrf2);
	(v2sf) =	vpush v1, $0xF  }
0xd1: {  	v1, _, _ =	vpop (xrf2);
	(v2sf) =	vpush v2, $0xF  }
0xd2: {  	v2, _, _ =	vpop (xrf2);
	(v2sf) =	vpush v1, $0xF  }
0xd3: {  	v1, _, _ =	vpop (xrf2);
	(v2sf) =	vpush v2, $0xF  }
0xd4: {  	v2, _, _ =	vpop (xrf2);
	(v2sf) =	vpush v1, $0xF  }
0xd5: {  	v1, _, _ =	vpop (xrf2);
	(v2sf) =	vpush v2, $0xF  }
0xd6: {  	(v2sf) =	vpush v1, $0xF;
	v1, _, _ =	vpop (xrf2)  }
0xd7: {  	s0 =	spop (v2sf);
	(v2sf) =	vpush v1, $0xF  }
0xd8: {  	s2 =	spop (v2sf)  }
0xd9: {  	s4 =	spop (v2sf)  }
0xda: {  	s11 =	spop (v2sf)  }
0xdb: {  	s20 =	spop (v2sf)  }
0xdc: {  	s21 =	spop (v2sf)  }
0xdd: {  	s22 =	spop (v2sf)  }
0xde: {  	s23 =	spop (v2sf)  }
0xdf: {  	s24 =	spop (v2sf)  }
0xe0: {  	s25 =	spop (v2sf)  }
0xe1: {  	s26 =	spop (v2sf)  }
0xe2: {  	s28 =	spop (v2sf)  }
0xe3: {  	s29 =	spop (v2sf)  }
0xe4: {  	s30 =	spop (v2sf)  }
0xe5: {  	s31 =	spop (v2sf)  }
0xe6: {  	s6 =	spop (v2sf)  }
0xe7: {  	s6 =	smul.f32 s6, s6  }
0xe8: {  	s0 =	smul.f32 s0, s0  }
0xe9: {  	s2 =	smul.f32 s2, s2;
	v1 =	vmov s6  }
0xea: {  	s4 =	smul.f32 s4, s4;
	v1 =	vsel vm0, s0, v1  }
0xeb: {  	s11 =	smul.f32 s11, s11;
	v1 =	vsel vm1, s2, v1  }
0xec: {  	s20 =	smul.f32 s20, s20;
	v1 =	vsel vm2, s4, v1  }
0xed: {  	s21 =	smul.f32 s21, s21;
	v1 =	vsel vm3, s11, v1  }
0xee: {  	s22 =	smul.f32 s22, s22;
	v1 =	vsel vm4, s20, v1  }
0xef: {  	s6 =	smul.f32 s23, s23;
	v1 =	vsel vm5, s21, v1  }
0xf0: {  	s11 =	smul.f32 s24, s24;
	v1 =	vsel vm6, s22, v1  }
0xf1: {  	s20 =	smul.f32 s25, s25;
	v1 =	vsel vm7, s6, v1  }
0xf2: {  	s21 =	smul.f32 s26, s26;
	v1 =	vsel vm8, s11, v1  }
0xf3: {  	s23 =	sor.u32 $0x10, s19;
	s22 =	smul.f32 s28, s28;
	v1 =	vsel vm9, s20, v1  }
0xf4: {  	v2 =	vor.u32 s23, v0;
	s24 =	smul.f32 s29, s29;
	v1 =	vsel vm10, s21, v1  }
0xf5: {  	s25 =	smul.f32 s30, s30;
	v1 =	vsel vm11, s22, v1  }
0xf6: {  	s26 =	smul.f32 s31, s31;
	v1 =	vsel vm12, s24, v1  }
0xf7: {  	v1 =	vsel vm13, s25, v1  }
0xf8: {  	s28 =	simm.s32 $0x0;
	v1 =	vsel vm14, s26, v1  }
0xf9: {  	s29 =	simm.s32 $0x18000;
	s30 =	sand.u32 $0x1C00, s28;
	s0 =	sand.u32 $0x70, s28;
	[tilespmem:v2+s15+$0x0] =	vst.idx.msk $0xffff, v1  }
0xfa: {  	s0 =	sor.u32 s0, s30;
	v2 =	vld [tilespmem:s29+$0x0]  }
0xfb: {  	v1 =	vld [tilespmem:s0+$0xA380]  }
0xfc: {  	v3 =	vld [tilespmem:s0+$0x8000]  }
0xfd: {  	v4 =	vld [tilespmem:s0+$0x8080]  }
0xfe: {  	v5 =	vld [tilespmem:s0+$0x8100]  }
0xff: {  	v16 =	vld [tilespmem:s0+$0xA000]  }
0x100: {  	v17 =	vld [tilespmem:s0+$0xA080]  }
0x101: {  	v6 =	vld [tilespmem:s0+$0x8180]  }
0x102: {  	v7 =	vld [tilespmem:s0+$0x8200]  }
0x103: {  	v10 =	vld [tilespmem:s0+$0x8300];
	v1 =	vmul.f32 v1, v2  }
0x104: {  	v8 =	vld [tilespmem:s0+$0x8280];
	v3 =	vmul.f32 v3, v2;
	v4 =	vmul.f32 v4, v2  }
0x105: {  	v9 =	vimm.f32 $0.0e+00;
	v11 =	vld [tilespmem:s0+$0x8380];
	v24 =	vmul.f32 v16, v2;
	v23 =	vmul.f32 v17, v2  }
0x106: {  	v17 =	vimm.f32 $0.0e+00;
	v16 =	vimm.f32 $0.0e+00;
	v15 =	vadd.f32 v3, v9  }
0x107: {  	v3 =	vmul.f32 v5, v2;
	v13 =	vadd.f32 v4, v9;
	v4 =	vmul.f32 v6, v2  }
0x108: {  	v22 =	vld [tilespmem:s0+$0xA100];
	v1 =	vadd.f32 v1, v9;
	v5 =	vmul.f32 v7, v2;
	v6 =	vmul.f32 v10, v2  }
0x109: {  	v21 =	vld [tilespmem:s0+$0xA180];
	v7 =	vimm.f32 $0.0e+00;
	v14 =	vadd.f32 v3, v9;
	v3 =	vmul.f32 v8, v2  }
0x10a: {  	v19 =	vld [tilespmem:s0+$0xA200];
	v12 =	vadd.f32 v4, v9;
	v10 =	vadd.f32 v5, v9;
	v4 =	vmul.f32 v11, v2  }
0x10b: {  	s31 =	simm.s32 $0x80;
	s20 =	simm.s32 $0x18010;
	s21 =	simm.s32 $0x10;
	v18 =	vld [tilespmem:s0+$0xA280];
	v6 =	vadd.f32 v6, v9;
	v11 =	vimm.f32 $0.0e+00;
	v8 =	vadd.f32 v3, v9  }
0x10c: {  	s22 =	simm.s32 $0x100;
	s24 =	sand.u32 $0x1C00, s31;
	s25 =	sand.u32 $0x70, s21;
	v20 =	vld [tilespmem:s0+$0xA300];
	v5 =	vadd.f32 v4, v9;
	v4 =	vimm.f32 $0.0e+00;
	v3 =	vimm.f32 $0.0e+00  }
.LBB2_7:
0x10d: {  	p0 =	sne.s32 s22, $0x1F80;
	v25 =	vld [tilespmem:s20+$0x0];
	s23 =	sor.u32 s25, s24;
	v9 =	vadd.f32 v24, v9;
	v22 =	vmul.f32 v22, v2  }
0x10e: {  	v24 =	vld [tilespmem:s23+$0xA380];
	v17 =	vadd.f32 v23, v17;
	v21 =	vmul.f32 v21, v2  }
0x10f: {  	v23 =	vld [tilespmem:s23+$0x8000];
	v16 =	vadd.f32 v22, v16;
	v19 =	vmul.f32 v19, v2  }
0x110: {  	v22 =	vld [tilespmem:s23+$0x8080];
	v11 =	vadd.f32 v21, v11;
	v18 =	vmul.f32 v18, v2  }
0x111: {  	v21 =	vld [tilespmem:s23+$0x8100];
	v7 =	vadd.f32 v19, v7;
	v19 =	vmul.f32 v20, v2  }
0x112: {  	v20 =	vld [tilespmem:s23+$0x8180];
	v4 =	vadd.f32 v18, v4;
	v2 =	vmov v25  }
0x113: {  	v18 =	vld [tilespmem:s23+$0x8200];
	v24 =	vmul.f32 v24, v2;
	v3 =	vadd.f32 v19, v3  }
0x114: {  	v19 =	vmul.f32 v23, v2;
	v23 =	vld [tilespmem:s23+$0x8280]  }
0x115: {  	v22 =	vmul.f32 v22, v2;
	v25 =	vld [tilespmem:s23+$0x8300];
	v1 =	vadd.f32 v24, v1  }
0x116: {  	v15 =	vadd.f32 v19, v15;
	v19 =	vmul.f32 v21, v2;
	v24 =	vld [tilespmem:s23+$0x8380]  }
0x117: {  	v13 =	vadd.f32 v22, v13;
	v20 =	vmul.f32 v20, v2;
	v26 =	vld [tilespmem:s23+$0xA000]  }
0x118: {  	v14 =	vadd.f32 v19, v14;
	v18 =	vmul.f32 v18, v2;
	v27 =	vld [tilespmem:s23+$0xA080]  }
.Ltmp4:
0x119: {  	v12 =	vadd.f32 v20, v12;
	v19 =	vmul.f32 v23, v2;
	v22 =	vld [tilespmem:s23+$0xA100];
	(pc) =	sbr.rel @p0 .LBB2_7-.Ltmp4, $4  }
0x11a: {  	v10 =	vadd.f32 v18, v10;
	v18 =	vmul.f32 v25, v2;
	v21 =	vld [tilespmem:s23+$0xA180]  }
0x11b: {  	v8 =	vadd.f32 v19, v8;
	v20 =	vmul.f32 v24, v2;
	v19 =	vld [tilespmem:s23+$0xA200]  }
0x11c: {  	s21 =	sadd.s32 $0x10, s21;
	s20 =	sadd.s32 $0x10, s20;
	v6 =	vadd.f32 v18, v6;
	v24 =	vmul.f32 v26, v2;
	v18 =	vld [tilespmem:s23+$0xA280]  }
0x11d: {  	s24 =	sand.u32 $0x1C00, s22;
	s22 =	sadd.s32 $0x80, s22;
	s25 =	sand.u32 $0x70, s21;
	v5 =	vadd.f32 v20, v5;
	v23 =	vmul.f32 v27, v2;
	v20 =	vld [tilespmem:s23+$0xA300]  }
0x11e: {  	v25 =	vld [tilespmem:s20+$0x0];
	s0 =	sor.u32 s25, s24  }
0x11f: {  	v26 =	vld [tilespmem:s0+$0x8000]  }
0x120: {  	v27 =	vld [tilespmem:s0+$0x8080]  }
0x121: {  	v28 =	vld [tilespmem:s0+$0x8100]  }
0x122: {  	v29 =	vld [tilespmem:s0+$0x8180]  }
0x123: {  	v30 =	vld [tilespmem:s0+$0x8200]  }
0x124: {  	v31 =	vld [tilespmem:s0+$0x8280];
	v26 =	vmul.f32 v26, v25  }
0x125: {  	v32 =	vld [tilespmem:s0+$0x8300];
	v27 =	vmul.f32 v27, v25  }
0x126: {  	v9 =	vadd.f32 v24, v9;
	v63 =	vld [tilespmem:s0+$0x8380];
	v15 =	vadd.f32 v26, v15;
	v26 =	vmul.f32 v28, v25  }
0x127: {  	v22 =	vmul.f32 v22, v2;
	v24 =	vmul.f32 v29, v25;
	v13 =	vadd.f32 v27, v13;
	v27 =	vld [tilespmem:s0+$0xA000]  }
0x128: {  	v17 =	vadd.f32 v23, v17;
	v21 =	vmul.f32 v21, v2;
	v14 =	vadd.f32 v26, v14;
	(xrf2) =	vadd.scan.msk.f32 $0xffff, v15;
	v15 =	vld [tilespmem:s0+$0xA080]  }
0x129: {  	v23 =	vmul.f32 v31, v25;
	v12 =	vadd.f32 v24, v12;
	v26 =	vmul.f32 v30, v25;
	(xrf2) =	vadd.scan.msk.f32 $0xffff, v13;
	v13 =	vld [tilespmem:s0+$0xA100]  }
0x12a: {  	v16 =	vadd.f32 v22, v16;
	v19 =	vmul.f32 v19, v2;
	v22 =	vmul.f32 v32, v25;
	(xrf2) =	vadd.scan.msk.f32 $0xffff, v14;
	v14 =	vld [tilespmem:s0+$0xA180]  }
0x12b: {  	v18 =	vmul.f32 v18, v2;
	v8 =	vadd.f32 v23, v8;
	v10 =	vadd.f32 v26, v10;
	(xrf2) =	vadd.scan.msk.f32 $0xffff, v12;
	v12 =	vld [tilespmem:s0+$0xA200]  }
0x12c: {  	v23 =	vmul.f32 v63, v25;
	v6 =	vadd.f32 v22, v6;
	v24 =	vld [tilespmem:s0+$0xA280];
	v22 =	vmul.f32 v27, v25  }
0x12d: {  	v2 =	vmul.f32 v20, v2;
	(xrf2) =	vadd.scan.msk.f32 $0xffff, v10;
	v10 =	vadd.f32 v21, v11;
	v11 =	vmul.f32 v15, v25;
	v15 =	vld [tilespmem:s0+$0xA300]  }
0x12e: {  	v5 =	vadd.f32 v23, v5;
	(xrf2) =	vadd.scan.msk.f32 $0xffff, v8;
	v9 =	vadd.f32 v22, v9;
	v13 =	vmul.f32 v13, v25  }
0x12f: {  	v8 =	vld [tilespmem:s0+$0xA380];
	(xrf2) =	vadd.scan.msk.f32 $0xffff, v6;
	v6 =	vadd.f32 v19, v7;
	v7 =	vadd.f32 v11, v17;
	v11 =	vmul.f32 v14, v25  }
0x130: {  	v4 =	vadd.f32 v18, v4;
	v2 =	vadd.f32 v2, v3;
	(xrf2) =	vadd.scan.msk.f32 $0xffff, v5;
	v12 =	vmul.f32 v12, v25  }
0x131: {  	v5 =	vadd.f32 v13, v16;
	(xrf2) =	vadd.scan.msk.f32 $0xffff, v9;
	v9 =	vadd.f32 v11, v10  }
0x132: {  	v10 =	vmul.f32 v24, v25;
	v3 =	vadd.f32 v12, v6;
	v6 =	vmul.f32 v15, v25  }
0x133: {  	(xrf2) =	vadd.scan.msk.f32 $0xffff, v7  }
0x134: {  	v7, _, _ =	vpop (xrf2);
	(xrf2) =	vadd.scan.msk.f32 $0xffff, v5;
	v5 =	vmul.f32 v8, v25;
	v4 =	vadd.f32 v10, v4  }
0x135: {  	(v2sf) =	vpush v7, $0xF;
	v7, _, _ =	vpop (xrf2);
	(xrf2) =	vadd.scan.msk.f32 $0xffff, v9;
	v2 =	vadd.f32 v6, v2  }
0x136: {  	(v2sf) =	vpush v7, $0xF;
	v1 =	vadd.f32 v5, v1;
	v6, _, _ =	vpop (xrf2);
	(xrf2) =	vadd.scan.msk.f32 $0xffff, v3  }
0x137: {  	(v2sf) =	vpush v6, $0xF;
	v3, _, _ =	vpop (xrf2);
	(xrf2) =	vadd.scan.msk.f32 $0xffff, v4  }
0x138: {  	(v2sf) =	vpush v3, $0xF;
	v3, _, _ =	vpop (xrf2);
	(xrf2) =	vadd.scan.msk.f32 $0xffff, v2  }
0x139: {  	(v2sf) =	vpush v3, $0xF;
	v2, _, _ =	vpop (xrf2);
	(xrf2) =	vadd.scan.msk.f32 $0xffff, v1  }
0x13a: {  	v1, _, _ =	vpop (xrf2);
	(v2sf) =	vpush v2, $0xF  }
0x13b: {  	v2, _, _ =	vpop (xrf2);
	(v2sf) =	vpush v1, $0xF  }
0x13c: {  	v1, _, _ =	vpop (xrf2);
	(v2sf) =	vpush v2, $0xF  }
0x13d: {  	v2, _, _ =	vpop (xrf2);
	(v2sf) =	vpush v1, $0xF  }
0x13e: {  	v1, _, _ =	vpop (xrf2);
	(v2sf) =	vpush v2, $0xF  }
0x13f: {  	v2, _, _ =	vpop (xrf2);
	(v2sf) =	vpush v1, $0xF  }
0x140: {  	v1, _, _ =	vpop (xrf2);
	(v2sf) =	vpush v2, $0xF  }
0x141: {  	v2, _, _ =	vpop (xrf2);
	(v2sf) =	vpush v1, $0xF  }
0x142: {  	v1, _, _ =	vpop (xrf2);
	(v2sf) =	vpush v2, $0xF  }
0x143: {  	(v2sf) =	vpush v1, $0xF;
	v1, _, _ =	vpop (xrf2)  }
0x144: {  	s31 =	spop (v2sf);
	(v2sf) =	vpush v1, $0xF  }
0x145: {  	s2 =	spop (v2sf)  }
0x146: {  	s4 =	spop (v2sf)  }
0x147: {  	s6 =	spop (v2sf)  }
0x148: {  	s11 =	spop (v2sf)  }
0x149: {  	s20 =	spop (v2sf)  }
0x14a: {  	s21 =	spop (v2sf)  }
0x14b: {  	s22 =	spop (v2sf)  }
0x14c: {  	s23 =	spop (v2sf)  }
0x14d: {  	s24 =	spop (v2sf)  }
0x14e: {  	s25 =	spop (v2sf)  }
0x14f: {  	s26 =	spop (v2sf)  }
0x150: {  	s28 =	spop (v2sf)  }
0x151: {  	s29 =	spop (v2sf)  }
0x152: {  	s30 =	spop (v2sf)  }
0x153: {  	s0 =	smul.f32 s31, s31;
	s31 =	spop (v2sf)  }
0x154: {  	s31 =	smul.f32 s31, s31  }
0x155: {  	s2 =	smul.f32 s2, s2  }
0x156: {  	s4 =	smul.f32 s4, s4;
	v1 =	vmov s31  }
0x157: {  	s6 =	smul.f32 s6, s6;
	v1 =	vsel vm0, s0, v1  }
0x158: {  	s11 =	smul.f32 s11, s11;
	v1 =	vsel vm1, s2, v1  }
0x159: {  	s20 =	smul.f32 s20, s20;
	v1 =	vsel vm2, s4, v1  }
0x15a: {  	s21 =	smul.f32 s21, s21;
	v1 =	vsel vm3, s6, v1  }
0x15b: {  	s31 =	smul.f32 s22, s22;
	v1 =	vsel vm4, s11, v1  }
0x15c: {  	s22 =	smul.f32 s26, s26;
	v1 =	vsel vm5, s20, v1  }
0x15d: {  	s11 =	smul.f32 s23, s23;
	v1 =	vsel vm6, s21, v1  }
0x15e: {  	s20 =	smul.f32 s24, s24;
	v1 =	vsel vm7, s31, v1  }
0x15f: {  	p0 =	seq.s32 s18, $0x3;
	s21 =	smul.f32 s25, s25;
	v1 =	vsel vm8, s11, v1  }
0x160: {  	s2 =	smul.u32 @!p0 $0x18000, s18;
	s24 =	sadd.s32 $0x20, s19;
	v1 =	vsel vm9, s20, v1  }
0x161: {  	s23 =	smul.f32 s28, s28;
	v2 =	vor.u32 s24, v0;
	v1 =	vsel vm10, s21, v1  }
0x162: {  	s25 =	smul.f32 s29, s29;
	v1 =	vsel vm11, s22, v1  }
0x163: {  	s26 =	smul.f32 s30, s30;
	v1 =	vsel vm12, s23, v1  }
0x164: {  	s0 =	sadd.s32 @!p0 s2, s7;
	v1 =	vsel vm13, s25, v1  }
0x165: {  	s0 =	sshrl.u32 @!p0 s0, $0x3;
	v1 =	vsel vm14, s26, v1  }
0x166: {  	s2 =	simm.s32 @!p0 $0x0;
	s0 =	sadd.s32 @!p0 s1, s0;
	[tilespmem:v2+s15+$0x0] =	vst.idx.msk $0xffff, v1  }
0x167: {  	[tilespmem:s2], [sflag:$0x1] =	stream.linear.gather @!p0 [hbm4b:s0+s2], $0xC000, $0x38;
	[tilespmem:$0x18580] =	vst v63  }
0x168: {  	s28 =	simm.s32 $0x0;
	_ =	swait.ge [sflag:s16], $0xC000  }
0x169: {  	s30 =	sand.u32 $0x1C00, s28;
	[sflag:s16] =	ssyncset.done $0x0  }
0x16a: {  	s29 =	simm.s32 $0x18000;
	s0 =	sand.u32 $0x70, s28;
	[sflag:s16] =	ssyncadd.s32 $0xFFFF4000  }
0x16b: {  	s0 =	sor.u32 s0, s30;
	v2 =	vld [tilespmem:s29+$0x0]  }
0x16c: {  	v1 =	vld [tilespmem:s0+$0xE380]  }
0x16d: {  	v3 =	vld [tilespmem:s0+$0xC000]  }
0x16e: {  	v4 =	vld [tilespmem:s0+$0xC080]  }
0x16f: {  	v5 =	vld [tilespmem:s0+$0xC100]  }
0x170: {  	v16 =	vld [tilespmem:s0+$0xE000]  }
0x171: {  	v17 =	vld [tilespmem:s0+$0xE080]  }
0x172: {  	v6 =	vld [tilespmem:s0+$0xC180]  }
0x173: {  	v7 =	vld [tilespmem:s0+$0xC200]  }
0x174: {  	v10 =	vld [tilespmem:s0+$0xC300];
	v1 =	vmul.f32 v1, v2  }
0x175: {  	v8 =	vld [tilespmem:s0+$0xC280];
	v3 =	vmul.f32 v3, v2;
	v4 =	vmul.f32 v4, v2  }
0x176: {  	v9 =	vimm.f32 $0.0e+00;
	v11 =	vld [tilespmem:s0+$0xC380];
	v24 =	vmul.f32 v16, v2;
	v23 =	vmul.f32 v17, v2  }
0x177: {  	v17 =	vimm.f32 $0.0e+00;
	v16 =	vimm.f32 $0.0e+00;
	v15 =	vadd.f32 v3, v9  }
0x178: {  	v3 =	vmul.f32 v5, v2;
	v13 =	vadd.f32 v4, v9;
	v4 =	vmul.f32 v6, v2  }
0x179: {  	v22 =	vld [tilespmem:s0+$0xE100];
	v1 =	vadd.f32 v1, v9;
	v5 =	vmul.f32 v7, v2;
	v6 =	vmul.f32 v10, v2  }
0x17a: {  	v21 =	vld [tilespmem:s0+$0xE180];
	v7 =	vimm.f32 $0.0e+00;
	v14 =	vadd.f32 v3, v9;
	v3 =	vmul.f32 v8, v2  }
0x17b: {  	s31 =	simm.s32 $0x80;
	v19 =	vld [tilespmem:s0+$0xE200];
	v12 =	vadd.f32 v4, v9;
	v10 =	vadd.f32 v5, v9;
	v4 =	vmul.f32 v11, v2  }
0x17c: {  	s24 =	sand.u32 $0x1C00, s31;
	s21 =	simm.s32 $0x10;
	v18 =	vld [tilespmem:s0+$0xE280];
	v6 =	vadd.f32 v6, v9;
	v11 =	vimm.f32 $0.0e+00;
	v8 =	vadd.f32 v3, v9  }
0x17d: {  	s20 =	simm.s32 $0x18010;
	s22 =	simm.s32 $0x100;
	s25 =	sand.u32 $0x70, s21;
	v20 =	vld [tilespmem:s0+$0xE300];
	v5 =	vadd.f32 v4, v9;
	v4 =	vimm.f32 $0.0e+00;
	v3 =	vimm.f32 $0.0e+00  }
.LBB2_9:
0x17e: {  	p1 =	sne.s32 s22, $0x1F80;
	v25 =	vld [tilespmem:s20+$0x0];
	s23 =	sor.u32 s25, s24;
	v9 =	vadd.f32 v24, v9;
	v22 =	vmul.f32 v22, v2  }
0x17f: {  	v24 =	vld [tilespmem:s23+$0xE380];
	v17 =	vadd.f32 v23, v17;
	v21 =	vmul.f32 v21, v2  }
0x180: {  	v23 =	vld [tilespmem:s23+$0xC000];
	v16 =	vadd.f32 v22, v16;
	v19 =	vmul.f32 v19, v2  }
0x181: {  	v22 =	vld [tilespmem:s23+$0xC080];
	v11 =	vadd.f32 v21, v11;
	v18 =	vmul.f32 v18, v2  }
0x182: {  	v21 =	vld [tilespmem:s23+$0xC100];
	v7 =	vadd.f32 v19, v7;
	v19 =	vmul.f32 v20, v2  }
0x183: {  	v20 =	vld [tilespmem:s23+$0xC180];
	v4 =	vadd.f32 v18, v4;
	v2 =	vmov v25  }
0x184: {  	v18 =	vld [tilespmem:s23+$0xC200];
	v24 =	vmul.f32 v24, v2;
	v3 =	vadd.f32 v19, v3  }
0x185: {  	v19 =	vmul.f32 v23, v2;
	v23 =	vld [tilespmem:s23+$0xC280]  }
0x186: {  	v22 =	vmul.f32 v22, v2;
	v25 =	vld [tilespmem:s23+$0xC300];
	v1 =	vadd.f32 v24, v1  }
0x187: {  	v15 =	vadd.f32 v19, v15;
	v19 =	vmul.f32 v21, v2;
	v24 =	vld [tilespmem:s23+$0xC380]  }
0x188: {  	v13 =	vadd.f32 v22, v13;
	v20 =	vmul.f32 v20, v2;
	v26 =	vld [tilespmem:s23+$0xE000]  }
0x189: {  	v14 =	vadd.f32 v19, v14;
	v18 =	vmul.f32 v18, v2;
	v27 =	vld [tilespmem:s23+$0xE080]  }
.Ltmp5:
0x18a: {  	v12 =	vadd.f32 v20, v12;
	v19 =	vmul.f32 v23, v2;
	v22 =	vld [tilespmem:s23+$0xE100];
	(pc) =	sbr.rel @p1 .LBB2_9-.Ltmp5, $4  }
0x18b: {  	v10 =	vadd.f32 v18, v10;
	v18 =	vmul.f32 v25, v2;
	v21 =	vld [tilespmem:s23+$0xE180]  }
0x18c: {  	v8 =	vadd.f32 v19, v8;
	v20 =	vmul.f32 v24, v2;
	v19 =	vld [tilespmem:s23+$0xE200]  }
0x18d: {  	s21 =	sadd.s32 $0x10, s21;
	s20 =	sadd.s32 $0x10, s20;
	v6 =	vadd.f32 v18, v6;
	v24 =	vmul.f32 v26, v2;
	v18 =	vld [tilespmem:s23+$0xE280]  }
0x18e: {  	s24 =	sand.u32 $0x1C00, s22;
	s22 =	sadd.s32 $0x80, s22;
	s25 =	sand.u32 $0x70, s21;
	v5 =	vadd.f32 v20, v5;
	v23 =	vmul.f32 v27, v2;
	v20 =	vld [tilespmem:s23+$0xE300]  }
0x18f: {  	v25 =	vld [tilespmem:s20+$0x0];
	s0 =	sor.u32 s25, s24  }
0x190: {  	v26 =	vld [tilespmem:s0+$0xC000]  }
0x191: {  	v27 =	vld [tilespmem:s0+$0xC080]  }
0x192: {  	v28 =	vld [tilespmem:s0+$0xC100]  }
0x193: {  	v29 =	vld [tilespmem:s0+$0xC180]  }
0x194: {  	v30 =	vld [tilespmem:s0+$0xC200]  }
0x195: {  	v31 =	vld [tilespmem:s0+$0xC280];
	v26 =	vmul.f32 v26, v25  }
0x196: {  	v32 =	vld [tilespmem:s0+$0xC300];
	v27 =	vmul.f32 v27, v25  }
0x197: {  	v9 =	vadd.f32 v24, v9;
	v63 =	vld [tilespmem:s0+$0xC380];
	v15 =	vadd.f32 v26, v15;
	v26 =	vmul.f32 v28, v25  }
0x198: {  	v22 =	vmul.f32 v22, v2;
	v24 =	vmul.f32 v29, v25;
	v13 =	vadd.f32 v27, v13;
	v27 =	vld [tilespmem:s0+$0xE000]  }
0x199: {  	v17 =	vadd.f32 v23, v17;
	v21 =	vmul.f32 v21, v2;
	v14 =	vadd.f32 v26, v14;
	(xrf2) =	vadd.scan.msk.f32 $0xffff, v15;
	v15 =	vld [tilespmem:s0+$0xE080]  }
0x19a: {  	v23 =	vmul.f32 v31, v25;
	v12 =	vadd.f32 v24, v12;
	v26 =	vmul.f32 v30, v25;
	(xrf2) =	vadd.scan.msk.f32 $0xffff, v13;
	v13 =	vld [tilespmem:s0+$0xE100]  }
0x19b: {  	v16 =	vadd.f32 v22, v16;
	v19 =	vmul.f32 v19, v2;
	v22 =	vmul.f32 v32, v25;
	(xrf2) =	vadd.scan.msk.f32 $0xffff, v14;
	v14 =	vld [tilespmem:s0+$0xE180]  }
0x19c: {  	v18 =	vmul.f32 v18, v2;
	v8 =	vadd.f32 v23, v8;
	v10 =	vadd.f32 v26, v10;
	(xrf2) =	vadd.scan.msk.f32 $0xffff, v12;
	v12 =	vld [tilespmem:s0+$0xE200]  }
0x19d: {  	v23 =	vmul.f32 v63, v25;
	v6 =	vadd.f32 v22, v6;
	v24 =	vld [tilespmem:s0+$0xE280];
	v22 =	vmul.f32 v27, v25  }
0x19e: {  	v2 =	vmul.f32 v20, v2;
	(xrf2) =	vadd.scan.msk.f32 $0xffff, v10;
	v10 =	vadd.f32 v21, v11;
	v11 =	vmul.f32 v15, v25;
	v15 =	vld [tilespmem:s0+$0xE300]  }
0x19f: {  	v5 =	vadd.f32 v23, v5;
	(xrf2) =	vadd.scan.msk.f32 $0xffff, v8;
	v9 =	vadd.f32 v22, v9;
	v13 =	vmul.f32 v13, v25  }
0x1a0: {  	v8 =	vld [tilespmem:s0+$0xE380];
	(xrf2) =	vadd.scan.msk.f32 $0xffff, v6;
	v6 =	vadd.f32 v19, v7;
	v7 =	vadd.f32 v11, v17;
	v11 =	vmul.f32 v14, v25  }
0x1a1: {  	v4 =	vadd.f32 v18, v4;
	v2 =	vadd.f32 v2, v3;
	(xrf2) =	vadd.scan.msk.f32 $0xffff, v5;
	v12 =	vmul.f32 v12, v25  }
0x1a2: {  	v5 =	vadd.f32 v13, v16;
	(xrf2) =	vadd.scan.msk.f32 $0xffff, v9;
	v9 =	vadd.f32 v11, v10  }
0x1a3: {  	v10 =	vmul.f32 v24, v25;
	v3 =	vadd.f32 v12, v6;
	v6 =	vmul.f32 v15, v25  }
0x1a4: {  	(xrf2) =	vadd.scan.msk.f32 $0xffff, v7  }
0x1a5: {  	v7, _, _ =	vpop (xrf2);
	(xrf2) =	vadd.scan.msk.f32 $0xffff, v5;
	v5 =	vmul.f32 v8, v25;
	v4 =	vadd.f32 v10, v4  }
0x1a6: {  	(v2sf) =	vpush v7, $0xF;
	v7, _, _ =	vpop (xrf2);
	(xrf2) =	vadd.scan.msk.f32 $0xffff, v9;
	v2 =	vadd.f32 v6, v2  }
0x1a7: {  	(v2sf) =	vpush v7, $0xF;
	v1 =	vadd.f32 v5, v1;
	v6, _, _ =	vpop (xrf2);
	(xrf2) =	vadd.scan.msk.f32 $0xffff, v3  }
0x1a8: {  	(v2sf) =	vpush v6, $0xF;
	v3, _, _ =	vpop (xrf2);
	(xrf2) =	vadd.scan.msk.f32 $0xffff, v4  }
0x1a9: {  	(v2sf) =	vpush v3, $0xF;
	v3, _, _ =	vpop (xrf2);
	(xrf2) =	vadd.scan.msk.f32 $0xffff, v2  }
0x1aa: {  	(v2sf) =	vpush v3, $0xF;
	v2, _, _ =	vpop (xrf2);
	(xrf2) =	vadd.scan.msk.f32 $0xffff, v1  }
0x1ab: {  	v1, _, _ =	vpop (xrf2);
	(v2sf) =	vpush v2, $0xF  }
0x1ac: {  	v2, _, _ =	vpop (xrf2);
	(v2sf) =	vpush v1, $0xF  }
0x1ad: {  	v1, _, _ =	vpop (xrf2);
	(v2sf) =	vpush v2, $0xF  }
0x1ae: {  	v2, _, _ =	vpop (xrf2);
	(v2sf) =	vpush v1, $0xF  }
0x1af: {  	v1, _, _ =	vpop (xrf2);
	(v2sf) =	vpush v2, $0xF  }
0x1b0: {  	v2, _, _ =	vpop (xrf2);
	(v2sf) =	vpush v1, $0xF  }
0x1b1: {  	v1, _, _ =	vpop (xrf2);
	(v2sf) =	vpush v2, $0xF  }
0x1b2: {  	v2, _, _ =	vpop (xrf2);
	(v2sf) =	vpush v1, $0xF  }
0x1b3: {  	v1, _, _ =	vpop (xrf2);
	(v2sf) =	vpush v2, $0xF  }
0x1b4: {  	(v2sf) =	vpush v1, $0xF;
	v1, _, _ =	vpop (xrf2)  }
0x1b5: {  	s0 =	spop (v2sf);
	(v2sf) =	vpush v1, $0xF  }
0x1b6: {  	s2 =	spop (v2sf)  }
0x1b7: {  	s4 =	spop (v2sf)  }
0x1b8: {  	s6 =	spop (v2sf)  }
0x1b9: {  	s11 =	spop (v2sf)  }
0x1ba: {  	s20 =	spop (v2sf)  }
0x1bb: {  	s21 =	spop (v2sf)  }
0x1bc: {  	s22 =	spop (v2sf)  }
0x1bd: {  	s23 =	spop (v2sf)  }
0x1be: {  	s24 =	spop (v2sf)  }
0x1bf: {  	s25 =	spop (v2sf)  }
0x1c0: {  	s26 =	spop (v2sf)  }
0x1c1: {  	s28 =	spop (v2sf)  }
0x1c2: {  	s29 =	spop (v2sf)  }
0x1c3: {  	s30 =	spop (v2sf)  }
0x1c4: {  	s31 =	spop (v2sf)  }
0x1c5: {  	s31 =	smul.f32 s31, s31  }
0x1c6: {  	s0 =	smul.f32 s0, s0  }
0x1c7: {  	s2 =	smul.f32 s2, s2;
	v1 =	vmov s31  }
0x1c8: {  	s4 =	smul.f32 s4, s4;
	v1 =	vsel vm0, s0, v1  }
0x1c9: {  	s6 =	smul.f32 s6, s6;
	v1 =	vsel vm1, s2, v1  }
0x1ca: {  	s11 =	smul.f32 s11, s11;
	v1 =	vsel vm2, s4, v1  }
0x1cb: {  	s20 =	smul.f32 s20, s20;
	v1 =	vsel vm3, s6, v1  }
0x1cc: {  	s31 =	smul.f32 s21, s21;
	v1 =	vsel vm4, s11, v1  }
0x1cd: {  	s6 =	smul.f32 s22, s22;
	v1 =	vsel vm5, s20, v1  }
0x1ce: {  	s11 =	smul.f32 s23, s23;
	v1 =	vsel vm6, s31, v1  }
0x1cf: {  	s20 =	smul.f32 s24, s24;
	v1 =	vsel vm7, s6, v1  }
0x1d0: {  	s21 =	smul.f32 s25, s25;
	v1 =	vsel vm8, s11, v1  }
0x1d1: {  	s22 =	smul.f32 s26, s26;
	s23 =	sadd.s32 $0x30, s19;
	v1 =	vsel vm9, s20, v1  }
0x1d2: {  	s24 =	smul.f32 s28, s28;
	v2 =	vor.u32 s23, v0;
	v1 =	vsel vm10, s21, v1  }
0x1d3: {  	s25 =	smul.f32 s29, s29;
	v1 =	vsel vm11, s22, v1  }
0x1d4: {  	s26 =	smul.f32 s30, s30;
	v1 =	vsel vm12, s24, v1  }
0x1d5: {  	v1 =	vsel vm13, s25, v1  }
0x1d6: {  	s28 =	simm.s32 $0x0;
	v1 =	vsel vm14, s26, v1  }
0x1d7: {  	s29 =	simm.s32 $0x18000;
	s30 =	sand.u32 $0x1C00, s28;
	s0 =	sand.u32 $0x70, s28;
	[tilespmem:v2+s15+$0x0] =	vst.idx.msk $0xffff, v1  }
0x1d8: {  	s0 =	sor.u32 s0, s30;
	v2 =	vld [tilespmem:s29+$0x0]  }
0x1d9: {  	v1 =	vld [tilespmem:s0+$0x12380]  }
0x1da: {  	v3 =	vld [tilespmem:s0+$0x10000]  }
0x1db: {  	v4 =	vld [tilespmem:s0+$0x10080]  }
0x1dc: {  	v5 =	vld [tilespmem:s0+$0x10100]  }
0x1dd: {  	v16 =	vld [tilespmem:s0+$0x12000]  }
0x1de: {  	v17 =	vld [tilespmem:s0+$0x12080]  }
0x1df: {  	v6 =	vld [tilespmem:s0+$0x10180]  }
0x1e0: {  	v7 =	vld [tilespmem:s0+$0x10200]  }
0x1e1: {  	v10 =	vld [tilespmem:s0+$0x10300];
	v1 =	vmul.f32 v1, v2  }
0x1e2: {  	v8 =	vld [tilespmem:s0+$0x10280];
	v3 =	vmul.f32 v3, v2;
	v4 =	vmul.f32 v4, v2  }
0x1e3: {  	v9 =	vimm.f32 $0.0e+00;
	v11 =	vld [tilespmem:s0+$0x10380];
	v24 =	vmul.f32 v16, v2;
	v23 =	vmul.f32 v17, v2  }
0x1e4: {  	v17 =	vimm.f32 $0.0e+00;
	v16 =	vimm.f32 $0.0e+00;
	v15 =	vadd.f32 v3, v9  }
0x1e5: {  	v3 =	vmul.f32 v5, v2;
	v13 =	vadd.f32 v4, v9;
	v4 =	vmul.f32 v6, v2  }
0x1e6: {  	v22 =	vld [tilespmem:s0+$0x12100];
	v1 =	vadd.f32 v1, v9;
	v5 =	vmul.f32 v7, v2;
	v6 =	vmul.f32 v10, v2  }
0x1e7: {  	v21 =	vld [tilespmem:s0+$0x12180];
	v7 =	vimm.f32 $0.0e+00;
	v14 =	vadd.f32 v3, v9;
	v3 =	vmul.f32 v8, v2  }
0x1e8: {  	v19 =	vld [tilespmem:s0+$0x12200];
	v12 =	vadd.f32 v4, v9;
	v10 =	vadd.f32 v5, v9;
	v4 =	vmul.f32 v11, v2  }
0x1e9: {  	s31 =	simm.s32 $0x80;
	s20 =	simm.s32 $0x18010;
	s21 =	simm.s32 $0x10;
	v18 =	vld [tilespmem:s0+$0x12280];
	v6 =	vadd.f32 v6, v9;
	v11 =	vimm.f32 $0.0e+00;
	v8 =	vadd.f32 v3, v9  }
0x1ea: {  	s22 =	simm.s32 $0x100;
	s24 =	sand.u32 $0x1C00, s31;
	s25 =	sand.u32 $0x70, s21;
	v20 =	vld [tilespmem:s0+$0x12300];
	v5 =	vadd.f32 v4, v9;
	v4 =	vimm.f32 $0.0e+00;
	v3 =	vimm.f32 $0.0e+00  }
.LBB2_11:
0x1eb: {  	p1 =	sne.s32 s22, $0x1F80;
	v25 =	vld [tilespmem:s20+$0x0];
	s23 =	sor.u32 s25, s24;
	v9 =	vadd.f32 v24, v9;
	v22 =	vmul.f32 v22, v2  }
0x1ec: {  	v24 =	vld [tilespmem:s23+$0x12380];
	v17 =	vadd.f32 v23, v17;
	v21 =	vmul.f32 v21, v2  }
0x1ed: {  	v23 =	vld [tilespmem:s23+$0x10000];
	v16 =	vadd.f32 v22, v16;
	v19 =	vmul.f32 v19, v2  }
0x1ee: {  	v22 =	vld [tilespmem:s23+$0x10080];
	v11 =	vadd.f32 v21, v11;
	v18 =	vmul.f32 v18, v2  }
0x1ef: {  	v21 =	vld [tilespmem:s23+$0x10100];
	v7 =	vadd.f32 v19, v7;
	v19 =	vmul.f32 v20, v2  }
0x1f0: {  	v20 =	vld [tilespmem:s23+$0x10180];
	v4 =	vadd.f32 v18, v4;
	v2 =	vmov v25  }
0x1f1: {  	v18 =	vld [tilespmem:s23+$0x10200];
	v24 =	vmul.f32 v24, v2;
	v3 =	vadd.f32 v19, v3  }
0x1f2: {  	v19 =	vmul.f32 v23, v2;
	v23 =	vld [tilespmem:s23+$0x10280]  }
0x1f3: {  	v22 =	vmul.f32 v22, v2;
	v25 =	vld [tilespmem:s23+$0x10300];
	v1 =	vadd.f32 v24, v1  }
0x1f4: {  	v15 =	vadd.f32 v19, v15;
	v19 =	vmul.f32 v21, v2;
	v24 =	vld [tilespmem:s23+$0x10380]  }
0x1f5: {  	v13 =	vadd.f32 v22, v13;
	v20 =	vmul.f32 v20, v2;
	v26 =	vld [tilespmem:s23+$0x12000]  }
0x1f6: {  	v14 =	vadd.f32 v19, v14;
	v18 =	vmul.f32 v18, v2;
	v27 =	vld [tilespmem:s23+$0x12080]  }
.Ltmp6:
0x1f7: {  	v12 =	vadd.f32 v20, v12;
	v19 =	vmul.f32 v23, v2;
	v22 =	vld [tilespmem:s23+$0x12100];
	(pc) =	sbr.rel @p1 .LBB2_11-.Ltmp6, $4  }
0x1f8: {  	v10 =	vadd.f32 v18, v10;
	v18 =	vmul.f32 v25, v2;
	v21 =	vld [tilespmem:s23+$0x12180]  }
0x1f9: {  	v8 =	vadd.f32 v19, v8;
	v20 =	vmul.f32 v24, v2;
	v19 =	vld [tilespmem:s23+$0x12200]  }
0x1fa: {  	s21 =	sadd.s32 $0x10, s21;
	s20 =	sadd.s32 $0x10, s20;
	v6 =	vadd.f32 v18, v6;
	v24 =	vmul.f32 v26, v2;
	v18 =	vld [tilespmem:s23+$0x12280]  }
0x1fb: {  	s24 =	sand.u32 $0x1C00, s22;
	s22 =	sadd.s32 $0x80, s22;
	s25 =	sand.u32 $0x70, s21;
	v5 =	vadd.f32 v20, v5;
	v23 =	vmul.f32 v27, v2;
	v20 =	vld [tilespmem:s23+$0x12300]  }
0x1fc: {  	v25 =	vld [tilespmem:s20+$0x0];
	s0 =	sor.u32 s25, s24  }
0x1fd: {  	v26 =	vld [tilespmem:s0+$0x10000]  }
0x1fe: {  	v27 =	vld [tilespmem:s0+$0x10080]  }
0x1ff: {  	v28 =	vld [tilespmem:s0+$0x10100]  }
0x200: {  	v29 =	vld [tilespmem:s0+$0x10180]  }
0x201: {  	v30 =	vld [tilespmem:s0+$0x10200]  }
0x202: {  	v31 =	vld [tilespmem:s0+$0x10280];
	v26 =	vmul.f32 v26, v25  }
0x203: {  	v32 =	vld [tilespmem:s0+$0x10300];
	v27 =	vmul.f32 v27, v25  }
0x204: {  	v9 =	vadd.f32 v24, v9;
	v63 =	vld [tilespmem:s0+$0x10380];
	v15 =	vadd.f32 v26, v15;
	v26 =	vmul.f32 v28, v25  }
0x205: {  	v22 =	vmul.f32 v22, v2;
	v24 =	vmul.f32 v29, v25;
	v13 =	vadd.f32 v27, v13;
	v27 =	vld [tilespmem:s0+$0x12000]  }
0x206: {  	v17 =	vadd.f32 v23, v17;
	v21 =	vmul.f32 v21, v2;
	v14 =	vadd.f32 v26, v14;
	(xrf2) =	vadd.scan.msk.f32 $0xffff, v15;
	v15 =	vld [tilespmem:s0+$0x12080]  }
0x207: {  	v23 =	vmul.f32 v31, v25;
	v12 =	vadd.f32 v24, v12;
	v26 =	vmul.f32 v30, v25;
	(xrf2) =	vadd.scan.msk.f32 $0xffff, v13;
	v13 =	vld [tilespmem:s0+$0x12100]  }
0x208: {  	v16 =	vadd.f32 v22, v16;
	v19 =	vmul.f32 v19, v2;
	v22 =	vmul.f32 v32, v25;
	(xrf2) =	vadd.scan.msk.f32 $0xffff, v14;
	v14 =	vld [tilespmem:s0+$0x12180]  }
0x209: {  	v18 =	vmul.f32 v18, v2;
	v8 =	vadd.f32 v23, v8;
	v10 =	vadd.f32 v26, v10;
	(xrf2) =	vadd.scan.msk.f32 $0xffff, v12;
	v12 =	vld [tilespmem:s0+$0x12200]  }
0x20a: {  	v23 =	vmul.f32 v63, v25;
	v6 =	vadd.f32 v22, v6;
	v24 =	vld [tilespmem:s0+$0x12280];
	v22 =	vmul.f32 v27, v25  }
0x20b: {  	v2 =	vmul.f32 v20, v2;
	(xrf2) =	vadd.scan.msk.f32 $0xffff, v10;
	v10 =	vadd.f32 v21, v11;
	v11 =	vmul.f32 v15, v25;
	v15 =	vld [tilespmem:s0+$0x12300]  }
0x20c: {  	v5 =	vadd.f32 v23, v5;
	(xrf2) =	vadd.scan.msk.f32 $0xffff, v8;
	v9 =	vadd.f32 v22, v9;
	v13 =	vmul.f32 v13, v25  }
0x20d: {  	v8 =	vld [tilespmem:s0+$0x12380];
	(xrf2) =	vadd.scan.msk.f32 $0xffff, v6;
	v6 =	vadd.f32 v19, v7;
	v7 =	vadd.f32 v11, v17;
	v11 =	vmul.f32 v14, v25  }
0x20e: {  	v4 =	vadd.f32 v18, v4;
	v2 =	vadd.f32 v2, v3;
	(xrf2) =	vadd.scan.msk.f32 $0xffff, v5;
	v12 =	vmul.f32 v12, v25  }
0x20f: {  	v5 =	vadd.f32 v13, v16;
	(xrf2) =	vadd.scan.msk.f32 $0xffff, v9;
	v9 =	vadd.f32 v11, v10  }
0x210: {  	v10 =	vmul.f32 v24, v25;
	v3 =	vadd.f32 v12, v6;
	v6 =	vmul.f32 v15, v25  }
0x211: {  	(xrf2) =	vadd.scan.msk.f32 $0xffff, v7  }
0x212: {  	v7, _, _ =	vpop (xrf2);
	(xrf2) =	vadd.scan.msk.f32 $0xffff, v5;
	v5 =	vmul.f32 v8, v25;
	v4 =	vadd.f32 v10, v4  }
0x213: {  	(v2sf) =	vpush v7, $0xF;
	v7, _, _ =	vpop (xrf2);
	(xrf2) =	vadd.scan.msk.f32 $0xffff, v9;
	v2 =	vadd.f32 v6, v2  }
0x214: {  	(v2sf) =	vpush v7, $0xF;
	v1 =	vadd.f32 v5, v1;
	v6, _, _ =	vpop (xrf2);
	(xrf2) =	vadd.scan.msk.f32 $0xffff, v3  }
0x215: {  	(v2sf) =	vpush v6, $0xF;
	v3, _, _ =	vpop (xrf2);
	(xrf2) =	vadd.scan.msk.f32 $0xffff, v4  }
0x216: {  	(v2sf) =	vpush v3, $0xF;
	v3, _, _ =	vpop (xrf2);
	(xrf2) =	vadd.scan.msk.f32 $0xffff, v2  }
0x217: {  	(v2sf) =	vpush v3, $0xF;
	v2, _, _ =	vpop (xrf2);
	(xrf2) =	vadd.scan.msk.f32 $0xffff, v1  }
0x218: {  	v1, _, _ =	vpop (xrf2);
	(v2sf) =	vpush v2, $0xF  }
0x219: {  	v2, _, _ =	vpop (xrf2);
	(v2sf) =	vpush v1, $0xF  }
0x21a: {  	v1, _, _ =	vpop (xrf2);
	(v2sf) =	vpush v2, $0xF  }
0x21b: {  	v2, _, _ =	vpop (xrf2);
	(v2sf) =	vpush v1, $0xF  }
0x21c: {  	v1, _, _ =	vpop (xrf2);
	(v2sf) =	vpush v2, $0xF  }
0x21d: {  	v2, _, _ =	vpop (xrf2);
	(v2sf) =	vpush v1, $0xF  }
0x21e: {  	v1, _, _ =	vpop (xrf2);
	(v2sf) =	vpush v2, $0xF  }
0x21f: {  	v2, _, _ =	vpop (xrf2);
	(v2sf) =	vpush v1, $0xF  }
0x220: {  	v1, _, _ =	vpop (xrf2);
	(v2sf) =	vpush v2, $0xF  }
0x221: {  	(v2sf) =	vpush v1, $0xF;
	v1, _, _ =	vpop (xrf2)  }
0x222: {  	s0 =	spop (v2sf);
	(v2sf) =	vpush v1, $0xF  }
0x223: {  	s2 =	spop (v2sf)  }
0x224: {  	s4 =	spop (v2sf)  }
0x225: {  	s6 =	spop (v2sf)  }
0x226: {  	s11 =	spop (v2sf)  }
0x227: {  	s20 =	spop (v2sf)  }
0x228: {  	s21 =	spop (v2sf)  }
0x229: {  	s22 =	spop (v2sf)  }
0x22a: {  	s23 =	spop (v2sf)  }
0x22b: {  	s24 =	spop (v2sf)  }
0x22c: {  	s25 =	spop (v2sf)  }
0x22d: {  	s26 =	spop (v2sf)  }
0x22e: {  	s28 =	spop (v2sf)  }
0x22f: {  	s29 =	spop (v2sf)  }
0x230: {  	s30 =	spop (v2sf)  }
0x231: {  	s31 =	spop (v2sf)  }
0x232: {  	s31 =	smul.f32 s31, s31  }
0x233: {  	s0 =	smul.f32 s0, s0  }
0x234: {  	s2 =	smul.f32 s2, s2;
	v1 =	vmov s31  }
0x235: {  	s4 =	smul.f32 s4, s4;
	v1 =	vsel vm0, s0, v1  }
0x236: {  	s6 =	smul.f32 s6, s6;
	v1 =	vsel vm1, s2, v1  }
0x237: {  	s11 =	smul.f32 s11, s11;
	v1 =	vsel vm2, s4, v1  }
0x238: {  	s20 =	smul.f32 s20, s20;
	v1 =	vsel vm3, s6, v1  }
0x239: {  	s31 =	smul.f32 s21, s21;
	v1 =	vsel vm4, s11, v1  }
0x23a: {  	s6 =	smul.f32 s22, s22;
	v1 =	vsel vm5, s20, v1  }
0x23b: {  	s11 =	smul.f32 s23, s23;
	v1 =	vsel vm6, s31, v1  }
0x23c: {  	s20 =	smul.f32 s24, s24;
	v1 =	vsel vm7, s6, v1  }
0x23d: {  	s21 =	smul.f32 s25, s25;
	v1 =	vsel vm8, s11, v1  }
0x23e: {  	s22 =	smul.f32 s26, s26;
	s23 =	sadd.s32 $0x40, s19;
	v1 =	vsel vm9, s20, v1  }
0x23f: {  	s24 =	smul.f32 s28, s28;
	v2 =	vor.u32 s23, v0;
	v1 =	vsel vm10, s21, v1  }
0x240: {  	s25 =	smul.f32 s29, s29;
	v1 =	vsel vm11, s22, v1  }
0x241: {  	s26 =	smul.f32 s30, s30;
	v1 =	vsel vm12, s24, v1  }
0x242: {  	v1 =	vsel vm13, s25, v1  }
0x243: {  	s28 =	simm.s32 $0x0;
	v1 =	vsel vm14, s26, v1  }
0x244: {  	s29 =	simm.s32 $0x18000;
	s30 =	sand.u32 $0x1C00, s28;
	s0 =	sand.u32 $0x70, s28;
	[tilespmem:v2+s15+$0x0] =	vst.idx.msk $0xffff, v1  }
0x245: {  	s0 =	sor.u32 s0, s30;
	v2 =	vld [tilespmem:s29+$0x0]  }
0x246: {  	v1 =	vld [tilespmem:s0+$0x16380]  }
0x247: {  	v3 =	vld [tilespmem:s0+$0x14000]  }
0x248: {  	v4 =	vld [tilespmem:s0+$0x14080]  }
0x249: {  	v5 =	vld [tilespmem:s0+$0x14100]  }
0x24a: {  	v16 =	vld [tilespmem:s0+$0x16000]  }
0x24b: {  	v17 =	vld [tilespmem:s0+$0x16080]  }
0x24c: {  	v6 =	vld [tilespmem:s0+$0x14180]  }
0x24d: {  	v7 =	vld [tilespmem:s0+$0x14200]  }
0x24e: {  	v10 =	vld [tilespmem:s0+$0x14300];
	v1 =	vmul.f32 v1, v2  }
0x24f: {  	v8 =	vld [tilespmem:s0+$0x14280];
	v3 =	vmul.f32 v3, v2;
	v4 =	vmul.f32 v4, v2  }
0x250: {  	v9 =	vimm.f32 $0.0e+00;
	v11 =	vld [tilespmem:s0+$0x14380];
	v24 =	vmul.f32 v16, v2;
	v23 =	vmul.f32 v17, v2  }
0x251: {  	v17 =	vimm.f32 $0.0e+00;
	v16 =	vimm.f32 $0.0e+00;
	v15 =	vadd.f32 v3, v9  }
0x252: {  	v3 =	vmul.f32 v5, v2;
	v13 =	vadd.f32 v4, v9;
	v4 =	vmul.f32 v6, v2  }
0x253: {  	v22 =	vld [tilespmem:s0+$0x16100];
	v1 =	vadd.f32 v1, v9;
	v5 =	vmul.f32 v7, v2;
	v6 =	vmul.f32 v10, v2  }
0x254: {  	v21 =	vld [tilespmem:s0+$0x16180];
	v7 =	vimm.f32 $0.0e+00;
	v14 =	vadd.f32 v3, v9;
	v3 =	vmul.f32 v8, v2  }
0x255: {  	v19 =	vld [tilespmem:s0+$0x16200];
	v12 =	vadd.f32 v4, v9;
	v10 =	vadd.f32 v5, v9;
	v4 =	vmul.f32 v11, v2  }
0x256: {  	s31 =	simm.s32 $0x80;
	s20 =	simm.s32 $0x18010;
	s21 =	simm.s32 $0x10;
	v18 =	vld [tilespmem:s0+$0x16280];
	v6 =	vadd.f32 v6, v9;
	v11 =	vimm.f32 $0.0e+00;
	v8 =	vadd.f32 v3, v9  }
0x257: {  	s22 =	simm.s32 $0x100;
	s24 =	sand.u32 $0x1C00, s31;
	s25 =	sand.u32 $0x70, s21;
	v20 =	vld [tilespmem:s0+$0x16300];
	v5 =	vadd.f32 v4, v9;
	v4 =	vimm.f32 $0.0e+00;
	v3 =	vimm.f32 $0.0e+00  }
.LBB2_13:
0x258: {  	p1 =	sne.s32 s22, $0x1F80;
	v25 =	vld [tilespmem:s20+$0x0];
	s23 =	sor.u32 s25, s24;
	v9 =	vadd.f32 v24, v9;
	v22 =	vmul.f32 v22, v2  }
0x259: {  	v24 =	vld [tilespmem:s23+$0x16380];
	v17 =	vadd.f32 v23, v17;
	v21 =	vmul.f32 v21, v2  }
0x25a: {  	v23 =	vld [tilespmem:s23+$0x14000];
	v16 =	vadd.f32 v22, v16;
	v19 =	vmul.f32 v19, v2  }
0x25b: {  	v22 =	vld [tilespmem:s23+$0x14080];
	v11 =	vadd.f32 v21, v11;
	v18 =	vmul.f32 v18, v2  }
0x25c: {  	v21 =	vld [tilespmem:s23+$0x14100];
	v7 =	vadd.f32 v19, v7;
	v19 =	vmul.f32 v20, v2  }
0x25d: {  	v20 =	vld [tilespmem:s23+$0x14180];
	v4 =	vadd.f32 v18, v4;
	v2 =	vmov v25  }
0x25e: {  	v18 =	vld [tilespmem:s23+$0x14200];
	v24 =	vmul.f32 v24, v2;
	v3 =	vadd.f32 v19, v3  }
0x25f: {  	v19 =	vmul.f32 v23, v2;
	v23 =	vld [tilespmem:s23+$0x14280]  }
0x260: {  	v22 =	vmul.f32 v22, v2;
	v25 =	vld [tilespmem:s23+$0x14300];
	v1 =	vadd.f32 v24, v1  }
0x261: {  	v15 =	vadd.f32 v19, v15;
	v19 =	vmul.f32 v21, v2;
	v24 =	vld [tilespmem:s23+$0x14380]  }
0x262: {  	v13 =	vadd.f32 v22, v13;
	v20 =	vmul.f32 v20, v2;
	v26 =	vld [tilespmem:s23+$0x16000]  }
0x263: {  	v14 =	vadd.f32 v19, v14;
	v18 =	vmul.f32 v18, v2;
	v27 =	vld [tilespmem:s23+$0x16080]  }
.Ltmp7:
0x264: {  	v12 =	vadd.f32 v20, v12;
	v19 =	vmul.f32 v23, v2;
	v22 =	vld [tilespmem:s23+$0x16100];
	(pc) =	sbr.rel @p1 .LBB2_13-.Ltmp7, $4  }
0x265: {  	v10 =	vadd.f32 v18, v10;
	v18 =	vmul.f32 v25, v2;
	v21 =	vld [tilespmem:s23+$0x16180]  }
0x266: {  	v8 =	vadd.f32 v19, v8;
	v20 =	vmul.f32 v24, v2;
	v19 =	vld [tilespmem:s23+$0x16200]  }
0x267: {  	s21 =	sadd.s32 $0x10, s21;
	s20 =	sadd.s32 $0x10, s20;
	v6 =	vadd.f32 v18, v6;
	v24 =	vmul.f32 v26, v2;
	v18 =	vld [tilespmem:s23+$0x16280]  }
0x268: {  	s24 =	sand.u32 $0x1C00, s22;
	s22 =	sadd.s32 $0x80, s22;
	s25 =	sand.u32 $0x70, s21;
	v5 =	vadd.f32 v20, v5;
	v23 =	vmul.f32 v27, v2;
	v20 =	vld [tilespmem:s23+$0x16300]  }
0x269: {  	v25 =	vld [tilespmem:s20+$0x0];
	s0 =	sor.u32 s25, s24  }
0x26a: {  	v26 =	vld [tilespmem:s0+$0x14000]  }
0x26b: {  	v27 =	vld [tilespmem:s0+$0x14080]  }
0x26c: {  	v28 =	vld [tilespmem:s0+$0x14100]  }
0x26d: {  	v29 =	vld [tilespmem:s0+$0x14180]  }
0x26e: {  	v30 =	vld [tilespmem:s0+$0x14200]  }
0x26f: {  	v31 =	vld [tilespmem:s0+$0x14280]  }
0x270: {  	v32 =	vld [tilespmem:s0+$0x14300];
	v26 =	vmul.f32 v26, v25  }
0x271: {  	v9 =	vadd.f32 v24, v9;
	v22 =	vmul.f32 v22, v2;
	v36 =	vld [tilespmem:s0+$0x14380];
	v27 =	vmul.f32 v27, v25  }
0x272: {  	v38 =	vld [tilespmem:s0+$0x16000];
	v17 =	vadd.f32 v23, v17;
	v35 =	vmul.f32 v28, v25;
	v15 =	vadd.f32 v26, v15  }
0x273: {  	v40 =	vld [tilespmem:s0+$0x16080];
	v21 =	vmul.f32 v21, v2;
	v37 =	vmul.f32 v29, v25;
	v13 =	vadd.f32 v27, v13  }
0x274: {  	v42 =	vld [tilespmem:s0+$0x16100];
	v16 =	vadd.f32 v22, v16;
	v39 =	vmul.f32 v30, v25;
	v14 =	vadd.f32 v35, v14;
	(xrf2) =	vadd.scan.msk.f32 $0xffff, v15  }
0x275: {  	v44 =	vld [tilespmem:s0+$0x16180];
	v19 =	vmul.f32 v19, v2;
	v41 =	vmul.f32 v31, v25;
	v12 =	vadd.f32 v37, v12;
	(xrf2) =	vadd.scan.msk.f32 $0xffff, v13  }
0x276: {  	v46 =	vld [tilespmem:s0+$0x16200];
	v49 =	vadd.f32 v21, v11;
	v43 =	vmul.f32 v32, v25;
	v10 =	vadd.f32 v39, v10;
	(xrf2) =	vadd.scan.msk.f32 $0xffff, v14  }
0x277: {  	v48 =	vld [tilespmem:s0+$0x16280];
	v18 =	vmul.f32 v18, v2;
	v45 =	vmul.f32 v36, v25;
	v8 =	vadd.f32 v41, v8;
	(xrf2) =	vadd.scan.msk.f32 $0xffff, v12  }
0x278: {  	v51 =	vld [tilespmem:s0+$0x16300];
	v53 =	vadd.f32 v19, v7;
	v47 =	vmul.f32 v38, v25;
	v6 =	vadd.f32 v43, v6;
	(xrf2) =	vadd.scan.msk.f32 $0xffff, v10  }
0x279: {  	v52 =	vld [tilespmem:s0+$0x16380];
	v2 =	vmul.f32 v20, v2;
	v50 =	vmul.f32 v40, v25;
	v5 =	vadd.f32 v45, v5;
	(xrf2) =	vadd.scan.msk.f32 $0xffff, v8  }
0x27a: {  	v4 =	vadd.f32 v18, v4;
	v9 =	vadd.f32 v47, v9;
	v13 =	vmul.f32 v42, v25;
	(xrf2) =	vadd.scan.msk.f32 $0xffff, v6  }
0x27b: {  	v55 =	vmul.f32 v44, v25;
	v54 =	vadd.f32 v50, v17;
	v12 =	vmul.f32 v46, v25;
	(xrf2) =	vadd.scan.msk.f32 $0xffff, v5  }
0x27c: {  	v58 =	vmul.f32 v48, v25;
	v2 =	vadd.f32 v2, v3;
	v56 =	vadd.f32 v13, v16;
	(xrf2) =	vadd.scan.msk.f32 $0xffff, v9  }
0x27d: {  	v59 =	vmul.f32 v51, v25;
	v57 =	vadd.f32 v55, v49;
	v3 =	vadd.f32 v12, v53;
	(xrf2) =	vadd.scan.msk.f32 $0xffff, v54  }
0x27e: {  	v61 =	vmul.f32 v52, v25;
	v4 =	vadd.f32 v58, v4;
	v60, _, _ =	vpop (xrf2);
	(xrf2) =	vadd.scan.msk.f32 $0xffff, v56  }
0x27f: {  	v2 =	vadd.f32 v59, v2;
	(v2sf) =	vpush v60, $0xF;
	v62, _, _ =	vpop (xrf2);
	(xrf2) =	vadd.scan.msk.f32 $0xffff, v57  }
0x280: {  	v1 =	vadd.f32 v61, v1;
	(v2sf) =	vpush v62, $0xF;
	v63, _, _ =	vpop (xrf2);
	(xrf2) =	vadd.scan.msk.f32 $0xffff, v3  }
0x281: {  	(v2sf) =	vpush v63, $0xF;
	v3, _, _ =	vpop (xrf2);
	(xrf2) =	vadd.scan.msk.f32 $0xffff, v4  }
0x282: {  	(v2sf) =	vpush v3, $0xF;
	v3, _, _ =	vpop (xrf2);
	(xrf2) =	vadd.scan.msk.f32 $0xffff, v2  }
0x283: {  	(v2sf) =	vpush v3, $0xF;
	v2, _, _ =	vpop (xrf2);
	(xrf2) =	vadd.scan.msk.f32 $0xffff, v1  }
0x284: {  	v1, _, _ =	vpop (xrf2);
	(v2sf) =	vpush v2, $0xF  }
0x285: {  	v2, _, _ =	vpop (xrf2);
	(v2sf) =	vpush v1, $0xF  }
0x286: {  	v1, _, _ =	vpop (xrf2);
	(v2sf) =	vpush v2, $0xF  }
0x287: {  	v2, _, _ =	vpop (xrf2);
	(v2sf) =	vpush v1, $0xF  }
0x288: {  	v1, _, _ =	vpop (xrf2);
	(v2sf) =	vpush v2, $0xF  }
0x289: {  	v2, _, _ =	vpop (xrf2);
	(v2sf) =	vpush v1, $0xF  }
0x28a: {  	v1, _, _ =	vpop (xrf2);
	(v2sf) =	vpush v2, $0xF  }
0x28b: {  	v2, _, _ =	vpop (xrf2);
	(v2sf) =	vpush v1, $0xF  }
0x28c: {  	v1, _, _ =	vpop (xrf2);
	(v2sf) =	vpush v2, $0xF  }
0x28d: {  	(v2sf) =	vpush v1, $0xF;
	v1, _, _ =	vpop (xrf2)  }
0x28e: {  	s0 =	spop (v2sf);
	(v2sf) =	vpush v1, $0xF  }
0x28f: {  	s2 =	spop (v2sf)  }
0x290: {  	s4 =	spop (v2sf)  }
0x291: {  	s6 =	spop (v2sf)  }
0x292: {  	s11 =	spop (v2sf)  }
0x293: {  	s20 =	spop (v2sf)  }
0x294: {  	s21 =	spop (v2sf)  }
0x295: {  	s22 =	spop (v2sf)  }
0x296: {  	s23 =	spop (v2sf)  }
0x297: {  	s24 =	spop (v2sf)  }
0x298: {  	s25 =	spop (v2sf)  }
0x299: {  	s26 =	spop (v2sf)  }
0x29a: {  	s28 =	spop (v2sf)  }
0x29b: {  	s29 =	spop (v2sf)  }
0x29c: {  	s30 =	spop (v2sf)  }
0x29d: {  	s0 =	smul.f32 s0, s0;
	s31 =	spop (v2sf)  }
0x29e: {  	s31 =	smul.f32 s31, s31  }
0x29f: {  	s2 =	smul.f32 s2, s2  }
0x2a0: {  	s4 =	smul.f32 s4, s4;
	v1 =	vmov s31  }
0x2a1: {  	s28 =	smul.f32 s28, s28;
	v1 =	vsel vm0, s0, v1  }
0x2a2: {  	s31 =	smul.f32 s6, s6;
	v1 =	vsel vm1, s2, v1  }
0x2a3: {  	s6 =	smul.f32 s11, s11;
	v1 =	vsel vm2, s4, v1  }
0x2a4: {  	s11 =	smul.f32 s20, s20;
	v1 =	vsel vm3, s31, v1  }
0x2a5: {  	s20 =	smul.f32 s21, s21;
	v1 =	vsel vm4, s6, v1  }
0x2a6: {  	s21 =	smul.f32 s22, s22;
	v1 =	vsel vm5, s11, v1  }
0x2a7: {  	s22 =	smul.f32 s23, s23;
	v1 =	vsel vm6, s20, v1  }
0x2a8: {  	s23 =	smul.f32 s24, s24;
	v1 =	vsel vm7, s21, v1  }
0x2a9: {  	s24 =	smul.f32 s25, s25;
	v1 =	vsel vm8, s22, v1  }
0x2aa: {  	s25 =	smul.f32 s26, s26;
	s26 =	sadd.s32 $0x50, s19;
	v1 =	vsel vm9, s23, v1  }
0x2ab: {  	s29 =	smul.f32 s29, s29;
	v2 =	vor.u32 s26, v0;
	v1 =	vsel vm10, s24, v1  }
.Ltmp8:
0x2ac: {  	v1 =	vsel vm11, s25, v1;
	(pc) =	sbr.rel @p0 .LBB2_16-.Ltmp8, $4  }
0x2ad: {  	s31 =	smul.f32 s30, s30;
	v1 =	vsel vm12, s28, v1  }
0x2ae: {  	v1 =	vsel vm13, s29, v1  }
0x2af: {  	v1 =	vsel vm14, s31, v1  }
0x2b0: {  	[tilespmem:v2+s15+$0x0] =	vst.idx.msk $0xffff, v1  }
0x2b1: {  	s0 =	smul.u32 $0x18000, s18  }
.Ltmp9:
0x2b2: {  	_ = 	snop;
	(pc) =	sbr.rel .LBB2_2-.Ltmp9, $4  }
0x2b3: {  	s0 =	sadd.s32 s0, s8  }
0x2b4: {  	s0 =	sshrl.u32 s0, $0x3  }
0x2b5: {  	s18 =	sadd.s32 $0x1, s18;
	s0 =	sadd.s32 s1, s0  }
0x2b6: {  	[tilespmem:s13], [sflag:$0x2] =	stream.linear.gather [hbm4b:s0+s3], $0xC000, $0x38;
	[tilespmem:$0x18580] =	vst v63  }
.LBB2_17:
0x2b7: {  	_ =	sfence.sel $0x180000  }
0x2b8: {  	[bflag:$0x0] =	sbarrier.arrive $0xFFFF  }
0x2b9: {  	_ =	strace $0x90000047  }
0x2ba: {  	s0 =	stileid.u32;
	[bflag:$0x2] =	sbarrier.arrive $0xFFFF  }
0x2bb: {  	p0 =	sne.s32 s0, $0x0;
	s0 =	rddreg [dreg:$0x3]  }
0x2bc: {  	s0 =	sadd.s32 @!p0 $0x100000, s0  }
0x2bd: {  	[sflag:s0] =	ssyncadd.tile.s32 @!p0 $0x1;
	_ =	shalt  }
.Lfunc_end2:
_tile_overlayer_lowered:
.L_overlay_start_2:
0x2be: {  	(tag) =	ssettag $0x2  }
0x2bf: {  	s0 =	rddreg [dreg:$0x0];
	s2 =	stileid.u32  }
0x2c0: {  	s1 =	rddreg [dreg:$0x1];
	p0 =	sne.s32 s2, $0x0  }
0x2c1: {  	s3 =	rddreg [dreg:$0x2];
	[bflag:$0x3] =	sbarrier.arrive $0xFFFF;
	s2 =	simm.s32 @!p0 $0x1C03  }
0x2c2: {  	[timem:s3], [sflag:s2] =	dma.local @!p0 [hbm:s0], s1  }
0x2c3: {  	s0 =	simm.s32 @!p0 $0x3  }
0x2c4: {  	_ =	swait.ge @!p0 [sflag:s0], s1  }
0x2c5: {  	s1 =	ssub.s32 @!p0 $0x0, s1;
	[sflag:s0] =	ssyncset.done @!p0 $0x0  }
0x2c6: {  	[sflag:s0] =	ssyncadd.s32 @!p0 s1  }
0x2c7: {  	[bflag:$0x3] =	sbarrier.arrive $0xFFFF  }
0x2c8: {  	_ =	shalt  }

</sc_bundles>
